<compile_context>
chip_gen: v7x
topology: tpu7x:2x2x1
jax: 0.10.2.dev20260603
libtpu: 0.0.44.dev20260713+nightly
codegen_flags: <defaults>
</compile_context>

<pallas_src>
import functools

import jax
import jax.numpy as jnp
from jax import lax
from jax.experimental import pallas as pl
from jax.experimental.pallas import tpu as pltpu
from jax.experimental.pallas import tpu_sc as plsc

N = 10000
D = 128
NPAD = 10112
ROWS_PER_TILE = NPAD // 16
CH = 128
NTILES = 32
EPT = 10240
EPAD = NTILES * EPT
NCHUNK = EPT // CH
DUMMY = N


def _copy_idx(src, off, dst):
    for k in range(CH // 16):
        dst[pl.ds(k * 16, 16)] = src[pl.ds(off + k * 16, 16)]


def _unpack_idx(src, off, gdst, sdst):
    for k in range(CH // 16):
        v = src[pl.ds(off + k * 16, 16)]
        gdst[pl.ds(k * 16, 16)] = v & 0xFFFF
        sdst[pl.ds(k * 16, 16)] = v >> 16


def _hop_body(pk_h, h_h, zeros_h, out_h,
              pkv, gidx0, gidx1, sidx0, sidx1, gbuf0, gbuf1, acc,
              sem0, sem1, ssem0, ssem1):
    cid = lax.axis_index("c")
    sid = lax.axis_index("s")
    tid = cid * 16 + sid
    base = tid * EPT
    r0 = sid * ROWS_PER_TILE

    pltpu.sync_copy(pk_h.at[pl.ds(base, EPT + CH)], pkv)
    pltpu.sync_copy(zeros_h.at[pl.ds(r0, ROWS_PER_TILE)],
                    acc.at[pl.ds(r0, ROWS_PER_TILE)])
    plsc.subcore_barrier()

    _unpack_idx(pkv, 0, gidx0, sidx0)
    pltpu.make_async_copy(h_h.at[gidx0], gbuf0, sem0).start()

    def body(g, carry):
        off1 = (2 * g + 1) * CH
        off2 = (2 * g + 2) * CH
        _unpack_idx(pkv, off1, gidx1, sidx1)
        pltpu.make_async_copy(h_h.at[gidx1], gbuf1, sem1).start()
        pltpu.make_async_copy(h_h.at[gidx0], gbuf0, sem0).wait()
        pltpu.sync_copy(gbuf0, acc.at[sidx0], add=True)
        _unpack_idx(pkv, off2, gidx0, sidx0)
        pltpu.make_async_copy(h_h.at[gidx0], gbuf0, sem0).start()
        pltpu.make_async_copy(h_h.at[gidx1], gbuf1, sem1).wait()
        pltpu.sync_copy(gbuf1, acc.at[sidx1], add=True)
        return carry

    lax.fori_loop(0, NCHUNK // 2, body, 0)
    pltpu.make_async_copy(h_h.at[gidx0], gbuf0, sem0).wait()

    plsc.subcore_barrier()
    pltpu.sync_copy(acc.at[pl.ds(r0, ROWS_PER_TILE)],
                    out_h.at[cid, pl.ds(r0, ROWS_PER_TILE)])


def _make_hop():
    mesh = plsc.VectorSubcoreMesh(core_axis_name="c", subcore_axis_name="s")
    return functools.partial(
        pl.kernel, _hop_body, mesh=mesh,
        out_type=jax.ShapeDtypeStruct((2, NPAD, D), jnp.float32),
        scratch_types=[
            pltpu.VMEM((EPT + CH,), jnp.int32),
            pltpu.VMEM((CH,), jnp.int32),
            pltpu.VMEM((CH,), jnp.int32),
            pltpu.VMEM((CH,), jnp.int32),
            pltpu.VMEM((CH,), jnp.int32),
            pltpu.VMEM((CH, D), jnp.float32),
            pltpu.VMEM((CH, D), jnp.float32),
            pltpu.VMEM_SHARED((NPAD, D), jnp.float32),
            pltpu.SemaphoreType.DMA,
            pltpu.SemaphoreType.DMA,
            pltpu.SemaphoreType.DMA,
            pltpu.SemaphoreType.DMA,
        ],
    )()


def _deg_body(col_h, ones_h, zeros_h, out_h, colv, obuf,
              sidx0, sidx1, sidx2, sidx3, dacc, dsem):
    cid = lax.axis_index("c")
    sid = lax.axis_index("s")
    tid = cid * 16 + sid
    base = tid * EPT
    r0 = sid * ROWS_PER_TILE

    pltpu.sync_copy(col_h.at[pl.ds(base, EPT)], colv)
    pltpu.sync_copy(ones_h, obuf)
    pltpu.sync_copy(zeros_h.at[pl.ds(r0, ROWS_PER_TILE)],
                    dacc.at[pl.ds(r0, ROWS_PER_TILE)])
    plsc.subcore_barrier()

    sidxs = (sidx0, sidx1, sidx2, sidx3)

    def body(g, carry):
        for k in range(4):
            _copy_idx(colv, (4 * g + k) * CH, sidxs[k])
            pltpu.make_async_copy(obuf, dacc.at[sidxs[k]], dsem).start(add=True)
        for k in range(4):
            pltpu.make_async_copy(obuf, dacc.at[sidxs[k]], dsem).wait()
        return carry

    lax.fori_loop(0, NCHUNK // 4, body, 0)

    plsc.subcore_barrier()
    pltpu.sync_copy(dacc.at[pl.ds(r0, ROWS_PER_TILE)],
                    out_h.at[cid, pl.ds(r0, ROWS_PER_TILE)])


def _make_deg():
    mesh = plsc.VectorSubcoreMesh(core_axis_name="c", subcore_axis_name="s")
    return functools.partial(
        pl.kernel, _deg_body, mesh=mesh,
        out_type=jax.ShapeDtypeStruct((2, NPAD, D), jnp.float32),
        scratch_types=[
            pltpu.VMEM((EPT,), jnp.int32),
            pltpu.VMEM((CH, D), jnp.float32),
            pltpu.VMEM((CH,), jnp.int32),
            pltpu.VMEM((CH,), jnp.int32),
            pltpu.VMEM((CH,), jnp.int32),
            pltpu.VMEM((CH,), jnp.int32),
            pltpu.VMEM_SHARED((NPAD, D), jnp.float32),
            pltpu.SemaphoreType.DMA,
        ],
    )()



_RB = 2528


def _dinv_block(degs_a, degs_b):
    deg = degs_a[...][0, :, 0:1] + degs_b[...][0, :, 0:1] + 1.0
    return lax.rsqrt(deg), deg


def _prep_body(dega_r, degb_r, x_r, y0_r):
    dinv, _ = _dinv_block(dega_r, degb_r)
    y0_r[...] = x_r[...] * dinv


def _tc_prep(dega, degb, x):
    return pl.pallas_call(
        _prep_body,
        grid=(NPAD // _RB,),
        in_specs=[
            pl.BlockSpec((1, _RB, D), lambda i: (0, i, 0)),
            pl.BlockSpec((1, _RB, D), lambda i: (1, i, 0)),
            pl.BlockSpec((_RB, D), lambda i: (i, 0)),
        ],
        out_specs=pl.BlockSpec((_RB, D), lambda i: (i, 0)),
        out_shape=jax.ShapeDtypeStruct((NPAD, D), jnp.float32),
    )(dega, degb, x)


def _mid_body(dega_r, degb_r, za_r, zb_r, y0_r, y1_r):
    _, deg = _dinv_block(dega_r, degb_r)
    y1_r[...] = (za_r[...][0] + zb_r[...][0] + y0_r[...]) / deg


def _tc_mid(dega, degb, za, zb, y0):
    return pl.pallas_call(
        _mid_body,
        grid=(NPAD // _RB,),
        in_specs=[
            pl.BlockSpec((1, _RB, D), lambda i: (0, i, 0)),
            pl.BlockSpec((1, _RB, D), lambda i: (1, i, 0)),
            pl.BlockSpec((1, _RB, D), lambda i: (0, i, 0)),
            pl.BlockSpec((1, _RB, D), lambda i: (1, i, 0)),
            pl.BlockSpec((_RB, D), lambda i: (i, 0)),
        ],
        out_specs=pl.BlockSpec((_RB, D), lambda i: (i, 0)),
        out_shape=jax.ShapeDtypeStruct((NPAD, D), jnp.float32),
    )(dega, degb, za, zb, y0)


def _final_body(dega_r, degb_r, za_r, zb_r, y1_r, w_r, b_r, out_r):
    dinv, _ = _dinv_block(dega_r, degb_r)
    h = (za_r[...][0] + zb_r[...][0] + y1_r[...]) * dinv
    out_r[...] = lax.dot_general(
        h, w_r[...], (((1,), (1,)), ((), ())),
        preferred_element_type=jnp.float32) + b_r[...]


def _tc_final(dega, degb, za, zb, y1, W, b2):
    return pl.pallas_call(
        _final_body,
        grid=(NPAD // _RB,),
        in_specs=[
            pl.BlockSpec((1, _RB, D), lambda i: (0, i, 0)),
            pl.BlockSpec((1, _RB, D), lambda i: (1, i, 0)),
            pl.BlockSpec((1, _RB, D), lambda i: (0, i, 0)),
            pl.BlockSpec((1, _RB, D), lambda i: (1, i, 0)),
            pl.BlockSpec((_RB, D), lambda i: (i, 0)),
            pl.BlockSpec((D, D), lambda i: (0, 0)),
            pl.BlockSpec((1, D), lambda i: (0, 0)),
        ],
        out_specs=pl.BlockSpec((_RB, D), lambda i: (i, 0)),
        out_shape=jax.ShapeDtypeStruct((NPAD, D), jnp.float32),
    )(dega, degb, za, zb, y1, W, b2)


@jax.jit
def _run(x, edge_index, W, b):
    row = edge_index[0]
    col = edge_index[1]
    e = row.shape[0]
    pad = EPAD - e + CH
    fill = N + jnp.arange(pad, dtype=jnp.int32) % (NPAD - N)
    col_p = jnp.concatenate([col, fill])
    row_p = jnp.concatenate([row, fill])
    pk_p = (row_p << 16) | col_p

    x_p = jnp.pad(x, ((0, NPAD - N), (0, 0)))
    zeros = jnp.zeros((NPAD, D), jnp.float32)
    ones = jnp.ones((CH, D), jnp.float32)

    degs = _make_deg()(col_p, ones, zeros)

    y0 = _tc_prep(degs, degs, x_p)
    z1 = _make_hop()(pk_p, y0, zeros)
    y1 = _tc_mid(degs, degs, z1, z1, y0)
    z2 = _make_hop()(pk_p, y1, zeros)
    out = _tc_final(degs, degs, z2, z2, y1, W, b.reshape(1, D))
    return out[:N]


def kernel(x, edge_index, W, b):
    return _run(x, edge_index, W, b)

# --- scband reference (transcript-rebuilt; emitter-appended) ---
"""Pipeline reference for scband-sgc-45483703665400 (READ-ONLY COPY).

The authoritative reference and input builder live on the scoring server;
editing this copy changes nothing except your own understanding.
"""

import jax, jax.numpy as jnp
import numpy as np

N = 10000
E = 320000
D_IN = 128
D_OUT = 128
K_HOPS = 2


def setup_inputs(seed: int = 0) -> dict:
    key = jax.random.key(seed)
    k1, k2, k3, k4 = jax.random.split(key, 4)
    x = jax.random.normal(k1, (N, D_IN), dtype=jnp.float32)
    edge_index = jax.random.randint(k2, (2, E), 0, N, dtype=jnp.int32)
    # nn.Linear(in_channels, out_channels): W [out, in], b [out]
    bound = 1.0 / np.sqrt(D_IN)
    W = jax.random.uniform(k3, (D_OUT, D_IN), dtype=jnp.float32, minval=-bound, maxval=bound)
    b = jax.random.uniform(k4, (D_OUT,), dtype=jnp.float32, minval=-bound, maxval=bound)
    return {"x": x, "edge_index": edge_index, "W": W, "b": b}


def reference(x, edge_index, W, b):
    n = x.shape[0]
    # add_self_loops
    loops = jnp.arange(n, dtype=edge_index.dtype)
    ei = jnp.concatenate([edge_index, jnp.stack([loops, loops], axis=0)], axis=1)
    row, col = ei[0], ei[1]
    # degree of col (dst)
    deg = jnp.zeros((n,), dtype=x.dtype).at[col].add(1.0)
    deg_inv_sqrt = jnp.where(deg > 0, jax.lax.rsqrt(jnp.maximum(deg, 1e-30)), 0.0)
    norm = deg_inv_sqrt[row] * deg_inv_sqrt[col]
    # K-hop sparse propagation: out[row] += norm * h[col]
    h = x
    for _ in range(K_HOPS):
        msgs = norm[:, None] * jnp.take(h, col, axis=0)
        h = jax.ops.segment_sum(msgs, row, num_segments=n)
    # linear
    out = h @ W.T + b
    return out

if __name__ == "__main__":
    import jax
    _d = setup_inputs()
    print(jax.jit(kernel)(*tuple(_d.values())))

</pallas_src>

<mosaic_0001>
#map = affine_map<(d0, d1) -> (0)>
#map1 = affine_map<(d0, d1) -> (0, 0)>
#map2 = affine_map<(d0, d1) -> (0, 0, 0)>
module attributes {stable_mosaic.version = 14 : i64} {
  func.func @_deg_body(%arg0: i32, %arg1: i32, %arg2: memref<327808xi32, #tpu.memory_space<hbm>>, %arg3: memref<128x128xf32, #tpu.memory_space<hbm>>, %arg4: memref<10112x128xf32, #tpu.memory_space<hbm>>, %arg5: memref<2x10112x128xf32, #tpu.memory_space<hbm>>, %arg6: memref<10240xi32, #tpu.memory_space<vmem>>, %arg7: memref<128x128xf32, #tpu.memory_space<vmem>>, %arg8: memref<128xi32, #tpu.memory_space<vmem>>, %arg9: memref<128xi32, #tpu.memory_space<vmem>>, %arg10: memref<128xi32, #tpu.memory_space<vmem>>, %arg11: memref<128xi32, #tpu.memory_space<vmem>>, %arg12: memref<10112x128xf32, #tpu.memory_space<vmem_shared>>, %arg13: memref<!tpu.dma_semaphore, #tpu.memory_space<semaphore_mem>>) attributes {dimension_semantics = [#tpu.dimension_semantics<core_parallel>, #tpu.dimension_semantics<subcore_parallel>], iteration_bounds = array<i64: 2, 16>, scalar_prefetch = 0 : i64, scratch_operands = 8 : i64, tpu.core_type = #tpu.core_type<sc_vector_subcore>, window_params = [{transform_indices = #map}, {transform_indices = #map1}, {transform_indices = #map1}, {transform_indices = #map2}]} {
    %mul3A = arith.constant 16 : i32
    %mul3A_0 = arith.muli %arg0, %mul3A : i32
    %add3A = arith.addi %mul3A_0, %arg1 : i32
    %mul3A_1 = arith.constant 10240 : i32
    %mul3A_2 = arith.muli %add3A, %mul3A_1 : i32
    %mul3A_3 = arith.constant 632 : i32
    %mul3A_4 = arith.muli %arg1, %mul3A_3 : i32
    "tpu.region"() ({
      %run_scoped3A = tpu.sem_alloc : memref<!tpu.dma_semaphore, #tpu.memory_space<semaphore_mem>>
      %dma_start3A = tpu.memref_slice %arg2[%mul3A_2] : memref<327808xi32, #tpu.memory_space<hbm>> -> memref<10240xi32, #tpu.memory_space<hbm>>
      %dma_start3A_11 = tpu.memref_slice %arg2[%mul3A_2] : memref<327808xi32, #tpu.memory_space<hbm>> -> memref<10240xi32, #tpu.memory_space<hbm>>
      tpu.enqueue_dma source(%dma_start3A_11 : memref<10240xi32, #tpu.memory_space<hbm>>) target(%arg6 : memref<10240xi32, #tpu.memory_space<vmem>>) target_semaphore(%run_scoped3A : memref<!tpu.dma_semaphore, #tpu.memory_space<semaphore_mem>>)
      %dma_wait3A = tpu.memref_slice %arg2[%mul3A_2] : memref<327808xi32, #tpu.memory_space<hbm>> -> memref<10240xi32, #tpu.memory_space<hbm>>
      %dma_wait3A_12 = tpu.memref_slice %arg2[%mul3A_2] : memref<327808xi32, #tpu.memory_space<hbm>> -> memref<10240xi32, #tpu.memory_space<hbm>>
      tpu.wait_dma2 semaphore(%run_scoped3A : memref<!tpu.dma_semaphore, #tpu.memory_space<semaphore_mem>>) src(%dma_wait3A_12 : memref<10240xi32, #tpu.memory_space<hbm>>) dst(%arg6 : memref<10240xi32, #tpu.memory_space<vmem>>)
      tpu.yield
    }) : () -> ()
    "tpu.region"() ({
      %run_scoped3A = tpu.sem_alloc : memref<!tpu.dma_semaphore, #tpu.memory_space<semaphore_mem>>
      tpu.enqueue_dma source(%arg3 : memref<128x128xf32, #tpu.memory_space<hbm>>) target(%arg7 : memref<128x128xf32, #tpu.memory_space<vmem>>) target_semaphore(%run_scoped3A : memref<!tpu.dma_semaphore, #tpu.memory_space<semaphore_mem>>)
      tpu.wait_dma2 semaphore(%run_scoped3A : memref<!tpu.dma_semaphore, #tpu.memory_space<semaphore_mem>>) src(%arg3 : memref<128x128xf32, #tpu.memory_space<hbm>>) dst(%arg7 : memref<128x128xf32, #tpu.memory_space<vmem>>)
      tpu.yield
    }) : () -> ()
    "tpu.region"() ({
      %run_scoped3A = tpu.sem_alloc : memref<!tpu.dma_semaphore, #tpu.memory_space<semaphore_mem>>
      %dma_start3A = arith.constant 0 : i32
      %dma_start3A_11 = tpu.memref_slice %arg12[%mul3A_4, %dma_start3A] : memref<10112x128xf32, #tpu.memory_space<vmem_shared>> -> memref<632x128xf32, #tpu.memory_space<vmem_shared>>
      %dma_start3A_12 = arith.constant 0 : i32
      %dma_start3A_13 = tpu.memref_slice %arg4[%mul3A_4, %dma_start3A_12] : memref<10112x128xf32, #tpu.memory_space<hbm>> -> memref<632x128xf32, #tpu.memory_space<hbm>>
      tpu.enqueue_dma source(%dma_start3A_13 : memref<632x128xf32, #tpu.memory_space<hbm>>) target(%dma_start3A_11 : memref<632x128xf32, #tpu.memory_space<vmem_shared>>) target_semaphore(%run_scoped3A : memref<!tpu.dma_semaphore, #tpu.memory_space<semaphore_mem>>)
      %dma_wait3A = arith.constant 0 : i32
      %dma_wait3A_14 = tpu.memref_slice %arg12[%mul3A_4, %dma_wait3A] : memref<10112x128xf32, #tpu.memory_space<vmem_shared>> -> memref<632x128xf32, #tpu.memory_space<vmem_shared>>
      %dma_wait3A_15 = arith.constant 0 : i32
      %dma_wait3A_16 = tpu.memref_slice %arg4[%mul3A_4, %dma_wait3A_15] : memref<10112x128xf32, #tpu.memory_space<hbm>> -> memref<632x128xf32, #tpu.memory_space<hbm>>
      tpu.wait_dma2 semaphore(%run_scoped3A : memref<!tpu.dma_semaphore, #tpu.memory_space<semaphore_mem>>) src(%dma_wait3A_16 : memref<632x128xf32, #tpu.memory_space<hbm>>) dst(%dma_wait3A_14 : memref<632x128xf32, #tpu.memory_space<vmem_shared>>)
      tpu.yield
    }) : () -> ()
    %barrier3A = arith.constant 0 : index
    tpu.barrier barrier_id(%barrier3A)
    %scan3A = arith.constant 0 : i32
    %scan3A_5 = arith.constant 0 : i32
    %scan3A_6 = arith.constant 20 : i32
    %scan3A_7 = arith.addi %scan3A_5, %scan3A_6 : i32
    %scan3A_8 = arith.constant 1 : i32
    scf.for %scan3A_11 = %scan3A_5 to %scan3A_7 step %scan3A_8  : i32 {
      %mul3A_12 = arith.constant 4 : i32
      %mul3A_13 = arith.muli %mul3A_12, %scan3A_11 : i32
      %add3A_14 = arith.constant 0 : i32
      %add3A_15 = arith.addi %mul3A_13, %add3A_14 : i32
      %mul3A_16 = arith.constant 128 : i32
      %mul3A_17 = arith.muli %add3A_15, %mul3A_16 : i32
      %add3A_18 = arith.constant 0 : i32
      %add3A_19 = arith.addi %mul3A_17, %add3A_18 : i32
      %get3A = arith.index_cast %add3A_19 : i32 to index
      %get3A_20 = tpu.vector_load %arg6[%get3A] {strides = array<i32>} : memref<10240xi32, #tpu.memory_space<vmem>>, vector<16xi32>,
      %get3A_21 = vector.shape_cast %get3A_20 : vector<16xi32> to vector<16xi32>
      %swap3A = arith.constant 0 : index
      %swap3A_22 = tpu.vector_load %arg8[%swap3A] {strides = array<i32>} : memref<128xi32, #tpu.memory_space<vmem>>, vector<16xi32>,
      %swap3A_23 = vector.shape_cast %swap3A_22 : vector<16xi32> to vector<16xi32>
      %swap3A_24 = vector.shape_cast %get3A_21 : vector<16xi32> to vector<16xi32>
      tpu.vector_store %arg8[%swap3A], %swap3A_24 {strides = array<i32>} : memref<128xi32, #tpu.memory_space<vmem>>, vector<16xi32>,
      %add3A_25 = arith.constant 16 : i32
      %add3A_26 = arith.addi %mul3A_17, %add3A_25 : i32
      %get3A_27 = arith.index_cast %add3A_26 : i32 to index
      %get3A_28 = tpu.vector_load %arg6[%get3A_27] {strides = array<i32>} : memref<10240xi32, #tpu.memory_space<vmem>>, vector<16xi32>,
      %get3A_29 = vector.shape_cast %get3A_28 : vector<16xi32> to vector<16xi32>
      %swap3A_30 = arith.constant 16 : index
      %swap3A_31 = tpu.vector_load %arg8[%swap3A_30] {strides = array<i32>} : memref<128xi32, #tpu.memory_space<vmem>>, vector<16xi32>,
      %swap3A_32 = vector.shape_cast %swap3A_31 : vector<16xi32> to vector<16xi32>
      %swap3A_33 = vector.shape_cast %get3A_29 : vector<16xi32> to vector<16xi32>
      tpu.vector_store %arg8[%swap3A_30], %swap3A_33 {strides = array<i32>} : memref<128xi32, #tpu.memory_space<vmem>>, vector<16xi32>,
      %add3A_34 = arith.constant 32 : i32
      %add3A_35 = arith.addi %mul3A_17, %add3A_34 : i32
      %get3A_36 = arith.index_cast %add3A_35 : i32 to index
      %get3A_37 = tpu.vector_load %arg6[%get3A_36] {strides = array<i32>} : memref<10240xi32, #tpu.memory_space<vmem>>, vector<16xi32>,
      %get3A_38 = vector.shape_cast %get3A_37 : vector<16xi32> to vector<16xi32>
      %swap3A_39 = arith.constant 32 : index
      %swap3A_40 = tpu.vector_load %arg8[%swap3A_39] {strides = array<i32>} : memref<128xi32, #tpu.memory_space<vmem>>, vector<16xi32>,
      %swap3A_41 = vector.shape_cast %swap3A_40 : vector<16xi32> to vector<16xi32>
      %swap3A_42 = vector.shape_cast %get3A_38 : vector<16xi32> to vector<16xi32>
      tpu.vector_store %arg8[%swap3A_39], %swap3A_42 {strides = array<i32>} : memref<128xi32, #tpu.memory_space<vmem>>, vector<16xi32>,
      %add3A_43 = arith.constant 48 : i32
      %add3A_44 = arith.addi %mul3A_17, %add3A_43 : i32
      %get3A_45 = arith.index_cast %add3A_44 : i32 to index
      %get3A_46 = tpu.vector_load %arg6[%get3A_45] {strides = array<i32>} : memref<10240xi32, #tpu.memory_space<vmem>>, vector<16xi32>,
      %get3A_47 = vector.shape_cast %get3A_46 : vector<16xi32> to vector<16xi32>
      %swap3A_48 = arith.constant 48 : index
      %swap3A_49 = tpu.vector_load %arg8[%swap3A_48] {strides = array<i32>} : memref<128xi32, #tpu.memory_space<vmem>>, vector<16xi32>,
      %swap3A_50 = vector.shape_cast %swap3A_49 : vector<16xi32> to vector<16xi32>
      %swap3A_51 = vector.shape_cast %get3A_47 : vector<16xi32> to vector<16xi32>
      tpu.vector_store %arg8[%swap3A_48], %swap3A_51 {strides = array<i32>} : memref<128xi32, #tpu.memory_space<vmem>>, vector<16xi32>,
      %add3A_52 = arith.constant 64 : i32
      %add3A_53 = arith.addi %mul3A_17, %add3A_52 : i32
      %get3A_54 = arith.index_cast %add3A_53 : i32 to index
      %get3A_55 = tpu.vector_load %arg6[%get3A_54] {strides = array<i32>} : memref<10240xi32, #tpu.memory_space<vmem>>, vector<16xi32>,
      %get3A_56 = vector.shape_cast %get3A_55 : vector<16xi32> to vector<16xi32>
      %swap3A_57 = arith.constant 64 : index
      %swap3A_58 = tpu.vector_load %arg8[%swap3A_57] {strides = array<i32>} : memref<128xi32, #tpu.memory_space<vmem>>, vector<16xi32>,
      %swap3A_59 = vector.shape_cast %swap3A_58 : vector<16xi32> to vector<16xi32>
      %swap3A_60 = vector.shape_cast %get3A_56 : vector<16xi32> to vector<16xi32>
      tpu.vector_store %arg8[%swap3A_57], %swap3A_60 {strides = array<i32>} : memref<128xi32, #tpu.memory_space<vmem>>, vector<16xi32>,
      %add3A_61 = arith.constant 80 : i32
      %add3A_62 = arith.addi %mul3A_17, %add3A_61 : i32
      %get3A_63 = arith.index_cast %add3A_62 : i32 to index
      %get3A_64 = tpu.vector_load %arg6[%get3A_63] {strides = array<i32>} : memref<10240xi32, #tpu.memory_space<vmem>>, vector<16xi32>,
      %get3A_65 = vector.shape_cast %get3A_64 : vector<16xi32> to vector<16xi32>
      %swap3A_66 = arith.constant 80 : index
      %swap3A_67 = tpu.vector_load %arg8[%swap3A_66] {strides = array<i32>} : memref<128xi32, #tpu.memory_space<vmem>>, vector<16xi32>,
      %swap3A_68 = vector.shape_cast %swap3A_67 : vector<16xi32> to vector<16xi32>
      %swap3A_69 = vector.shape_cast %get3A_65 : vector<16xi32> to vector<16xi32>
      tpu.vector_store %arg8[%swap3A_66], %swap3A_69 {strides = array<i32>} : memref<128xi32, #tpu.memory_space<vmem>>, vector<16xi32>,
      %add3A_70 = arith.constant 96 : i32
      %add3A_71 = arith.addi %mul3A_17, %add3A_70 : i32
      %get3A_72 = arith.index_cast %add3A_71 : i32 to index
      %get3A_73 = tpu.vector_load %arg6[%get3A_72] {strides = array<i32>} : memref<10240xi32, #tpu.memory_space<vmem>>, vector<16xi32>,
      %get3A_74 = vector.shape_cast %get3A_73 : vector<16xi32> to vector<16xi32>
      %swap3A_75 = arith.constant 96 : index
      %swap3A_76 = tpu.vector_load %arg8[%swap3A_75] {strides = array<i32>} : memref<128xi32, #tpu.memory_space<vmem>>, vector<16xi32>,
      %swap3A_77 = vector.shape_cast %swap3A_76 : vector<16xi32> to vector<16xi32>
      %swap3A_78 = vector.shape_cast %get3A_74 : vector<16xi32> to vector<16xi32>
      tpu.vector_store %arg8[%swap3A_75], %swap3A_78 {strides = array<i32>} : memref<128xi32, #tpu.memory_space<vmem>>, vector<16xi32>,
      %add3A_79 = arith.constant 112 : i32
      %add3A_80 = arith.addi %mul3A_17, %add3A_79 : i32
      %get3A_81 = arith.index_cast %add3A_80 : i32 to index
      %get3A_82 = tpu.vector_load %arg6[%get3A_81] {strides = array<i32>} : memref<10240xi32, #tpu.memory_space<vmem>>, vector<16xi32>,
      %get3A_83 = vector.shape_cast %get3A_82 : vector<16xi32> to vector<16xi32>
      %swap3A_84 = arith.constant 112 : index
      %swap3A_85 = tpu.vector_load %arg8[%swap3A_84] {strides = array<i32>} : memref<128xi32, #tpu.memory_space<vmem>>, vector<16xi32>,
      %swap3A_86 = vector.shape_cast %swap3A_85 : vector<16xi32> to vector<16xi32>
      %swap3A_87 = vector.shape_cast %get3A_83 : vector<16xi32> to vector<16xi32>
      tpu.vector_store %arg8[%swap3A_84], %swap3A_87 {strides = array<i32>} : memref<128xi32, #tpu.memory_space<vmem>>, vector<16xi32>,
      %dma_start3A = arith.constant 0 : i32
      %dma_start3A_88 = arith.constant 0 : i32
      %dma_start3A_89 = tpu.memref_slice %arg12[%dma_start3A, %dma_start3A_88] : memref<10112x128xf32, #tpu.memory_space<vmem_shared>> -> memref<10112x128xf32, #tpu.memory_space<vmem_shared>>
      tpu.enqueue_indirect_dma source(%arg7 : memref<128x128xf32, #tpu.memory_space<vmem>>) target(%dma_start3A_89 : memref<10112x128xf32, #tpu.memory_space<vmem_shared>>) offsets(%arg8 : memref<128xi32, #tpu.memory_space<vmem>>) semaphore(%arg13 : memref<!tpu.dma_semaphore, #tpu.memory_space<semaphore_mem>>) {add = true}
      %mul3A_90 = arith.constant 4 : i32
      %mul3A_91 = arith.muli %mul3A_90, %scan3A_11 : i32
      %add3A_92 = arith.constant 1 : i32
      %add3A_93 = arith.addi %mul3A_91, %add3A_92 : i32
      %mul3A_94 = arith.constant 128 : i32
      %mul3A_95 = arith.muli %add3A_93, %mul3A_94 : i32
      %add3A_96 = arith.constant 0 : i32
      %add3A_97 = arith.addi %mul3A_95, %add3A_96 : i32
      %get3A_98 = arith.index_cast %add3A_97 : i32 to index
      %get3A_99 = tpu.vector_load %arg6[%get3A_98] {strides = array<i32>} : memref<10240xi32, #tpu.memory_space<vmem>>, vector<16xi32>,
      %get3A_100 = vector.shape_cast %get3A_99 : vector<16xi32> to vector<16xi32>
      %swap3A_101 = arith.constant 0 : index
      %swap3A_102 = tpu.vector_load %arg9[%swap3A_101] {strides = array<i32>} : memref<128xi32, #tpu.memory_space<vmem>>, vector<16xi32>,
      %swap3A_103 = vector.shape_cast %swap3A_102 : vector<16xi32> to vector<16xi32>
      %swap3A_104 = vector.shape_cast %get3A_100 : vector<16xi32> to vector<16xi32>
      tpu.vector_store %arg9[%swap3A_101], %swap3A_104 {strides = array<i32>} : memref<128xi32, #tpu.memory_space<vmem>>, vector<16xi32>,
      %add3A_105 = arith.constant 16 : i32
      %add3A_106 = arith.addi %mul3A_95, %add3A_105 : i32
      %get3A_107 = arith.index_cast %add3A_106 : i32 to index
      %get3A_108 = tpu.vector_load %arg6[%get3A_107] {strides = array<i32>} : memref<10240xi32, #tpu.memory_space<vmem>>, vector<16xi32>,
      %get3A_109 = vector.shape_cast %get3A_108 : vector<16xi32> to vector<16xi32>
      %swap3A_110 = arith.constant 16 : index
      %swap3A_111 = tpu.vector_load %arg9[%swap3A_110] {strides = array<i32>} : memref<128xi32, #tpu.memory_space<vmem>>, vector<16xi32>,
      %swap3A_112 = vector.shape_cast %swap3A_111 : vector<16xi32> to vector<16xi32>
      %swap3A_113 = vector.shape_cast %get3A_109 : vector<16xi32> to vector<16xi32>
      tpu.vector_store %arg9[%swap3A_110], %swap3A_113 {strides = array<i32>} : memref<128xi32, #tpu.memory_space<vmem>>, vector<16xi32>,
      %add3A_114 = arith.constant 32 : i32
      %add3A_115 = arith.addi %mul3A_95, %add3A_114 : i32
      %get3A_116 = arith.index_cast %add3A_115 : i32 to index
      %get3A_117 = tpu.vector_load %arg6[%get3A_116] {strides = array<i32>} : memref<10240xi32, #tpu.memory_space<vmem>>, vector<16xi32>,
      %get3A_118 = vector.shape_cast %get3A_117 : vector<16xi32> to vector<16xi32>
      %swap3A_119 = arith.constant 32 : index
      %swap3A_120 = tpu.vector_load %arg9[%swap3A_119] {strides = array<i32>} : memref<128xi32, #tpu.memory_space<vmem>>, vector<16xi32>,
      %swap3A_121 = vector.shape_cast %swap3A_120 : vector<16xi32> to vector<16xi32>
      %swap3A_122 = vector.shape_cast %get3A_118 : vector<16xi32> to vector<16xi32>
      tpu.vector_store %arg9[%swap3A_119], %swap3A_122 {strides = array<i32>} : memref<128xi32, #tpu.memory_space<vmem>>, vector<16xi32>,
      %add3A_123 = arith.constant 48 : i32
      %add3A_124 = arith.addi %mul3A_95, %add3A_123 : i32
      %get3A_125 = arith.index_cast %add3A_124 : i32 to index
      %get3A_126 = tpu.vector_load %arg6[%get3A_125] {strides = array<i32>} : memref<10240xi32, #tpu.memory_space<vmem>>, vector<16xi32>,
      %get3A_127 = vector.shape_cast %get3A_126 : vector<16xi32> to vector<16xi32>
      %swap3A_128 = arith.constant 48 : index
      %swap3A_129 = tpu.vector_load %arg9[%swap3A_128] {strides = array<i32>} : memref<128xi32, #tpu.memory_space<vmem>>, vector<16xi32>,
      %swap3A_130 = vector.shape_cast %swap3A_129 : vector<16xi32> to vector<16xi32>
      %swap3A_131 = vector.shape_cast %get3A_127 : vector<16xi32> to vector<16xi32>
      tpu.vector_store %arg9[%swap3A_128], %swap3A_131 {strides = array<i32>} : memref<128xi32, #tpu.memory_space<vmem>>, vector<16xi32>,
      %add3A_132 = arith.constant 64 : i32
      %add3A_133 = arith.addi %mul3A_95, %add3A_132 : i32
      %get3A_134 = arith.index_cast %add3A_133 : i32 to index
      %get3A_135 = tpu.vector_load %arg6[%get3A_134] {strides = array<i32>} : memref<10240xi32, #tpu.memory_space<vmem>>, vector<16xi32>,
      %get3A_136 = vector.shape_cast %get3A_135 : vector<16xi32> to vector<16xi32>
      %swap3A_137 = arith.constant 64 : index
      %swap3A_138 = tpu.vector_load %arg9[%swap3A_137] {strides = array<i32>} : memref<128xi32, #tpu.memory_space<vmem>>, vector<16xi32>,
      %swap3A_139 = vector.shape_cast %swap3A_138 : vector<16xi32> to vector<16xi32>
      %swap3A_140 = vector.shape_cast %get3A_136 : vector<16xi32> to vector<16xi32>
      tpu.vector_store %arg9[%swap3A_137], %swap3A_140 {strides = array<i32>} : memref<128xi32, #tpu.memory_space<vmem>>, vector<16xi32>,
      %add3A_141 = arith.constant 80 : i32
      %add3A_142 = arith.addi %mul3A_95, %add3A_141 : i32
      %get3A_143 = arith.index_cast %add3A_142 : i32 to index
      %get3A_144 = tpu.vector_load %arg6[%get3A_143] {strides = array<i32>} : memref<10240xi32, #tpu.memory_space<vmem>>, vector<16xi32>,
      %get3A_145 = vector.shape_cast %get3A_144 : vector<16xi32> to vector<16xi32>
      %swap3A_146 = arith.constant 80 : index
      %swap3A_147 = tpu.vector_load %arg9[%swap3A_146] {strides = array<i32>} : memref<128xi32, #tpu.memory_space<vmem>>, vector<16xi32>,
      %swap3A_148 = vector.shape_cast %swap3A_147 : vector<16xi32> to vector<16xi32>
      %swap3A_149 = vector.shape_cast %get3A_145 : vector<16xi32> to vector<16xi32>
      tpu.vector_store %arg9[%swap3A_146], %swap3A_149 {strides = array<i32>} : memref<128xi32, #tpu.memory_space<vmem>>, vector<16xi32>,
      %add3A_150 = arith.constant 96 : i32
      %add3A_151 = arith.addi %mul3A_95, %add3A_150 : i32
      %get3A_152 = arith.index_cast %add3A_151 : i32 to index
      %get3A_153 = tpu.vector_load %arg6[%get3A_152] {strides = array<i32>} : memref<10240xi32, #tpu.memory_space<vmem>>, vector<16xi32>,
      %get3A_154 = vector.shape_cast %get3A_153 : vector<16xi32> to vector<16xi32>
      %swap3A_155 = arith.constant 96 : index
      %swap3A_156 = tpu.vector_load %arg9[%swap3A_155] {strides = array<i32>} : memref<128xi32, #tpu.memory_space<vmem>>, vector<16xi32>,
      %swap3A_157 = vector.shape_cast %swap3A_156 : vector<16xi32> to vector<16xi32>
      %swap3A_158 = vector.shape_cast %get3A_154 : vector<16xi32> to vector<16xi32>
      tpu.vector_store %arg9[%swap3A_155], %swap3A_158 {strides = array<i32>} : memref<128xi32, #tpu.memory_space<vmem>>, vector<16xi32>,
      %add3A_159 = arith.constant 112 : i32
      %add3A_160 = arith.addi %mul3A_95, %add3A_159 : i32
      %get3A_161 = arith.index_cast %add3A_160 : i32 to index
      %get3A_162 = tpu.vector_load %arg6[%get3A_161] {strides = array<i32>} : memref<10240xi32, #tpu.memory_space<vmem>>, vector<16xi32>,
      %get3A_163 = vector.shape_cast %get3A_162 : vector<16xi32> to vector<16xi32>
      %swap3A_164 = arith.constant 112 : index
      %swap3A_165 = tpu.vector_load %arg9[%swap3A_164] {strides = array<i32>} : memref<128xi32, #tpu.memory_space<vmem>>, vector<16xi32>,
      %swap3A_166 = vector.shape_cast %swap3A_165 : vector<16xi32> to vector<16xi32>
      %swap3A_167 = vector.shape_cast %get3A_163 : vector<16xi32> to vector<16xi32>
      tpu.vector_store %arg9[%swap3A_164], %swap3A_167 {strides = array<i32>} : memref<128xi32, #tpu.memory_space<vmem>>, vector<16xi32>,
      %dma_start3A_168 = arith.constant 0 : i32
      %dma_start3A_169 = arith.constant 0 : i32
      %dma_start3A_170 = tpu.memref_slice %arg12[%dma_start3A_168, %dma_start3A_169] : memref<10112x128xf32, #tpu.memory_space<vmem_shared>> -> memref<10112x128xf32, #tpu.memory_space<vmem_shared>>
      tpu.enqueue_indirect_dma source(%arg7 : memref<128x128xf32, #tpu.memory_space<vmem>>) target(%dma_start3A_170 : memref<10112x128xf32, #tpu.memory_space<vmem_shared>>) offsets(%arg9 : memref<128xi32, #tpu.memory_space<vmem>>) semaphore(%arg13 : memref<!tpu.dma_semaphore, #tpu.memory_space<semaphore_mem>>) {add = true}
      %mul3A_171 = arith.constant 4 : i32
      %mul3A_172 = arith.muli %mul3A_171, %scan3A_11 : i32
      %add3A_173 = arith.constant 2 : i32
      %add3A_174 = arith.addi %mul3A_172, %add3A_173 : i32
      %mul3A_175 = arith.constant 128 : i32
      %mul3A_176 = arith.muli %add3A_174, %mul3A_175 : i32
      %add3A_177 = arith.constant 0 : i32
      %add3A_178 = arith.addi %mul3A_176, %add3A_177 : i32
      %get3A_179 = arith.index_cast %add3A_178 : i32 to index
      %get3A_180 = tpu.vector_load %arg6[%get3A_179] {strides = array<i32>} : memref<10240xi32, #tpu.memory_space<vmem>>, vector<16xi32>,
      %get3A_181 = vector.shape_cast %get3A_180 : vector<16xi32> to vector<16xi32>
      %swap3A_182 = arith.constant 0 : index
      %swap3A_183 = tpu.vector_load %arg10[%swap3A_182] {strides = array<i32>} : memref<128xi32, #tpu.memory_space<vmem>>, vector<16xi32>,
      %swap3A_184 = vector.shape_cast %swap3A_183 : vector<16xi32> to vector<16xi32>
      %swap3A_185 = vector.shape_cast %get3A_181 : vector<16xi32> to vector<16xi32>
      tpu.vector_store %arg10[%swap3A_182], %swap3A_185 {strides = array<i32>} : memref<128xi32, #tpu.memory_space<vmem>>, vector<16xi32>,
      %add3A_186 = arith.constant 16 : i32
      %add3A_187 = arith.addi %mul3A_176, %add3A_186 : i32
      %get3A_188 = arith.index_cast %add3A_187 : i32 to index
      %get3A_189 = tpu.vector_load %arg6[%get3A_188] {strides = array<i32>} : memref<10240xi32, #tpu.memory_space<vmem>>, vector<16xi32>,
      %get3A_190 = vector.shape_cast %get3A_189 : vector<16xi32> to vector<16xi32>
      %swap3A_191 = arith.constant 16 : index
      %swap3A_192 = tpu.vector_load %arg10[%swap3A_191] {strides = array<i32>} : memref<128xi32, #tpu.memory_space<vmem>>, vector<16xi32>,
      %swap3A_193 = vector.shape_cast %swap3A_192 : vector<16xi32> to vector<16xi32>
      %swap3A_194 = vector.shape_cast %get3A_190 : vector<16xi32> to vector<16xi32>
      tpu.vector_store %arg10[%swap3A_191], %swap3A_194 {strides = array<i32>} : memref<128xi32, #tpu.memory_space<vmem>>, vector<16xi32>,
      %add3A_195 = arith.constant 32 : i32
      %add3A_196 = arith.addi %mul3A_176, %add3A_195 : i32
      %get3A_197 = arith.index_cast %add3A_196 : i32 to index
      %get3A_198 = tpu.vector_load %arg6[%get3A_197] {strides = array<i32>} : memref<10240xi32, #tpu.memory_space<vmem>>, vector<16xi32>,
      %get3A_199 = vector.shape_cast %get3A_198 : vector<16xi32> to vector<16xi32>
      %swap3A_200 = arith.constant 32 : index
      %swap3A_201 = tpu.vector_load %arg10[%swap3A_200] {strides = array<i32>} : memref<128xi32, #tpu.memory_space<vmem>>, vector<16xi32>,
      %swap3A_202 = vector.shape_cast %swap3A_201 : vector<16xi32> to vector<16xi32>
      %swap3A_203 = vector.shape_cast %get3A_199 : vector<16xi32> to vector<16xi32>
      tpu.vector_store %arg10[%swap3A_200], %swap3A_203 {strides = array<i32>} : memref<128xi32, #tpu.memory_space<vmem>>, vector<16xi32>,
      %add3A_204 = arith.constant 48 : i32
      %add3A_205 = arith.addi %mul3A_176, %add3A_204 : i32
      %get3A_206 = arith.index_cast %add3A_205 : i32 to index
      %get3A_207 = tpu.vector_load %arg6[%get3A_206] {strides = array<i32>} : memref<10240xi32, #tpu.memory_space<vmem>>, vector<16xi32>,
      %get3A_208 = vector.shape_cast %get3A_207 : vector<16xi32> to vector<16xi32>
      %swap3A_209 = arith.constant 48 : index
      %swap3A_210 = tpu.vector_load %arg10[%swap3A_209] {strides = array<i32>} : memref<128xi32, #tpu.memory_space<vmem>>, vector<16xi32>,
      %swap3A_211 = vector.shape_cast %swap3A_210 : vector<16xi32> to vector<16xi32>
      %swap3A_212 = vector.shape_cast %get3A_208 : vector<16xi32> to vector<16xi32>
      tpu.vector_store %arg10[%swap3A_209], %swap3A_212 {strides = array<i32>} : memref<128xi32, #tpu.memory_space<vmem>>, vector<16xi32>,
      %add3A_213 = arith.constant 64 : i32
      %add3A_214 = arith.addi %mul3A_176, %add3A_213 : i32
      %get3A_215 = arith.index_cast %add3A_214 : i32 to index
      %get3A_216 = tpu.vector_load %arg6[%get3A_215] {strides = array<i32>} : memref<10240xi32, #tpu.memory_space<vmem>>, vector<16xi32>,
      %get3A_217 = vector.shape_cast %get3A_216 : vector<16xi32> to vector<16xi32>
      %swap3A_218 = arith.constant 64 : index
      %swap3A_219 = tpu.vector_load %arg10[%swap3A_218] {strides = array<i32>} : memref<128xi32, #tpu.memory_space<vmem>>, vector<16xi32>,
      %swap3A_220 = vector.shape_cast %swap3A_219 : vector<16xi32> to vector<16xi32>
      %swap3A_221 = vector.shape_cast %get3A_217 : vector<16xi32> to vector<16xi32>
      tpu.vector_store %arg10[%swap3A_218], %swap3A_221 {strides = array<i32>} : memref<128xi32, #tpu.memory_space<vmem>>, vector<16xi32>,
      %add3A_222 = arith.constant 80 : i32
      %add3A_223 = arith.addi %mul3A_176, %add3A_222 : i32
      %get3A_224 = arith.index_cast %add3A_223 : i32 to index
      %get3A_225 = tpu.vector_load %arg6[%get3A_224] {strides = array<i32>} : memref<10240xi32, #tpu.memory_space<vmem>>, vector<16xi32>,
      %get3A_226 = vector.shape_cast %get3A_225 : vector<16xi32> to vector<16xi32>
      %swap3A_227 = arith.constant 80 : index
      %swap3A_228 = tpu.vector_load %arg10[%swap3A_227] {strides = array<i32>} : memref<128xi32, #tpu.memory_space<vmem>>, vector<16xi32>,
      %swap3A_229 = vector.shape_cast %swap3A_228 : vector<16xi32> to vector<16xi32>
      %swap3A_230 = vector.shape_cast %get3A_226 : vector<16xi32> to vector<16xi32>
      tpu.vector_store %arg10[%swap3A_227], %swap3A_230 {strides = array<i32>} : memref<128xi32, #tpu.memory_space<vmem>>, vector<16xi32>,
      %add3A_231 = arith.constant 96 : i32
      %add3A_232 = arith.addi %mul3A_176, %add3A_231 : i32
      %get3A_233 = arith.index_cast %add3A_232 : i32 to index
      %get3A_234 = tpu.vector_load %arg6[%get3A_233] {strides = array<i32>} : memref<10240xi32, #tpu.memory_space<vmem>>, vector<16xi32>,
      %get3A_235 = vector.shape_cast %get3A_234 : vector<16xi32> to vector<16xi32>
      %swap3A_236 = arith.constant 96 : index
      %swap3A_237 = tpu.vector_load %arg10[%swap3A_236] {strides = array<i32>} : memref<128xi32, #tpu.memory_space<vmem>>, vector<16xi32>,
      %swap3A_238 = vector.shape_cast %swap3A_237 : vector<16xi32> to vector<16xi32>
      %swap3A_239 = vector.shape_cast %get3A_235 : vector<16xi32> to vector<16xi32>
      tpu.vector_store %arg10[%swap3A_236], %swap3A_239 {strides = array<i32>} : memref<128xi32, #tpu.memory_space<vmem>>, vector<16xi32>,
      %add3A_240 = arith.constant 112 : i32
      %add3A_241 = arith.addi %mul3A_176, %add3A_240 : i32
      %get3A_242 = arith.index_cast %add3A_241 : i32 to index
      %get3A_243 = tpu.vector_load %arg6[%get3A_242] {strides = array<i32>} : memref<10240xi32, #tpu.memory_space<vmem>>, vector<16xi32>,
      %get3A_244 = vector.shape_cast %get3A_243 : vector<16xi32> to vector<16xi32>
      %swap3A_245 = arith.constant 112 : index
      %swap3A_246 = tpu.vector_load %arg10[%swap3A_245] {strides = array<i32>} : memref<128xi32, #tpu.memory_space<vmem>>, vector<16xi32>,
      %swap3A_247 = vector.shape_cast %swap3A_246 : vector<16xi32> to vector<16xi32>
      %swap3A_248 = vector.shape_cast %get3A_244 : vector<16xi32> to vector<16xi32>
      tpu.vector_store %arg10[%swap3A_245], %swap3A_248 {strides = array<i32>} : memref<128xi32, #tpu.memory_space<vmem>>, vector<16xi32>,
      %dma_start3A_249 = arith.constant 0 : i32
      %dma_start3A_250 = arith.constant 0 : i32
      %dma_start3A_251 = tpu.memref_slice %arg12[%dma_start3A_249, %dma_start3A_250] : memref<10112x128xf32, #tpu.memory_space<vmem_shared>> -> memref<10112x128xf32, #tpu.memory_space<vmem_shared>>
      tpu.enqueue_indirect_dma source(%arg7 : memref<128x128xf32, #tpu.memory_space<vmem>>) target(%dma_start3A_251 : memref<10112x128xf32, #tpu.memory_space<vmem_shared>>) offsets(%arg10 : memref<128xi32, #tpu.memory_space<vmem>>) semaphore(%arg13 : memref<!tpu.dma_semaphore, #tpu.memory_space<semaphore_mem>>) {add = true}
      %mul3A_252 = arith.constant 4 : i32
      %mul3A_253 = arith.muli %mul3A_252, %scan3A_11 : i32
      %add3A_254 = arith.constant 3 : i32
      %add3A_255 = arith.addi %mul3A_253, %add3A_254 : i32
      %mul3A_256 = arith.constant 128 : i32
      %mul3A_257 = arith.muli %add3A_255, %mul3A_256 : i32
      %add3A_258 = arith.constant 0 : i32
      %add3A_259 = arith.addi %mul3A_257, %add3A_258 : i32
      %get3A_260 = arith.index_cast %add3A_259 : i32 to index
      %get3A_261 = tpu.vector_load %arg6[%get3A_260] {strides = array<i32>} : memref<10240xi32, #tpu.memory_space<vmem>>, vector<16xi32>,
      %get3A_262 = vector.shape_cast %get3A_261 : vector<16xi32> to vector<16xi32>
      %swap3A_263 = arith.constant 0 : index
      %swap3A_264 = tpu.vector_load %arg11[%swap3A_263] {strides = array<i32>} : memref<128xi32, #tpu.memory_space<vmem>>, vector<16xi32>,
      %swap3A_265 = vector.shape_cast %swap3A_264 : vector<16xi32> to vector<16xi32>
      %swap3A_266 = vector.shape_cast %get3A_262 : vector<16xi32> to vector<16xi32>
      tpu.vector_store %arg11[%swap3A_263], %swap3A_266 {strides = array<i32>} : memref<128xi32, #tpu.memory_space<vmem>>, vector<16xi32>,
      %add3A_267 = arith.constant 16 : i32
      %add3A_268 = arith.addi %mul3A_257, %add3A_267 : i32
      %get3A_269 = arith.index_cast %add3A_268 : i32 to index
      %get3A_270 = tpu.vector_load %arg6[%get3A_269] {strides = array<i32>} : memref<10240xi32, #tpu.memory_space<vmem>>, vector<16xi32>,
      %get3A_271 = vector.shape_cast %get3A_270 : vector<16xi32> to vector<16xi32>
      %swap3A_272 = arith.constant 16 : index
      %swap3A_273 = tpu.vector_load %arg11[%swap3A_272] {strides = array<i32>} : memref<128xi32, #tpu.memory_space<vmem>>, vector<16xi32>,
      %swap3A_274 = vector.shape_cast %swap3A_273 : vector<16xi32> to vector<16xi32>
      %swap3A_275 = vector.shape_cast %get3A_271 : vector<16xi32> to vector<16xi32>
      tpu.vector_store %arg11[%swap3A_272], %swap3A_275 {strides = array<i32>} : memref<128xi32, #tpu.memory_space<vmem>>, vector<16xi32>,
      %add3A_276 = arith.constant 32 : i32
      %add3A_277 = arith.addi %mul3A_257, %add3A_276 : i32
      %get3A_278 = arith.index_cast %add3A_277 : i32 to index
      %get3A_279 = tpu.vector_load %arg6[%get3A_278] {strides = array<i32>} : memref<10240xi32, #tpu.memory_space<vmem>>, vector<16xi32>,
      %get3A_280 = vector.shape_cast %get3A_279 : vector<16xi32> to vector<16xi32>
      %swap3A_281 = arith.constant 32 : index
      %swap3A_282 = tpu.vector_load %arg11[%swap3A_281] {strides = array<i32>} : memref<128xi32, #tpu.memory_space<vmem>>, vector<16xi32>,
      %swap3A_283 = vector.shape_cast %swap3A_282 : vector<16xi32> to vector<16xi32>
      %swap3A_284 = vector.shape_cast %get3A_280 : vector<16xi32> to vector<16xi32>
      tpu.vector_store %arg11[%swap3A_281], %swap3A_284 {strides = array<i32>} : memref<128xi32, #tpu.memory_space<vmem>>, vector<16xi32>,
      %add3A_285 = arith.constant 48 : i32
      %add3A_286 = arith.addi %mul3A_257, %add3A_285 : i32
      %get3A_287 = arith.index_cast %add3A_286 : i32 to index
      %get3A_288 = tpu.vector_load %arg6[%get3A_287] {strides = array<i32>} : memref<10240xi32, #tpu.memory_space<vmem>>, vector<16xi32>,
      %get3A_289 = vector.shape_cast %get3A_288 : vector<16xi32> to vector<16xi32>
      %swap3A_290 = arith.constant 48 : index
      %swap3A_291 = tpu.vector_load %arg11[%swap3A_290] {strides = array<i32>} : memref<128xi32, #tpu.memory_space<vmem>>, vector<16xi32>,
      %swap3A_292 = vector.shape_cast %swap3A_291 : vector<16xi32> to vector<16xi32>
      %swap3A_293 = vector.shape_cast %get3A_289 : vector<16xi32> to vector<16xi32>
      tpu.vector_store %arg11[%swap3A_290], %swap3A_293 {strides = array<i32>} : memref<128xi32, #tpu.memory_space<vmem>>, vector<16xi32>,
      %add3A_294 = arith.constant 64 : i32
      %add3A_295 = arith.addi %mul3A_257, %add3A_294 : i32
      %get3A_296 = arith.index_cast %add3A_295 : i32 to index
      %get3A_297 = tpu.vector_load %arg6[%get3A_296] {strides = array<i32>} : memref<10240xi32, #tpu.memory_space<vmem>>, vector<16xi32>,
      %get3A_298 = vector.shape_cast %get3A_297 : vector<16xi32> to vector<16xi32>
      %swap3A_299 = arith.constant 64 : index
      %swap3A_300 = tpu.vector_load %arg11[%swap3A_299] {strides = array<i32>} : memref<128xi32, #tpu.memory_space<vmem>>, vector<16xi32>,
      %swap3A_301 = vector.shape_cast %swap3A_300 : vector<16xi32> to vector<16xi32>
      %swap3A_302 = vector.shape_cast %get3A_298 : vector<16xi32> to vector<16xi32>
      tpu.vector_store %arg11[%swap3A_299], %swap3A_302 {strides = array<i32>} : memref<128xi32, #tpu.memory_space<vmem>>, vector<16xi32>,
      %add3A_303 = arith.constant 80 : i32
      %add3A_304 = arith.addi %mul3A_257, %add3A_303 : i32
      %get3A_305 = arith.index_cast %add3A_304 : i32 to index
      %get3A_306 = tpu.vector_load %arg6[%get3A_305] {strides = array<i32>} : memref<10240xi32, #tpu.memory_space<vmem>>, vector<16xi32>,
      %get3A_307 = vector.shape_cast %get3A_306 : vector<16xi32> to vector<16xi32>
      %swap3A_308 = arith.constant 80 : index
      %swap3A_309 = tpu.vector_load %arg11[%swap3A_308] {strides = array<i32>} : memref<128xi32, #tpu.memory_space<vmem>>, vector<16xi32>,
      %swap3A_310 = vector.shape_cast %swap3A_309 : vector<16xi32> to vector<16xi32>
      %swap3A_311 = vector.shape_cast %get3A_307 : vector<16xi32> to vector<16xi32>
      tpu.vector_store %arg11[%swap3A_308], %swap3A_311 {strides = array<i32>} : memref<128xi32, #tpu.memory_space<vmem>>, vector<16xi32>,
      %add3A_312 = arith.constant 96 : i32
      %add3A_313 = arith.addi %mul3A_257, %add3A_312 : i32
      %get3A_314 = arith.index_cast %add3A_313 : i32 to index
      %get3A_315 = tpu.vector_load %arg6[%get3A_314] {strides = array<i32>} : memref<10240xi32, #tpu.memory_space<vmem>>, vector<16xi32>,
      %get3A_316 = vector.shape_cast %get3A_315 : vector<16xi32> to vector<16xi32>
      %swap3A_317 = arith.constant 96 : index
      %swap3A_318 = tpu.vector_load %arg11[%swap3A_317] {strides = array<i32>} : memref<128xi32, #tpu.memory_space<vmem>>, vector<16xi32>,
      %swap3A_319 = vector.shape_cast %swap3A_318 : vector<16xi32> to vector<16xi32>
      %swap3A_320 = vector.shape_cast %get3A_316 : vector<16xi32> to vector<16xi32>
      tpu.vector_store %arg11[%swap3A_317], %swap3A_320 {strides = array<i32>} : memref<128xi32, #tpu.memory_space<vmem>>, vector<16xi32>,
      %add3A_321 = arith.constant 112 : i32
      %add3A_322 = arith.addi %mul3A_257, %add3A_321 : i32
      %get3A_323 = arith.index_cast %add3A_322 : i32 to index
      %get3A_324 = tpu.vector_load %arg6[%get3A_323] {strides = array<i32>} : memref<10240xi32, #tpu.memory_space<vmem>>, vector<16xi32>,
      %get3A_325 = vector.shape_cast %get3A_324 : vector<16xi32> to vector<16xi32>
      %swap3A_326 = arith.constant 112 : index
      %swap3A_327 = tpu.vector_load %arg11[%swap3A_326] {strides = array<i32>} : memref<128xi32, #tpu.memory_space<vmem>>, vector<16xi32>,
      %swap3A_328 = vector.shape_cast %swap3A_327 : vector<16xi32> to vector<16xi32>
      %swap3A_329 = vector.shape_cast %get3A_325 : vector<16xi32> to vector<16xi32>
      tpu.vector_store %arg11[%swap3A_326], %swap3A_329 {strides = array<i32>} : memref<128xi32, #tpu.memory_space<vmem>>, vector<16xi32>,
      %dma_start3A_330 = arith.constant 0 : i32
      %dma_start3A_331 = arith.constant 0 : i32
      %dma_start3A_332 = tpu.memref_slice %arg12[%dma_start3A_330, %dma_start3A_331] : memref<10112x128xf32, #tpu.memory_space<vmem_shared>> -> memref<10112x128xf32, #tpu.memory_space<vmem_shared>>
      tpu.enqueue_indirect_dma source(%arg7 : memref<128x128xf32, #tpu.memory_space<vmem>>) target(%dma_start3A_332 : memref<10112x128xf32, #tpu.memory_space<vmem_shared>>) offsets(%arg11 : memref<128xi32, #tpu.memory_space<vmem>>) semaphore(%arg13 : memref<!tpu.dma_semaphore, #tpu.memory_space<semaphore_mem>>) {add = true}
      %dma_wait3A = arith.constant 0 : i32
      %dma_wait3A_333 = arith.constant 0 : i32
      %dma_wait3A_334 = tpu.memref_slice %arg12[%dma_wait3A, %dma_wait3A_333] : memref<10112x128xf32, #tpu.memory_space<vmem_shared>> -> memref<10112x128xf32, #tpu.memory_space<vmem_shared>>
      tpu.wait_indirect_dma semaphore(%arg13 : memref<!tpu.dma_semaphore, #tpu.memory_space<semaphore_mem>>) src(%arg7 : memref<128x128xf32, #tpu.memory_space<vmem>>) dst(%dma_wait3A_334 : memref<10112x128xf32, #tpu.memory_space<vmem_shared>>)
      %dma_wait3A_335 = arith.constant 0 : i32
      %dma_wait3A_336 = arith.constant 0 : i32
      %dma_wait3A_337 = tpu.memref_slice %arg12[%dma_wait3A_335, %dma_wait3A_336] : memref<10112x128xf32, #tpu.memory_space<vmem_shared>> -> memref<10112x128xf32, #tpu.memory_space<vmem_shared>>
      tpu.wait_indirect_dma semaphore(%arg13 : memref<!tpu.dma_semaphore, #tpu.memory_space<semaphore_mem>>) src(%arg7 : memref<128x128xf32, #tpu.memory_space<vmem>>) dst(%dma_wait3A_337 : memref<10112x128xf32, #tpu.memory_space<vmem_shared>>)
      %dma_wait3A_338 = arith.constant 0 : i32
      %dma_wait3A_339 = arith.constant 0 : i32
      %dma_wait3A_340 = tpu.memref_slice %arg12[%dma_wait3A_338, %dma_wait3A_339] : memref<10112x128xf32, #tpu.memory_space<vmem_shared>> -> memref<10112x128xf32, #tpu.memory_space<vmem_shared>>
      tpu.wait_indirect_dma semaphore(%arg13 : memref<!tpu.dma_semaphore, #tpu.memory_space<semaphore_mem>>) src(%arg7 : memref<128x128xf32, #tpu.memory_space<vmem>>) dst(%dma_wait3A_340 : memref<10112x128xf32, #tpu.memory_space<vmem_shared>>)
      %dma_wait3A_341 = arith.constant 0 : i32
      %dma_wait3A_342 = arith.constant 0 : i32
      %dma_wait3A_343 = tpu.memref_slice %arg12[%dma_wait3A_341, %dma_wait3A_342] : memref<10112x128xf32, #tpu.memory_space<vmem_shared>> -> memref<10112x128xf32, #tpu.memory_space<vmem_shared>>
      tpu.wait_indirect_dma semaphore(%arg13 : memref<!tpu.dma_semaphore, #tpu.memory_space<semaphore_mem>>) src(%arg7 : memref<128x128xf32, #tpu.memory_space<vmem>>) dst(%dma_wait3A_343 : memref<10112x128xf32, #tpu.memory_space<vmem_shared>>)
    }
    %scan3A_9 = arith.constant 20 : i32
    %barrier3A_10 = arith.constant 0 : index
    tpu.barrier barrier_id(%barrier3A_10)
    "tpu.region"() ({
      %run_scoped3A = tpu.sem_alloc : memref<!tpu.dma_semaphore, #tpu.memory_space<semaphore_mem>>
      %dma_start3A = arith.constant 0 : i32
      %dma_start3A_11 = tpu.memref_slice %arg5[%arg0, %mul3A_4, %dma_start3A] : memref<2x10112x128xf32, #tpu.memory_space<hbm>> -> memref<1x632x128xf32, #tpu.memory_space<hbm>>
      %dma_start3A_12 = tpu.memref_squeeze %dma_start3A_11 : memref<1x632x128xf32, #tpu.memory_space<hbm>> -> memref<632x128xf32, #tpu.memory_space<hbm>>
      %dma_start3A_13 = arith.constant 0 : i32
      %dma_start3A_14 = tpu.memref_slice %arg12[%mul3A_4, %dma_start3A_13] : memref<10112x128xf32, #tpu.memory_space<vmem_shared>> -> memref<632x128xf32, #tpu.memory_space<vmem_shared>>
      tpu.enqueue_dma source(%dma_start3A_14 : memref<632x128xf32, #tpu.memory_space<vmem_shared>>) target(%dma_start3A_12 : memref<632x128xf32, #tpu.memory_space<hbm>>) target_semaphore(%run_scoped3A : memref<!tpu.dma_semaphore, #tpu.memory_space<semaphore_mem>>)
      %dma_wait3A = arith.constant 0 : i32
      %dma_wait3A_15 = tpu.memref_slice %arg5[%arg0, %mul3A_4, %dma_wait3A] : memref<2x10112x128xf32, #tpu.memory_space<hbm>> -> memref<1x632x128xf32, #tpu.memory_space<hbm>>
      %dma_wait3A_16 = tpu.memref_squeeze %dma_wait3A_15 : memref<1x632x128xf32, #tpu.memory_space<hbm>> -> memref<632x128xf32, #tpu.memory_space<hbm>>
      %dma_wait3A_17 = arith.constant 0 : i32
      %dma_wait3A_18 = tpu.memref_slice %arg12[%mul3A_4, %dma_wait3A_17] : memref<10112x128xf32, #tpu.memory_space<vmem_shared>> -> memref<632x128xf32, #tpu.memory_space<vmem_shared>>
      tpu.wait_dma2 semaphore(%run_scoped3A : memref<!tpu.dma_semaphore, #tpu.memory_space<semaphore_mem>>) src(%dma_wait3A_18 : memref<632x128xf32, #tpu.memory_space<vmem_shared>>) dst(%dma_wait3A_16 : memref<632x128xf32, #tpu.memory_space<hbm>>)
      tpu.yield
    }) : () -> ()
    return
  }
}

#map = affine_map<(d0, d1) -> (0)>
#map1 = affine_map<(d0, d1) -> (0, 0)>
#map2 = affine_map<(d0, d1) -> (0, 0, 0)>
module attributes {stable_mosaic.version = 14 : i64} {
  func.func @_hop_body(%arg0: i32, %arg1: i32, %arg2: memref<327808xi32, #tpu.memory_space<hbm>>, %arg3: memref<10112x128xf32, #tpu.memory_space<hbm>>, %arg4: memref<10112x128xf32, #tpu.memory_space<hbm>>, %arg5: memref<2x10112x128xf32, #tpu.memory_space<hbm>>, %arg6: memref<10368xi32, #tpu.memory_space<vmem>>, %arg7: memref<128xi32, #tpu.memory_space<vmem>>, %arg8: memref<128xi32, #tpu.memory_space<vmem>>, %arg9: memref<128xi32, #tpu.memory_space<vmem>>, %arg10: memref<128xi32, #tpu.memory_space<vmem>>, %arg11: memref<128x128xf32, #tpu.memory_space<vmem>>, %arg12: memref<128x128xf32, #tpu.memory_space<vmem>>, %arg13: memref<10112x128xf32, #tpu.memory_space<vmem_shared>>, %arg14: memref<!tpu.dma_semaphore, #tpu.memory_space<semaphore_mem>>, %arg15: memref<!tpu.dma_semaphore, #tpu.memory_space<semaphore_mem>>, %arg16: memref<!tpu.dma_semaphore, #tpu.memory_space<semaphore_mem>>, %arg17: memref<!tpu.dma_semaphore, #tpu.memory_space<semaphore_mem>>) attributes {dimension_semantics = [#tpu.dimension_semantics<core_parallel>, #tpu.dimension_semantics<subcore_parallel>], iteration_bounds = array<i64: 2, 16>, scalar_prefetch = 0 : i64, scratch_operands = 12 : i64, tpu.core_type = #tpu.core_type<sc_vector_subcore>, window_params = [{transform_indices = #map}, {transform_indices = #map1}, {transform_indices = #map1}, {transform_indices = #map2}]} {
    %mul3A = arith.constant 16 : i32
    %mul3A_0 = arith.muli %arg0, %mul3A : i32
    %add3A = arith.addi %mul3A_0, %arg1 : i32
    %mul3A_1 = arith.constant 10240 : i32
    %mul3A_2 = arith.muli %add3A, %mul3A_1 : i32
    %mul3A_3 = arith.constant 632 : i32
    %mul3A_4 = arith.muli %arg1, %mul3A_3 : i32
    "tpu.region"() ({
      %run_scoped3A = tpu.sem_alloc : memref<!tpu.dma_semaphore, #tpu.memory_space<semaphore_mem>>
      %dma_start3A_147 = tpu.memref_slice %arg2[%mul3A_2] : memref<327808xi32, #tpu.memory_space<hbm>> -> memref<10368xi32, #tpu.memory_space<hbm>>
      %dma_start3A_148 = tpu.memref_slice %arg2[%mul3A_2] : memref<327808xi32, #tpu.memory_space<hbm>> -> memref<10368xi32, #tpu.memory_space<hbm>>
      tpu.enqueue_dma source(%dma_start3A_148 : memref<10368xi32, #tpu.memory_space<hbm>>) target(%arg6 : memref<10368xi32, #tpu.memory_space<vmem>>) target_semaphore(%run_scoped3A : memref<!tpu.dma_semaphore, #tpu.memory_space<semaphore_mem>>)
      %dma_wait3A_149 = tpu.memref_slice %arg2[%mul3A_2] : memref<327808xi32, #tpu.memory_space<hbm>> -> memref<10368xi32, #tpu.memory_space<hbm>>
      %dma_wait3A_150 = tpu.memref_slice %arg2[%mul3A_2] : memref<327808xi32, #tpu.memory_space<hbm>> -> memref<10368xi32, #tpu.memory_space<hbm>>
      tpu.wait_dma2 semaphore(%run_scoped3A : memref<!tpu.dma_semaphore, #tpu.memory_space<semaphore_mem>>) src(%dma_wait3A_150 : memref<10368xi32, #tpu.memory_space<hbm>>) dst(%arg6 : memref<10368xi32, #tpu.memory_space<vmem>>)
      tpu.yield
    }) : () -> ()
    "tpu.region"() ({
      %run_scoped3A = tpu.sem_alloc : memref<!tpu.dma_semaphore, #tpu.memory_space<semaphore_mem>>
      %dma_start3A_147 = arith.constant 0 : i32
      %dma_start3A_148 = tpu.memref_slice %arg13[%mul3A_4, %dma_start3A_147] : memref<10112x128xf32, #tpu.memory_space<vmem_shared>> -> memref<632x128xf32, #tpu.memory_space<vmem_shared>>
      %dma_start3A_149 = arith.constant 0 : i32
      %dma_start3A_150 = tpu.memref_slice %arg4[%mul3A_4, %dma_start3A_149] : memref<10112x128xf32, #tpu.memory_space<hbm>> -> memref<632x128xf32, #tpu.memory_space<hbm>>
      tpu.enqueue_dma source(%dma_start3A_150 : memref<632x128xf32, #tpu.memory_space<hbm>>) target(%dma_start3A_148 : memref<632x128xf32, #tpu.memory_space<vmem_shared>>) target_semaphore(%run_scoped3A : memref<!tpu.dma_semaphore, #tpu.memory_space<semaphore_mem>>)
      %dma_wait3A_151 = arith.constant 0 : i32
      %dma_wait3A_152 = tpu.memref_slice %arg13[%mul3A_4, %dma_wait3A_151] : memref<10112x128xf32, #tpu.memory_space<vmem_shared>> -> memref<632x128xf32, #tpu.memory_space<vmem_shared>>
      %dma_wait3A_153 = arith.constant 0 : i32
      %dma_wait3A_154 = tpu.memref_slice %arg4[%mul3A_4, %dma_wait3A_153] : memref<10112x128xf32, #tpu.memory_space<hbm>> -> memref<632x128xf32, #tpu.memory_space<hbm>>
      tpu.wait_dma2 semaphore(%run_scoped3A : memref<!tpu.dma_semaphore, #tpu.memory_space<semaphore_mem>>) src(%dma_wait3A_154 : memref<632x128xf32, #tpu.memory_space<hbm>>) dst(%dma_wait3A_152 : memref<632x128xf32, #tpu.memory_space<vmem_shared>>)
      tpu.yield
    }) : () -> ()
    %barrier3A = arith.constant 0 : index
    tpu.barrier barrier_id(%barrier3A)
    %get3A = arith.constant 0 : index
    %get3A_5 = tpu.vector_load %arg6[%get3A] {strides = array<i32>} : memref<10368xi32, #tpu.memory_space<vmem>>, vector<16xi32>,
    %get3A_6 = vector.shape_cast %get3A_5 : vector<16xi32> to vector<16xi32>
    %and3A = arith.constant 65535 : i32
    %and3A_7 = vector.broadcast %and3A : i32 to vector<16xi32>
    %and3A_8 = arith.andi %get3A_6, %and3A_7 : vector<16xi32>
    %swap3A = arith.constant 0 : index
    %swap3A_9 = tpu.vector_load %arg7[%swap3A] {strides = array<i32>} : memref<128xi32, #tpu.memory_space<vmem>>, vector<16xi32>,
    %swap3A_10 = vector.shape_cast %swap3A_9 : vector<16xi32> to vector<16xi32>
    %swap3A_11 = vector.shape_cast %and3A_8 : vector<16xi32> to vector<16xi32>
    tpu.vector_store %arg7[%swap3A], %swap3A_11 {strides = array<i32>} : memref<128xi32, #tpu.memory_space<vmem>>, vector<16xi32>,
    %shift_right_arithmetic3A = arith.constant 16 : i32
    %shift_right_arithmetic3A_12 = vector.broadcast %shift_right_arithmetic3A : i32 to vector<16xi32>
    %shift_right_arithmetic3A_13 = arith.shrsi %get3A_6, %shift_right_arithmetic3A_12 : vector<16xi32>
    %swap3A_14 = arith.constant 0 : index
    %swap3A_15 = tpu.vector_load %arg9[%swap3A_14] {strides = array<i32>} : memref<128xi32, #tpu.memory_space<vmem>>, vector<16xi32>,
    %swap3A_16 = vector.shape_cast %swap3A_15 : vector<16xi32> to vector<16xi32>
    %swap3A_17 = vector.shape_cast %shift_right_arithmetic3A_13 : vector<16xi32> to vector<16xi32>
    tpu.vector_store %arg9[%swap3A_14], %swap3A_17 {strides = array<i32>} : memref<128xi32, #tpu.memory_space<vmem>>, vector<16xi32>,
    %get3A_18 = arith.constant 16 : index
    %get3A_19 = tpu.vector_load %arg6[%get3A_18] {strides = array<i32>} : memref<10368xi32, #tpu.memory_space<vmem>>, vector<16xi32>,
    %get3A_20 = vector.shape_cast %get3A_19 : vector<16xi32> to vector<16xi32>
    %and3A_21 = arith.constant 65535 : i32
    %and3A_22 = vector.broadcast %and3A_21 : i32 to vector<16xi32>
    %and3A_23 = arith.andi %get3A_20, %and3A_22 : vector<16xi32>
    %swap3A_24 = arith.constant 16 : index
    %swap3A_25 = tpu.vector_load %arg7[%swap3A_24] {strides = array<i32>} : memref<128xi32, #tpu.memory_space<vmem>>, vector<16xi32>,
    %swap3A_26 = vector.shape_cast %swap3A_25 : vector<16xi32> to vector<16xi32>
    %swap3A_27 = vector.shape_cast %and3A_23 : vector<16xi32> to vector<16xi32>
    tpu.vector_store %arg7[%swap3A_24], %swap3A_27 {strides = array<i32>} : memref<128xi32, #tpu.memory_space<vmem>>, vector<16xi32>,
    %shift_right_arithmetic3A_28 = arith.constant 16 : i32
    %shift_right_arithmetic3A_29 = vector.broadcast %shift_right_arithmetic3A_28 : i32 to vector<16xi32>
    %shift_right_arithmetic3A_30 = arith.shrsi %get3A_20, %shift_right_arithmetic3A_29 : vector<16xi32>
    %swap3A_31 = arith.constant 16 : index
    %swap3A_32 = tpu.vector_load %arg9[%swap3A_31] {strides = array<i32>} : memref<128xi32, #tpu.memory_space<vmem>>, vector<16xi32>,
    %swap3A_33 = vector.shape_cast %swap3A_32 : vector<16xi32> to vector<16xi32>
    %swap3A_34 = vector.shape_cast %shift_right_arithmetic3A_30 : vector<16xi32> to vector<16xi32>
    tpu.vector_store %arg9[%swap3A_31], %swap3A_34 {strides = array<i32>} : memref<128xi32, #tpu.memory_space<vmem>>, vector<16xi32>,
    %get3A_35 = arith.constant 32 : index
    %get3A_36 = tpu.vector_load %arg6[%get3A_35] {strides = array<i32>} : memref<10368xi32, #tpu.memory_space<vmem>>, vector<16xi32>,
    %get3A_37 = vector.shape_cast %get3A_36 : vector<16xi32> to vector<16xi32>
    %and3A_38 = arith.constant 65535 : i32
    %and3A_39 = vector.broadcast %and3A_38 : i32 to vector<16xi32>
    %and3A_40 = arith.andi %get3A_37, %and3A_39 : vector<16xi32>
    %swap3A_41 = arith.constant 32 : index
    %swap3A_42 = tpu.vector_load %arg7[%swap3A_41] {strides = array<i32>} : memref<128xi32, #tpu.memory_space<vmem>>, vector<16xi32>,
    %swap3A_43 = vector.shape_cast %swap3A_42 : vector<16xi32> to vector<16xi32>
    %swap3A_44 = vector.shape_cast %and3A_40 : vector<16xi32> to vector<16xi32>
    tpu.vector_store %arg7[%swap3A_41], %swap3A_44 {strides = array<i32>} : memref<128xi32, #tpu.memory_space<vmem>>, vector<16xi32>,
    %shift_right_arithmetic3A_45 = arith.constant 16 : i32
    %shift_right_arithmetic3A_46 = vector.broadcast %shift_right_arithmetic3A_45 : i32 to vector<16xi32>
    %shift_right_arithmetic3A_47 = arith.shrsi %get3A_37, %shift_right_arithmetic3A_46 : vector<16xi32>
    %swap3A_48 = arith.constant 32 : index
    %swap3A_49 = tpu.vector_load %arg9[%swap3A_48] {strides = array<i32>} : memref<128xi32, #tpu.memory_space<vmem>>, vector<16xi32>,
    %swap3A_50 = vector.shape_cast %swap3A_49 : vector<16xi32> to vector<16xi32>
    %swap3A_51 = vector.shape_cast %shift_right_arithmetic3A_47 : vector<16xi32> to vector<16xi32>
    tpu.vector_store %arg9[%swap3A_48], %swap3A_51 {strides = array<i32>} : memref<128xi32, #tpu.memory_space<vmem>>, vector<16xi32>,
    %get3A_52 = arith.constant 48 : index
    %get3A_53 = tpu.vector_load %arg6[%get3A_52] {strides = array<i32>} : memref<10368xi32, #tpu.memory_space<vmem>>, vector<16xi32>,
    %get3A_54 = vector.shape_cast %get3A_53 : vector<16xi32> to vector<16xi32>
    %and3A_55 = arith.constant 65535 : i32
    %and3A_56 = vector.broadcast %and3A_55 : i32 to vector<16xi32>
    %and3A_57 = arith.andi %get3A_54, %and3A_56 : vector<16xi32>
    %swap3A_58 = arith.constant 48 : index
    %swap3A_59 = tpu.vector_load %arg7[%swap3A_58] {strides = array<i32>} : memref<128xi32, #tpu.memory_space<vmem>>, vector<16xi32>,
    %swap3A_60 = vector.shape_cast %swap3A_59 : vector<16xi32> to vector<16xi32>
    %swap3A_61 = vector.shape_cast %and3A_57 : vector<16xi32> to vector<16xi32>
    tpu.vector_store %arg7[%swap3A_58], %swap3A_61 {strides = array<i32>} : memref<128xi32, #tpu.memory_space<vmem>>, vector<16xi32>,
    %shift_right_arithmetic3A_62 = arith.constant 16 : i32
    %shift_right_arithmetic3A_63 = vector.broadcast %shift_right_arithmetic3A_62 : i32 to vector<16xi32>
    %shift_right_arithmetic3A_64 = arith.shrsi %get3A_54, %shift_right_arithmetic3A_63 : vector<16xi32>
    %swap3A_65 = arith.constant 48 : index
    %swap3A_66 = tpu.vector_load %arg9[%swap3A_65] {strides = array<i32>} : memref<128xi32, #tpu.memory_space<vmem>>, vector<16xi32>,
    %swap3A_67 = vector.shape_cast %swap3A_66 : vector<16xi32> to vector<16xi32>
    %swap3A_68 = vector.shape_cast %shift_right_arithmetic3A_64 : vector<16xi32> to vector<16xi32>
    tpu.vector_store %arg9[%swap3A_65], %swap3A_68 {strides = array<i32>} : memref<128xi32, #tpu.memory_space<vmem>>, vector<16xi32>,
    %get3A_69 = arith.constant 64 : index
    %get3A_70 = tpu.vector_load %arg6[%get3A_69] {strides = array<i32>} : memref<10368xi32, #tpu.memory_space<vmem>>, vector<16xi32>,
    %get3A_71 = vector.shape_cast %get3A_70 : vector<16xi32> to vector<16xi32>
    %and3A_72 = arith.constant 65535 : i32
    %and3A_73 = vector.broadcast %and3A_72 : i32 to vector<16xi32>
    %and3A_74 = arith.andi %get3A_71, %and3A_73 : vector<16xi32>
    %swap3A_75 = arith.constant 64 : index
    %swap3A_76 = tpu.vector_load %arg7[%swap3A_75] {strides = array<i32>} : memref<128xi32, #tpu.memory_space<vmem>>, vector<16xi32>,
    %swap3A_77 = vector.shape_cast %swap3A_76 : vector<16xi32> to vector<16xi32>
    %swap3A_78 = vector.shape_cast %and3A_74 : vector<16xi32> to vector<16xi32>
    tpu.vector_store %arg7[%swap3A_75], %swap3A_78 {strides = array<i32>} : memref<128xi32, #tpu.memory_space<vmem>>, vector<16xi32>,
    %shift_right_arithmetic3A_79 = arith.constant 16 : i32
    %shift_right_arithmetic3A_80 = vector.broadcast %shift_right_arithmetic3A_79 : i32 to vector<16xi32>
    %shift_right_arithmetic3A_81 = arith.shrsi %get3A_71, %shift_right_arithmetic3A_80 : vector<16xi32>
    %swap3A_82 = arith.constant 64 : index
    %swap3A_83 = tpu.vector_load %arg9[%swap3A_82] {strides = array<i32>} : memref<128xi32, #tpu.memory_space<vmem>>, vector<16xi32>,
    %swap3A_84 = vector.shape_cast %swap3A_83 : vector<16xi32> to vector<16xi32>
    %swap3A_85 = vector.shape_cast %shift_right_arithmetic3A_81 : vector<16xi32> to vector<16xi32>
    tpu.vector_store %arg9[%swap3A_82], %swap3A_85 {strides = array<i32>} : memref<128xi32, #tpu.memory_space<vmem>>, vector<16xi32>,
    %get3A_86 = arith.constant 80 : index
    %get3A_87 = tpu.vector_load %arg6[%get3A_86] {strides = array<i32>} : memref<10368xi32, #tpu.memory_space<vmem>>, vector<16xi32>,
    %get3A_88 = vector.shape_cast %get3A_87 : vector<16xi32> to vector<16xi32>
    %and3A_89 = arith.constant 65535 : i32
    %and3A_90 = vector.broadcast %and3A_89 : i32 to vector<16xi32>
    %and3A_91 = arith.andi %get3A_88, %and3A_90 : vector<16xi32>
    %swap3A_92 = arith.constant 80 : index
    %swap3A_93 = tpu.vector_load %arg7[%swap3A_92] {strides = array<i32>} : memref<128xi32, #tpu.memory_space<vmem>>, vector<16xi32>,
    %swap3A_94 = vector.shape_cast %swap3A_93 : vector<16xi32> to vector<16xi32>
    %swap3A_95 = vector.shape_cast %and3A_91 : vector<16xi32> to vector<16xi32>
    tpu.vector_store %arg7[%swap3A_92], %swap3A_95 {strides = array<i32>} : memref<128xi32, #tpu.memory_space<vmem>>, vector<16xi32>,
    %shift_right_arithmetic3A_96 = arith.constant 16 : i32
    %shift_right_arithmetic3A_97 = vector.broadcast %shift_right_arithmetic3A_96 : i32 to vector<16xi32>
    %shift_right_arithmetic3A_98 = arith.shrsi %get3A_88, %shift_right_arithmetic3A_97 : vector<16xi32>
    %swap3A_99 = arith.constant 80 : index
    %swap3A_100 = tpu.vector_load %arg9[%swap3A_99] {strides = array<i32>} : memref<128xi32, #tpu.memory_space<vmem>>, vector<16xi32>,
    %swap3A_101 = vector.shape_cast %swap3A_100 : vector<16xi32> to vector<16xi32>
    %swap3A_102 = vector.shape_cast %shift_right_arithmetic3A_98 : vector<16xi32> to vector<16xi32>
    tpu.vector_store %arg9[%swap3A_99], %swap3A_102 {strides = array<i32>} : memref<128xi32, #tpu.memory_space<vmem>>, vector<16xi32>,
    %get3A_103 = arith.constant 96 : index
    %get3A_104 = tpu.vector_load %arg6[%get3A_103] {strides = array<i32>} : memref<10368xi32, #tpu.memory_space<vmem>>, vector<16xi32>,
    %get3A_105 = vector.shape_cast %get3A_104 : vector<16xi32> to vector<16xi32>
    %and3A_106 = arith.constant 65535 : i32
    %and3A_107 = vector.broadcast %and3A_106 : i32 to vector<16xi32>
    %and3A_108 = arith.andi %get3A_105, %and3A_107 : vector<16xi32>
    %swap3A_109 = arith.constant 96 : index
    %swap3A_110 = tpu.vector_load %arg7[%swap3A_109] {strides = array<i32>} : memref<128xi32, #tpu.memory_space<vmem>>, vector<16xi32>,
    %swap3A_111 = vector.shape_cast %swap3A_110 : vector<16xi32> to vector<16xi32>
    %swap3A_112 = vector.shape_cast %and3A_108 : vector<16xi32> to vector<16xi32>
    tpu.vector_store %arg7[%swap3A_109], %swap3A_112 {strides = array<i32>} : memref<128xi32, #tpu.memory_space<vmem>>, vector<16xi32>,
    %shift_right_arithmetic3A_113 = arith.constant 16 : i32
    %shift_right_arithmetic3A_114 = vector.broadcast %shift_right_arithmetic3A_113 : i32 to vector<16xi32>
    %shift_right_arithmetic3A_115 = arith.shrsi %get3A_105, %shift_right_arithmetic3A_114 : vector<16xi32>
    %swap3A_116 = arith.constant 96 : index
    %swap3A_117 = tpu.vector_load %arg9[%swap3A_116] {strides = array<i32>} : memref<128xi32, #tpu.memory_space<vmem>>, vector<16xi32>,
    %swap3A_118 = vector.shape_cast %swap3A_117 : vector<16xi32> to vector<16xi32>
    %swap3A_119 = vector.shape_cast %shift_right_arithmetic3A_115 : vector<16xi32> to vector<16xi32>
    tpu.vector_store %arg9[%swap3A_116], %swap3A_119 {strides = array<i32>} : memref<128xi32, #tpu.memory_space<vmem>>, vector<16xi32>,
    %get3A_120 = arith.constant 112 : index
    %get3A_121 = tpu.vector_load %arg6[%get3A_120] {strides = array<i32>} : memref<10368xi32, #tpu.memory_space<vmem>>, vector<16xi32>,
    %get3A_122 = vector.shape_cast %get3A_121 : vector<16xi32> to vector<16xi32>
    %and3A_123 = arith.constant 65535 : i32
    %and3A_124 = vector.broadcast %and3A_123 : i32 to vector<16xi32>
    %and3A_125 = arith.andi %get3A_122, %and3A_124 : vector<16xi32>
    %swap3A_126 = arith.constant 112 : index
    %swap3A_127 = tpu.vector_load %arg7[%swap3A_126] {strides = array<i32>} : memref<128xi32, #tpu.memory_space<vmem>>, vector<16xi32>,
    %swap3A_128 = vector.shape_cast %swap3A_127 : vector<16xi32> to vector<16xi32>
    %swap3A_129 = vector.shape_cast %and3A_125 : vector<16xi32> to vector<16xi32>
    tpu.vector_store %arg7[%swap3A_126], %swap3A_129 {strides = array<i32>} : memref<128xi32, #tpu.memory_space<vmem>>, vector<16xi32>,
    %shift_right_arithmetic3A_130 = arith.constant 16 : i32
    %shift_right_arithmetic3A_131 = vector.broadcast %shift_right_arithmetic3A_130 : i32 to vector<16xi32>
    %shift_right_arithmetic3A_132 = arith.shrsi %get3A_122, %shift_right_arithmetic3A_131 : vector<16xi32>
    %swap3A_133 = arith.constant 112 : index
    %swap3A_134 = tpu.vector_load %arg9[%swap3A_133] {strides = array<i32>} : memref<128xi32, #tpu.memory_space<vmem>>, vector<16xi32>,
    %swap3A_135 = vector.shape_cast %swap3A_134 : vector<16xi32> to vector<16xi32>
    %swap3A_136 = vector.shape_cast %shift_right_arithmetic3A_132 : vector<16xi32> to vector<16xi32>
    tpu.vector_store %arg9[%swap3A_133], %swap3A_136 {strides = array<i32>} : memref<128xi32, #tpu.memory_space<vmem>>, vector<16xi32>,
    %dma_start3A = arith.constant 0 : i32
    %dma_start3A_137 = arith.constant 0 : i32
    %dma_start3A_138 = tpu.memref_slice %arg3[%dma_start3A, %dma_start3A_137] : memref<10112x128xf32, #tpu.memory_space<hbm>> -> memref<10112x128xf32, #tpu.memory_space<hbm>>
    tpu.enqueue_indirect_dma source(%dma_start3A_138 : memref<10112x128xf32, #tpu.memory_space<hbm>>) target(%arg11 : memref<128x128xf32, #tpu.memory_space<vmem>>) offsets(%arg7 : memref<128xi32, #tpu.memory_space<vmem>>) semaphore(%arg14 : memref<!tpu.dma_semaphore, #tpu.memory_space<semaphore_mem>>)
    %scan3A = arith.constant 0 : i32
    %scan3A_139 = arith.constant 0 : i32
    %scan3A_140 = arith.constant 40 : i32
    %scan3A_141 = arith.addi %scan3A_139, %scan3A_140 : i32
    %scan3A_142 = arith.constant 1 : i32
    scf.for %scan3A_147 = %scan3A_139 to %scan3A_141 step %scan3A_142  : i32 {
      %mul3A_148 = arith.constant 2 : i32
      %mul3A_149 = arith.muli %mul3A_148, %scan3A_147 : i32
      %add3A_150 = arith.constant 1 : i32
      %add3A_151 = arith.addi %mul3A_149, %add3A_150 : i32
      %mul3A_152 = arith.constant 128 : i32
      %mul3A_153 = arith.muli %add3A_151, %mul3A_152 : i32
      %mul3A_154 = arith.constant 2 : i32
      %mul3A_155 = arith.muli %mul3A_154, %scan3A_147 : i32
      %add3A_156 = arith.constant 2 : i32
      %add3A_157 = arith.addi %mul3A_155, %add3A_156 : i32
      %mul3A_158 = arith.constant 128 : i32
      %mul3A_159 = arith.muli %add3A_157, %mul3A_158 : i32
      %add3A_160 = arith.constant 0 : i32
      %add3A_161 = arith.addi %mul3A_153, %add3A_160 : i32
      %get3A_162 = arith.index_cast %add3A_161 : i32 to index
      %get3A_163 = tpu.vector_load %arg6[%get3A_162] {strides = array<i32>} : memref<10368xi32, #tpu.memory_space<vmem>>, vector<16xi32>,
      %get3A_164 = vector.shape_cast %get3A_163 : vector<16xi32> to vector<16xi32>
      %and3A_165 = arith.constant 65535 : i32
      %and3A_166 = vector.broadcast %and3A_165 : i32 to vector<16xi32>
      %and3A_167 = arith.andi %get3A_164, %and3A_166 : vector<16xi32>
      %swap3A_168 = arith.constant 0 : index
      %swap3A_169 = tpu.vector_load %arg8[%swap3A_168] {strides = array<i32>} : memref<128xi32, #tpu.memory_space<vmem>>, vector<16xi32>,
      %swap3A_170 = vector.shape_cast %swap3A_169 : vector<16xi32> to vector<16xi32>
      %swap3A_171 = vector.shape_cast %and3A_167 : vector<16xi32> to vector<16xi32>
      tpu.vector_store %arg8[%swap3A_168], %swap3A_171 {strides = array<i32>} : memref<128xi32, #tpu.memory_space<vmem>>, vector<16xi32>,
      %shift_right_arithmetic3A_172 = arith.constant 16 : i32
      %shift_right_arithmetic3A_173 = vector.broadcast %shift_right_arithmetic3A_172 : i32 to vector<16xi32>
      %shift_right_arithmetic3A_174 = arith.shrsi %get3A_164, %shift_right_arithmetic3A_173 : vector<16xi32>
      %swap3A_175 = arith.constant 0 : index
      %swap3A_176 = tpu.vector_load %arg10[%swap3A_175] {strides = array<i32>} : memref<128xi32, #tpu.memory_space<vmem>>, vector<16xi32>,
      %swap3A_177 = vector.shape_cast %swap3A_176 : vector<16xi32> to vector<16xi32>
      %swap3A_178 = vector.shape_cast %shift_right_arithmetic3A_174 : vector<16xi32> to vector<16xi32>
      tpu.vector_store %arg10[%swap3A_175], %swap3A_178 {strides = array<i32>} : memref<128xi32, #tpu.memory_space<vmem>>, vector<16xi32>,
      %add3A_179 = arith.constant 16 : i32
      %add3A_180 = arith.addi %mul3A_153, %add3A_179 : i32
      %get3A_181 = arith.index_cast %add3A_180 : i32 to index
      %get3A_182 = tpu.vector_load %arg6[%get3A_181] {strides = array<i32>} : memref<10368xi32, #tpu.memory_space<vmem>>, vector<16xi32>,
      %get3A_183 = vector.shape_cast %get3A_182 : vector<16xi32> to vector<16xi32>
      %and3A_184 = arith.constant 65535 : i32
      %and3A_185 = vector.broadcast %and3A_184 : i32 to vector<16xi32>
      %and3A_186 = arith.andi %get3A_183, %and3A_185 : vector<16xi32>
      %swap3A_187 = arith.constant 16 : index
      %swap3A_188 = tpu.vector_load %arg8[%swap3A_187] {strides = array<i32>} : memref<128xi32, #tpu.memory_space<vmem>>, vector<16xi32>,
      %swap3A_189 = vector.shape_cast %swap3A_188 : vector<16xi32> to vector<16xi32>
      %swap3A_190 = vector.shape_cast %and3A_186 : vector<16xi32> to vector<16xi32>
      tpu.vector_store %arg8[%swap3A_187], %swap3A_190 {strides = array<i32>} : memref<128xi32, #tpu.memory_space<vmem>>, vector<16xi32>,
      %shift_right_arithmetic3A_191 = arith.constant 16 : i32
      %shift_right_arithmetic3A_192 = vector.broadcast %shift_right_arithmetic3A_191 : i32 to vector<16xi32>
      %shift_right_arithmetic3A_193 = arith.shrsi %get3A_183, %shift_right_arithmetic3A_192 : vector<16xi32>
      %swap3A_194 = arith.constant 16 : index
      %swap3A_195 = tpu.vector_load %arg10[%swap3A_194] {strides = array<i32>} : memref<128xi32, #tpu.memory_space<vmem>>, vector<16xi32>,
      %swap3A_196 = vector.shape_cast %swap3A_195 : vector<16xi32> to vector<16xi32>
      %swap3A_197 = vector.shape_cast %shift_right_arithmetic3A_193 : vector<16xi32> to vector<16xi32>
      tpu.vector_store %arg10[%swap3A_194], %swap3A_197 {strides = array<i32>} : memref<128xi32, #tpu.memory_space<vmem>>, vector<16xi32>,
      %add3A_198 = arith.constant 32 : i32
      %add3A_199 = arith.addi %mul3A_153, %add3A_198 : i32
      %get3A_200 = arith.index_cast %add3A_199 : i32 to index
      %get3A_201 = tpu.vector_load %arg6[%get3A_200] {strides = array<i32>} : memref<10368xi32, #tpu.memory_space<vmem>>, vector<16xi32>,
      %get3A_202 = vector.shape_cast %get3A_201 : vector<16xi32> to vector<16xi32>
      %and3A_203 = arith.constant 65535 : i32
      %and3A_204 = vector.broadcast %and3A_203 : i32 to vector<16xi32>
      %and3A_205 = arith.andi %get3A_202, %and3A_204 : vector<16xi32>
      %swap3A_206 = arith.constant 32 : index
      %swap3A_207 = tpu.vector_load %arg8[%swap3A_206] {strides = array<i32>} : memref<128xi32, #tpu.memory_space<vmem>>, vector<16xi32>,
      %swap3A_208 = vector.shape_cast %swap3A_207 : vector<16xi32> to vector<16xi32>
      %swap3A_209 = vector.shape_cast %and3A_205 : vector<16xi32> to vector<16xi32>
      tpu.vector_store %arg8[%swap3A_206], %swap3A_209 {strides = array<i32>} : memref<128xi32, #tpu.memory_space<vmem>>, vector<16xi32>,
      %shift_right_arithmetic3A_210 = arith.constant 16 : i32
      %shift_right_arithmetic3A_211 = vector.broadcast %shift_right_arithmetic3A_210 : i32 to vector<16xi32>
      %shift_right_arithmetic3A_212 = arith.shrsi %get3A_202, %shift_right_arithmetic3A_211 : vector<16xi32>
      %swap3A_213 = arith.constant 32 : index
      %swap3A_214 = tpu.vector_load %arg10[%swap3A_213] {strides = array<i32>} : memref<128xi32, #tpu.memory_space<vmem>>, vector<16xi32>,
      %swap3A_215 = vector.shape_cast %swap3A_214 : vector<16xi32> to vector<16xi32>
      %swap3A_216 = vector.shape_cast %shift_right_arithmetic3A_212 : vector<16xi32> to vector<16xi32>
      tpu.vector_store %arg10[%swap3A_213], %swap3A_216 {strides = array<i32>} : memref<128xi32, #tpu.memory_space<vmem>>, vector<16xi32>,
      %add3A_217 = arith.constant 48 : i32
      %add3A_218 = arith.addi %mul3A_153, %add3A_217 : i32
      %get3A_219 = arith.index_cast %add3A_218 : i32 to index
      %get3A_220 = tpu.vector_load %arg6[%get3A_219] {strides = array<i32>} : memref<10368xi32, #tpu.memory_space<vmem>>, vector<16xi32>,
      %get3A_221 = vector.shape_cast %get3A_220 : vector<16xi32> to vector<16xi32>
      %and3A_222 = arith.constant 65535 : i32
      %and3A_223 = vector.broadcast %and3A_222 : i32 to vector<16xi32>
      %and3A_224 = arith.andi %get3A_221, %and3A_223 : vector<16xi32>
      %swap3A_225 = arith.constant 48 : index
      %swap3A_226 = tpu.vector_load %arg8[%swap3A_225] {strides = array<i32>} : memref<128xi32, #tpu.memory_space<vmem>>, vector<16xi32>,
      %swap3A_227 = vector.shape_cast %swap3A_226 : vector<16xi32> to vector<16xi32>
      %swap3A_228 = vector.shape_cast %and3A_224 : vector<16xi32> to vector<16xi32>
      tpu.vector_store %arg8[%swap3A_225], %swap3A_228 {strides = array<i32>} : memref<128xi32, #tpu.memory_space<vmem>>, vector<16xi32>,
      %shift_right_arithmetic3A_229 = arith.constant 16 : i32
      %shift_right_arithmetic3A_230 = vector.broadcast %shift_right_arithmetic3A_229 : i32 to vector<16xi32>
      %shift_right_arithmetic3A_231 = arith.shrsi %get3A_221, %shift_right_arithmetic3A_230 : vector<16xi32>
      %swap3A_232 = arith.constant 48 : index
      %swap3A_233 = tpu.vector_load %arg10[%swap3A_232] {strides = array<i32>} : memref<128xi32, #tpu.memory_space<vmem>>, vector<16xi32>,
      %swap3A_234 = vector.shape_cast %swap3A_233 : vector<16xi32> to vector<16xi32>
      %swap3A_235 = vector.shape_cast %shift_right_arithmetic3A_231 : vector<16xi32> to vector<16xi32>
      tpu.vector_store %arg10[%swap3A_232], %swap3A_235 {strides = array<i32>} : memref<128xi32, #tpu.memory_space<vmem>>, vector<16xi32>,
      %add3A_236 = arith.constant 64 : i32
      %add3A_237 = arith.addi %mul3A_153, %add3A_236 : i32
      %get3A_238 = arith.index_cast %add3A_237 : i32 to index
      %get3A_239 = tpu.vector_load %arg6[%get3A_238] {strides = array<i32>} : memref<10368xi32, #tpu.memory_space<vmem>>, vector<16xi32>,
      %get3A_240 = vector.shape_cast %get3A_239 : vector<16xi32> to vector<16xi32>
      %and3A_241 = arith.constant 65535 : i32
      %and3A_242 = vector.broadcast %and3A_241 : i32 to vector<16xi32>
      %and3A_243 = arith.andi %get3A_240, %and3A_242 : vector<16xi32>
      %swap3A_244 = arith.constant 64 : index
      %swap3A_245 = tpu.vector_load %arg8[%swap3A_244] {strides = array<i32>} : memref<128xi32, #tpu.memory_space<vmem>>, vector<16xi32>,
      %swap3A_246 = vector.shape_cast %swap3A_245 : vector<16xi32> to vector<16xi32>
      %swap3A_247 = vector.shape_cast %and3A_243 : vector<16xi32> to vector<16xi32>
      tpu.vector_store %arg8[%swap3A_244], %swap3A_247 {strides = array<i32>} : memref<128xi32, #tpu.memory_space<vmem>>, vector<16xi32>,
      %shift_right_arithmetic3A_248 = arith.constant 16 : i32
      %shift_right_arithmetic3A_249 = vector.broadcast %shift_right_arithmetic3A_248 : i32 to vector<16xi32>
      %shift_right_arithmetic3A_250 = arith.shrsi %get3A_240, %shift_right_arithmetic3A_249 : vector<16xi32>
      %swap3A_251 = arith.constant 64 : index
      %swap3A_252 = tpu.vector_load %arg10[%swap3A_251] {strides = array<i32>} : memref<128xi32, #tpu.memory_space<vmem>>, vector<16xi32>,
      %swap3A_253 = vector.shape_cast %swap3A_252 : vector<16xi32> to vector<16xi32>
      %swap3A_254 = vector.shape_cast %shift_right_arithmetic3A_250 : vector<16xi32> to vector<16xi32>
      tpu.vector_store %arg10[%swap3A_251], %swap3A_254 {strides = array<i32>} : memref<128xi32, #tpu.memory_space<vmem>>, vector<16xi32>,
      %add3A_255 = arith.constant 80 : i32
      %add3A_256 = arith.addi %mul3A_153, %add3A_255 : i32
      %get3A_257 = arith.index_cast %add3A_256 : i32 to index
      %get3A_258 = tpu.vector_load %arg6[%get3A_257] {strides = array<i32>} : memref<10368xi32, #tpu.memory_space<vmem>>, vector<16xi32>,
      %get3A_259 = vector.shape_cast %get3A_258 : vector<16xi32> to vector<16xi32>
      %and3A_260 = arith.constant 65535 : i32
      %and3A_261 = vector.broadcast %and3A_260 : i32 to vector<16xi32>
      %and3A_262 = arith.andi %get3A_259, %and3A_261 : vector<16xi32>
      %swap3A_263 = arith.constant 80 : index
      %swap3A_264 = tpu.vector_load %arg8[%swap3A_263] {strides = array<i32>} : memref<128xi32, #tpu.memory_space<vmem>>, vector<16xi32>,
      %swap3A_265 = vector.shape_cast %swap3A_264 : vector<16xi32> to vector<16xi32>
      %swap3A_266 = vector.shape_cast %and3A_262 : vector<16xi32> to vector<16xi32>
      tpu.vector_store %arg8[%swap3A_263], %swap3A_266 {strides = array<i32>} : memref<128xi32, #tpu.memory_space<vmem>>, vector<16xi32>,
      %shift_right_arithmetic3A_267 = arith.constant 16 : i32
      %shift_right_arithmetic3A_268 = vector.broadcast %shift_right_arithmetic3A_267 : i32 to vector<16xi32>
      %shift_right_arithmetic3A_269 = arith.shrsi %get3A_259, %shift_right_arithmetic3A_268 : vector<16xi32>
      %swap3A_270 = arith.constant 80 : index
      %swap3A_271 = tpu.vector_load %arg10[%swap3A_270] {strides = array<i32>} : memref<128xi32, #tpu.memory_space<vmem>>, vector<16xi32>,
      %swap3A_272 = vector.shape_cast %swap3A_271 : vector<16xi32> to vector<16xi32>
      %swap3A_273 = vector.shape_cast %shift_right_arithmetic3A_269 : vector<16xi32> to vector<16xi32>
      tpu.vector_store %arg10[%swap3A_270], %swap3A_273 {strides = array<i32>} : memref<128xi32, #tpu.memory_space<vmem>>, vector<16xi32>,
      %add3A_274 = arith.constant 96 : i32
      %add3A_275 = arith.addi %mul3A_153, %add3A_274 : i32
      %get3A_276 = arith.index_cast %add3A_275 : i32 to index
      %get3A_277 = tpu.vector_load %arg6[%get3A_276] {strides = array<i32>} : memref<10368xi32, #tpu.memory_space<vmem>>, vector<16xi32>,
      %get3A_278 = vector.shape_cast %get3A_277 : vector<16xi32> to vector<16xi32>
      %and3A_279 = arith.constant 65535 : i32
      %and3A_280 = vector.broadcast %and3A_279 : i32 to vector<16xi32>
      %and3A_281 = arith.andi %get3A_278, %and3A_280 : vector<16xi32>
      %swap3A_282 = arith.constant 96 : index
      %swap3A_283 = tpu.vector_load %arg8[%swap3A_282] {strides = array<i32>} : memref<128xi32, #tpu.memory_space<vmem>>, vector<16xi32>,
      %swap3A_284 = vector.shape_cast %swap3A_283 : vector<16xi32> to vector<16xi32>
      %swap3A_285 = vector.shape_cast %and3A_281 : vector<16xi32> to vector<16xi32>
      tpu.vector_store %arg8[%swap3A_282], %swap3A_285 {strides = array<i32>} : memref<128xi32, #tpu.memory_space<vmem>>, vector<16xi32>,
      %shift_right_arithmetic3A_286 = arith.constant 16 : i32
      %shift_right_arithmetic3A_287 = vector.broadcast %shift_right_arithmetic3A_286 : i32 to vector<16xi32>
      %shift_right_arithmetic3A_288 = arith.shrsi %get3A_278, %shift_right_arithmetic3A_287 : vector<16xi32>
      %swap3A_289 = arith.constant 96 : index
      %swap3A_290 = tpu.vector_load %arg10[%swap3A_289] {strides = array<i32>} : memref<128xi32, #tpu.memory_space<vmem>>, vector<16xi32>,
      %swap3A_291 = vector.shape_cast %swap3A_290 : vector<16xi32> to vector<16xi32>
      %swap3A_292 = vector.shape_cast %shift_right_arithmetic3A_288 : vector<16xi32> to vector<16xi32>
      tpu.vector_store %arg10[%swap3A_289], %swap3A_292 {strides = array<i32>} : memref<128xi32, #tpu.memory_space<vmem>>, vector<16xi32>,
      %add3A_293 = arith.constant 112 : i32
      %add3A_294 = arith.addi %mul3A_153, %add3A_293 : i32
      %get3A_295 = arith.index_cast %add3A_294 : i32 to index
      %get3A_296 = tpu.vector_load %arg6[%get3A_295] {strides = array<i32>} : memref<10368xi32, #tpu.memory_space<vmem>>, vector<16xi32>,
      %get3A_297 = vector.shape_cast %get3A_296 : vector<16xi32> to vector<16xi32>
      %and3A_298 = arith.constant 65535 : i32
      %and3A_299 = vector.broadcast %and3A_298 : i32 to vector<16xi32>
      %and3A_300 = arith.andi %get3A_297, %and3A_299 : vector<16xi32>
      %swap3A_301 = arith.constant 112 : index
      %swap3A_302 = tpu.vector_load %arg8[%swap3A_301] {strides = array<i32>} : memref<128xi32, #tpu.memory_space<vmem>>, vector<16xi32>,
      %swap3A_303 = vector.shape_cast %swap3A_302 : vector<16xi32> to vector<16xi32>
      %swap3A_304 = vector.shape_cast %and3A_300 : vector<16xi32> to vector<16xi32>
      tpu.vector_store %arg8[%swap3A_301], %swap3A_304 {strides = array<i32>} : memref<128xi32, #tpu.memory_space<vmem>>, vector<16xi32>,
      %shift_right_arithmetic3A_305 = arith.constant 16 : i32
      %shift_right_arithmetic3A_306 = vector.broadcast %shift_right_arithmetic3A_305 : i32 to vector<16xi32>
      %shift_right_arithmetic3A_307 = arith.shrsi %get3A_297, %shift_right_arithmetic3A_306 : vector<16xi32>
      %swap3A_308 = arith.constant 112 : index
      %swap3A_309 = tpu.vector_load %arg10[%swap3A_308] {strides = array<i32>} : memref<128xi32, #tpu.memory_space<vmem>>, vector<16xi32>,
      %swap3A_310 = vector.shape_cast %swap3A_309 : vector<16xi32> to vector<16xi32>
      %swap3A_311 = vector.shape_cast %shift_right_arithmetic3A_307 : vector<16xi32> to vector<16xi32>
      tpu.vector_store %arg10[%swap3A_308], %swap3A_311 {strides = array<i32>} : memref<128xi32, #tpu.memory_space<vmem>>, vector<16xi32>,
      %dma_start3A_312 = arith.constant 0 : i32
      %dma_start3A_313 = arith.constant 0 : i32
      %dma_start3A_314 = tpu.memref_slice %arg3[%dma_start3A_312, %dma_start3A_313] : memref<10112x128xf32, #tpu.memory_space<hbm>> -> memref<10112x128xf32, #tpu.memory_space<hbm>>
      tpu.enqueue_indirect_dma source(%dma_start3A_314 : memref<10112x128xf32, #tpu.memory_space<hbm>>) target(%arg12 : memref<128x128xf32, #tpu.memory_space<vmem>>) offsets(%arg8 : memref<128xi32, #tpu.memory_space<vmem>>) semaphore(%arg15 : memref<!tpu.dma_semaphore, #tpu.memory_space<semaphore_mem>>)
      %dma_wait3A_315 = arith.constant 0 : i32
      %dma_wait3A_316 = arith.constant 0 : i32
      %dma_wait3A_317 = tpu.memref_slice %arg3[%dma_wait3A_315, %dma_wait3A_316] : memref<10112x128xf32, #tpu.memory_space<hbm>> -> memref<10112x128xf32, #tpu.memory_space<hbm>>
      tpu.wait_indirect_dma semaphore(%arg14 : memref<!tpu.dma_semaphore, #tpu.memory_space<semaphore_mem>>) src(%dma_wait3A_317 : memref<10112x128xf32, #tpu.memory_space<hbm>>) dst(%arg11 : memref<128x128xf32, #tpu.memory_space<vmem>>)
      "tpu.region"() ({
        %run_scoped3A = tpu.sem_alloc : memref<!tpu.dma_semaphore, #tpu.memory_space<semaphore_mem>>
        %dma_start3A_476 = arith.constant 0 : i32
        %dma_start3A_477 = arith.constant 0 : i32
        %dma_start3A_478 = tpu.memref_slice %arg13[%dma_start3A_476, %dma_start3A_477] : memref<10112x128xf32, #tpu.memory_space<vmem_shared>> -> memref<10112x128xf32, #tpu.memory_space<vmem_shared>>
        tpu.enqueue_indirect_dma source(%arg11 : memref<128x128xf32, #tpu.memory_space<vmem>>) target(%dma_start3A_478 : memref<10112x128xf32, #tpu.memory_space<vmem_shared>>) offsets(%arg9 : memref<128xi32, #tpu.memory_space<vmem>>) semaphore(%run_scoped3A : memref<!tpu.dma_semaphore, #tpu.memory_space<semaphore_mem>>) {add = true}
        %dma_wait3A_479 = arith.constant 0 : i32
        %dma_wait3A_480 = arith.constant 0 : i32
        %dma_wait3A_481 = tpu.memref_slice %arg13[%dma_wait3A_479, %dma_wait3A_480] : memref<10112x128xf32, #tpu.memory_space<vmem_shared>> -> memref<10112x128xf32, #tpu.memory_space<vmem_shared>>
        tpu.wait_indirect_dma semaphore(%run_scoped3A : memref<!tpu.dma_semaphore, #tpu.memory_space<semaphore_mem>>) src(%arg11 : memref<128x128xf32, #tpu.memory_space<vmem>>) dst(%dma_wait3A_481 : memref<10112x128xf32, #tpu.memory_space<vmem_shared>>)
        tpu.yield
      }) : () -> ()
      %add3A_318 = arith.constant 0 : i32
      %add3A_319 = arith.addi %mul3A_159, %add3A_318 : i32
      %get3A_320 = arith.index_cast %add3A_319 : i32 to index
      %get3A_321 = tpu.vector_load %arg6[%get3A_320] {strides = array<i32>} : memref<10368xi32, #tpu.memory_space<vmem>>, vector<16xi32>,
      %get3A_322 = vector.shape_cast %get3A_321 : vector<16xi32> to vector<16xi32>
      %and3A_323 = arith.constant 65535 : i32
      %and3A_324 = vector.broadcast %and3A_323 : i32 to vector<16xi32>
      %and3A_325 = arith.andi %get3A_322, %and3A_324 : vector<16xi32>
      %swap3A_326 = arith.constant 0 : index
      %swap3A_327 = tpu.vector_load %arg7[%swap3A_326] {strides = array<i32>} : memref<128xi32, #tpu.memory_space<vmem>>, vector<16xi32>,
      %swap3A_328 = vector.shape_cast %swap3A_327 : vector<16xi32> to vector<16xi32>
      %swap3A_329 = vector.shape_cast %and3A_325 : vector<16xi32> to vector<16xi32>
      tpu.vector_store %arg7[%swap3A_326], %swap3A_329 {strides = array<i32>} : memref<128xi32, #tpu.memory_space<vmem>>, vector<16xi32>,
      %shift_right_arithmetic3A_330 = arith.constant 16 : i32
      %shift_right_arithmetic3A_331 = vector.broadcast %shift_right_arithmetic3A_330 : i32 to vector<16xi32>
      %shift_right_arithmetic3A_332 = arith.shrsi %get3A_322, %shift_right_arithmetic3A_331 : vector<16xi32>
      %swap3A_333 = arith.constant 0 : index
      %swap3A_334 = tpu.vector_load %arg9[%swap3A_333] {strides = array<i32>} : memref<128xi32, #tpu.memory_space<vmem>>, vector<16xi32>,
      %swap3A_335 = vector.shape_cast %swap3A_334 : vector<16xi32> to vector<16xi32>
      %swap3A_336 = vector.shape_cast %shift_right_arithmetic3A_332 : vector<16xi32> to vector<16xi32>
      tpu.vector_store %arg9[%swap3A_333], %swap3A_336 {strides = array<i32>} : memref<128xi32, #tpu.memory_space<vmem>>, vector<16xi32>,
      %add3A_337 = arith.constant 16 : i32
      %add3A_338 = arith.addi %mul3A_159, %add3A_337 : i32
      %get3A_339 = arith.index_cast %add3A_338 : i32 to index
      %get3A_340 = tpu.vector_load %arg6[%get3A_339] {strides = array<i32>} : memref<10368xi32, #tpu.memory_space<vmem>>, vector<16xi32>,
      %get3A_341 = vector.shape_cast %get3A_340 : vector<16xi32> to vector<16xi32>
      %and3A_342 = arith.constant 65535 : i32
      %and3A_343 = vector.broadcast %and3A_342 : i32 to vector<16xi32>
      %and3A_344 = arith.andi %get3A_341, %and3A_343 : vector<16xi32>
      %swap3A_345 = arith.constant 16 : index
      %swap3A_346 = tpu.vector_load %arg7[%swap3A_345] {strides = array<i32>} : memref<128xi32, #tpu.memory_space<vmem>>, vector<16xi32>,
      %swap3A_347 = vector.shape_cast %swap3A_346 : vector<16xi32> to vector<16xi32>
      %swap3A_348 = vector.shape_cast %and3A_344 : vector<16xi32> to vector<16xi32>
      tpu.vector_store %arg7[%swap3A_345], %swap3A_348 {strides = array<i32>} : memref<128xi32, #tpu.memory_space<vmem>>, vector<16xi32>,
      %shift_right_arithmetic3A_349 = arith.constant 16 : i32
      %shift_right_arithmetic3A_350 = vector.broadcast %shift_right_arithmetic3A_349 : i32 to vector<16xi32>
      %shift_right_arithmetic3A_351 = arith.shrsi %get3A_341, %shift_right_arithmetic3A_350 : vector<16xi32>
      %swap3A_352 = arith.constant 16 : index
      %swap3A_353 = tpu.vector_load %arg9[%swap3A_352] {strides = array<i32>} : memref<128xi32, #tpu.memory_space<vmem>>, vector<16xi32>,
      %swap3A_354 = vector.shape_cast %swap3A_353 : vector<16xi32> to vector<16xi32>
      %swap3A_355 = vector.shape_cast %shift_right_arithmetic3A_351 : vector<16xi32> to vector<16xi32>
      tpu.vector_store %arg9[%swap3A_352], %swap3A_355 {strides = array<i32>} : memref<128xi32, #tpu.memory_space<vmem>>, vector<16xi32>,
      %add3A_356 = arith.constant 32 : i32
      %add3A_357 = arith.addi %mul3A_159, %add3A_356 : i32
      %get3A_358 = arith.index_cast %add3A_357 : i32 to index
      %get3A_359 = tpu.vector_load %arg6[%get3A_358] {strides = array<i32>} : memref<10368xi32, #tpu.memory_space<vmem>>, vector<16xi32>,
      %get3A_360 = vector.shape_cast %get3A_359 : vector<16xi32> to vector<16xi32>
      %and3A_361 = arith.constant 65535 : i32
      %and3A_362 = vector.broadcast %and3A_361 : i32 to vector<16xi32>
      %and3A_363 = arith.andi %get3A_360, %and3A_362 : vector<16xi32>
      %swap3A_364 = arith.constant 32 : index
      %swap3A_365 = tpu.vector_load %arg7[%swap3A_364] {strides = array<i32>} : memref<128xi32, #tpu.memory_space<vmem>>, vector<16xi32>,
      %swap3A_366 = vector.shape_cast %swap3A_365 : vector<16xi32> to vector<16xi32>
      %swap3A_367 = vector.shape_cast %and3A_363 : vector<16xi32> to vector<16xi32>
      tpu.vector_store %arg7[%swap3A_364], %swap3A_367 {strides = array<i32>} : memref<128xi32, #tpu.memory_space<vmem>>, vector<16xi32>,
      %shift_right_arithmetic3A_368 = arith.constant 16 : i32
      %shift_right_arithmetic3A_369 = vector.broadcast %shift_right_arithmetic3A_368 : i32 to vector<16xi32>
      %shift_right_arithmetic3A_370 = arith.shrsi %get3A_360, %shift_right_arithmetic3A_369 : vector<16xi32>
      %swap3A_371 = arith.constant 32 : index
      %swap3A_372 = tpu.vector_load %arg9[%swap3A_371] {strides = array<i32>} : memref<128xi32, #tpu.memory_space<vmem>>, vector<16xi32>,
      %swap3A_373 = vector.shape_cast %swap3A_372 : vector<16xi32> to vector<16xi32>
      %swap3A_374 = vector.shape_cast %shift_right_arithmetic3A_370 : vector<16xi32> to vector<16xi32>
      tpu.vector_store %arg9[%swap3A_371], %swap3A_374 {strides = array<i32>} : memref<128xi32, #tpu.memory_space<vmem>>, vector<16xi32>,
      %add3A_375 = arith.constant 48 : i32
      %add3A_376 = arith.addi %mul3A_159, %add3A_375 : i32
      %get3A_377 = arith.index_cast %add3A_376 : i32 to index
      %get3A_378 = tpu.vector_load %arg6[%get3A_377] {strides = array<i32>} : memref<10368xi32, #tpu.memory_space<vmem>>, vector<16xi32>,
      %get3A_379 = vector.shape_cast %get3A_378 : vector<16xi32> to vector<16xi32>
      %and3A_380 = arith.constant 65535 : i32
      %and3A_381 = vector.broadcast %and3A_380 : i32 to vector<16xi32>
      %and3A_382 = arith.andi %get3A_379, %and3A_381 : vector<16xi32>
      %swap3A_383 = arith.constant 48 : index
      %swap3A_384 = tpu.vector_load %arg7[%swap3A_383] {strides = array<i32>} : memref<128xi32, #tpu.memory_space<vmem>>, vector<16xi32>,
      %swap3A_385 = vector.shape_cast %swap3A_384 : vector<16xi32> to vector<16xi32>
      %swap3A_386 = vector.shape_cast %and3A_382 : vector<16xi32> to vector<16xi32>
      tpu.vector_store %arg7[%swap3A_383], %swap3A_386 {strides = array<i32>} : memref<128xi32, #tpu.memory_space<vmem>>, vector<16xi32>,
      %shift_right_arithmetic3A_387 = arith.constant 16 : i32
      %shift_right_arithmetic3A_388 = vector.broadcast %shift_right_arithmetic3A_387 : i32 to vector<16xi32>
      %shift_right_arithmetic3A_389 = arith.shrsi %get3A_379, %shift_right_arithmetic3A_388 : vector<16xi32>
      %swap3A_390 = arith.constant 48 : index
      %swap3A_391 = tpu.vector_load %arg9[%swap3A_390] {strides = array<i32>} : memref<128xi32, #tpu.memory_space<vmem>>, vector<16xi32>,
      %swap3A_392 = vector.shape_cast %swap3A_391 : vector<16xi32> to vector<16xi32>
      %swap3A_393 = vector.shape_cast %shift_right_arithmetic3A_389 : vector<16xi32> to vector<16xi32>
      tpu.vector_store %arg9[%swap3A_390], %swap3A_393 {strides = array<i32>} : memref<128xi32, #tpu.memory_space<vmem>>, vector<16xi32>,
      %add3A_394 = arith.constant 64 : i32
      %add3A_395 = arith.addi %mul3A_159, %add3A_394 : i32
      %get3A_396 = arith.index_cast %add3A_395 : i32 to index
      %get3A_397 = tpu.vector_load %arg6[%get3A_396] {strides = array<i32>} : memref<10368xi32, #tpu.memory_space<vmem>>, vector<16xi32>,
      %get3A_398 = vector.shape_cast %get3A_397 : vector<16xi32> to vector<16xi32>
      %and3A_399 = arith.constant 65535 : i32
      %and3A_400 = vector.broadcast %and3A_399 : i32 to vector<16xi32>
      %and3A_401 = arith.andi %get3A_398, %and3A_400 : vector<16xi32>
      %swap3A_402 = arith.constant 64 : index
      %swap3A_403 = tpu.vector_load %arg7[%swap3A_402] {strides = array<i32>} : memref<128xi32, #tpu.memory_space<vmem>>, vector<16xi32>,
      %swap3A_404 = vector.shape_cast %swap3A_403 : vector<16xi32> to vector<16xi32>
      %swap3A_405 = vector.shape_cast %and3A_401 : vector<16xi32> to vector<16xi32>
      tpu.vector_store %arg7[%swap3A_402], %swap3A_405 {strides = array<i32>} : memref<128xi32, #tpu.memory_space<vmem>>, vector<16xi32>,
      %shift_right_arithmetic3A_406 = arith.constant 16 : i32
      %shift_right_arithmetic3A_407 = vector.broadcast %shift_right_arithmetic3A_406 : i32 to vector<16xi32>
      %shift_right_arithmetic3A_408 = arith.shrsi %get3A_398, %shift_right_arithmetic3A_407 : vector<16xi32>
      %swap3A_409 = arith.constant 64 : index
      %swap3A_410 = tpu.vector_load %arg9[%swap3A_409] {strides = array<i32>} : memref<128xi32, #tpu.memory_space<vmem>>, vector<16xi32>,
      %swap3A_411 = vector.shape_cast %swap3A_410 : vector<16xi32> to vector<16xi32>
      %swap3A_412 = vector.shape_cast %shift_right_arithmetic3A_408 : vector<16xi32> to vector<16xi32>
      tpu.vector_store %arg9[%swap3A_409], %swap3A_412 {strides = array<i32>} : memref<128xi32, #tpu.memory_space<vmem>>, vector<16xi32>,
      %add3A_413 = arith.constant 80 : i32
      %add3A_414 = arith.addi %mul3A_159, %add3A_413 : i32
      %get3A_415 = arith.index_cast %add3A_414 : i32 to index
      %get3A_416 = tpu.vector_load %arg6[%get3A_415] {strides = array<i32>} : memref<10368xi32, #tpu.memory_space<vmem>>, vector<16xi32>,
      %get3A_417 = vector.shape_cast %get3A_416 : vector<16xi32> to vector<16xi32>
      %and3A_418 = arith.constant 65535 : i32
      %and3A_419 = vector.broadcast %and3A_418 : i32 to vector<16xi32>
      %and3A_420 = arith.andi %get3A_417, %and3A_419 : vector<16xi32>
      %swap3A_421 = arith.constant 80 : index
      %swap3A_422 = tpu.vector_load %arg7[%swap3A_421] {strides = array<i32>} : memref<128xi32, #tpu.memory_space<vmem>>, vector<16xi32>,
      %swap3A_423 = vector.shape_cast %swap3A_422 : vector<16xi32> to vector<16xi32>
      %swap3A_424 = vector.shape_cast %and3A_420 : vector<16xi32> to vector<16xi32>
      tpu.vector_store %arg7[%swap3A_421], %swap3A_424 {strides = array<i32>} : memref<128xi32, #tpu.memory_space<vmem>>, vector<16xi32>,
      %shift_right_arithmetic3A_425 = arith.constant 16 : i32
      %shift_right_arithmetic3A_426 = vector.broadcast %shift_right_arithmetic3A_425 : i32 to vector<16xi32>
      %shift_right_arithmetic3A_427 = arith.shrsi %get3A_417, %shift_right_arithmetic3A_426 : vector<16xi32>
      %swap3A_428 = arith.constant 80 : index
      %swap3A_429 = tpu.vector_load %arg9[%swap3A_428] {strides = array<i32>} : memref<128xi32, #tpu.memory_space<vmem>>, vector<16xi32>,
      %swap3A_430 = vector.shape_cast %swap3A_429 : vector<16xi32> to vector<16xi32>
      %swap3A_431 = vector.shape_cast %shift_right_arithmetic3A_427 : vector<16xi32> to vector<16xi32>
      tpu.vector_store %arg9[%swap3A_428], %swap3A_431 {strides = array<i32>} : memref<128xi32, #tpu.memory_space<vmem>>, vector<16xi32>,
      %add3A_432 = arith.constant 96 : i32
      %add3A_433 = arith.addi %mul3A_159, %add3A_432 : i32
      %get3A_434 = arith.index_cast %add3A_433 : i32 to index
      %get3A_435 = tpu.vector_load %arg6[%get3A_434] {strides = array<i32>} : memref<10368xi32, #tpu.memory_space<vmem>>, vector<16xi32>,
      %get3A_436 = vector.shape_cast %get3A_435 : vector<16xi32> to vector<16xi32>
      %and3A_437 = arith.constant 65535 : i32
      %and3A_438 = vector.broadcast %and3A_437 : i32 to vector<16xi32>
      %and3A_439 = arith.andi %get3A_436, %and3A_438 : vector<16xi32>
      %swap3A_440 = arith.constant 96 : index
      %swap3A_441 = tpu.vector_load %arg7[%swap3A_440] {strides = array<i32>} : memref<128xi32, #tpu.memory_space<vmem>>, vector<16xi32>,
      %swap3A_442 = vector.shape_cast %swap3A_441 : vector<16xi32> to vector<16xi32>
      %swap3A_443 = vector.shape_cast %and3A_439 : vector<16xi32> to vector<16xi32>
      tpu.vector_store %arg7[%swap3A_440], %swap3A_443 {strides = array<i32>} : memref<128xi32, #tpu.memory_space<vmem>>, vector<16xi32>,
      %shift_right_arithmetic3A_444 = arith.constant 16 : i32
      %shift_right_arithmetic3A_445 = vector.broadcast %shift_right_arithmetic3A_444 : i32 to vector<16xi32>
      %shift_right_arithmetic3A_446 = arith.shrsi %get3A_436, %shift_right_arithmetic3A_445 : vector<16xi32>
      %swap3A_447 = arith.constant 96 : index
      %swap3A_448 = tpu.vector_load %arg9[%swap3A_447] {strides = array<i32>} : memref<128xi32, #tpu.memory_space<vmem>>, vector<16xi32>,
      %swap3A_449 = vector.shape_cast %swap3A_448 : vector<16xi32> to vector<16xi32>
      %swap3A_450 = vector.shape_cast %shift_right_arithmetic3A_446 : vector<16xi32> to vector<16xi32>
      tpu.vector_store %arg9[%swap3A_447], %swap3A_450 {strides = array<i32>} : memref<128xi32, #tpu.memory_space<vmem>>, vector<16xi32>,
      %add3A_451 = arith.constant 112 : i32
      %add3A_452 = arith.addi %mul3A_159, %add3A_451 : i32
      %get3A_453 = arith.index_cast %add3A_452 : i32 to index
      %get3A_454 = tpu.vector_load %arg6[%get3A_453] {strides = array<i32>} : memref<10368xi32, #tpu.memory_space<vmem>>, vector<16xi32>,
      %get3A_455 = vector.shape_cast %get3A_454 : vector<16xi32> to vector<16xi32>
      %and3A_456 = arith.constant 65535 : i32
      %and3A_457 = vector.broadcast %and3A_456 : i32 to vector<16xi32>
      %and3A_458 = arith.andi %get3A_455, %and3A_457 : vector<16xi32>
      %swap3A_459 = arith.constant 112 : index
      %swap3A_460 = tpu.vector_load %arg7[%swap3A_459] {strides = array<i32>} : memref<128xi32, #tpu.memory_space<vmem>>, vector<16xi32>,
      %swap3A_461 = vector.shape_cast %swap3A_460 : vector<16xi32> to vector<16xi32>
      %swap3A_462 = vector.shape_cast %and3A_458 : vector<16xi32> to vector<16xi32>
      tpu.vector_store %arg7[%swap3A_459], %swap3A_462 {strides = array<i32>} : memref<128xi32, #tpu.memory_space<vmem>>, vector<16xi32>,
      %shift_right_arithmetic3A_463 = arith.constant 16 : i32
      %shift_right_arithmetic3A_464 = vector.broadcast %shift_right_arithmetic3A_463 : i32 to vector<16xi32>
      %shift_right_arithmetic3A_465 = arith.shrsi %get3A_455, %shift_right_arithmetic3A_464 : vector<16xi32>
      %swap3A_466 = arith.constant 112 : index
      %swap3A_467 = tpu.vector_load %arg9[%swap3A_466] {strides = array<i32>} : memref<128xi32, #tpu.memory_space<vmem>>, vector<16xi32>,
      %swap3A_468 = vector.shape_cast %swap3A_467 : vector<16xi32> to vector<16xi32>
      %swap3A_469 = vector.shape_cast %shift_right_arithmetic3A_465 : vector<16xi32> to vector<16xi32>
      tpu.vector_store %arg9[%swap3A_466], %swap3A_469 {strides = array<i32>} : memref<128xi32, #tpu.memory_space<vmem>>, vector<16xi32>,
      %dma_start3A_470 = arith.constant 0 : i32
      %dma_start3A_471 = arith.constant 0 : i32
      %dma_start3A_472 = tpu.memref_slice %arg3[%dma_start3A_470, %dma_start3A_471] : memref<10112x128xf32, #tpu.memory_space<hbm>> -> memref<10112x128xf32, #tpu.memory_space<hbm>>
      tpu.enqueue_indirect_dma source(%dma_start3A_472 : memref<10112x128xf32, #tpu.memory_space<hbm>>) target(%arg11 : memref<128x128xf32, #tpu.memory_space<vmem>>) offsets(%arg7 : memref<128xi32, #tpu.memory_space<vmem>>) semaphore(%arg14 : memref<!tpu.dma_semaphore, #tpu.memory_space<semaphore_mem>>)
      %dma_wait3A_473 = arith.constant 0 : i32
      %dma_wait3A_474 = arith.constant 0 : i32
      %dma_wait3A_475 = tpu.memref_slice %arg3[%dma_wait3A_473, %dma_wait3A_474] : memref<10112x128xf32, #tpu.memory_space<hbm>> -> memref<10112x128xf32, #tpu.memory_space<hbm>>
      tpu.wait_indirect_dma semaphore(%arg15 : memref<!tpu.dma_semaphore, #tpu.memory_space<semaphore_mem>>) src(%dma_wait3A_475 : memref<10112x128xf32, #tpu.memory_space<hbm>>) dst(%arg12 : memref<128x128xf32, #tpu.memory_space<vmem>>)
      "tpu.region"() ({
        %run_scoped3A = tpu.sem_alloc : memref<!tpu.dma_semaphore, #tpu.memory_space<semaphore_mem>>
        %dma_start3A_476 = arith.constant 0 : i32
        %dma_start3A_477 = arith.constant 0 : i32
        %dma_start3A_478 = tpu.memref_slice %arg13[%dma_start3A_476, %dma_start3A_477] : memref<10112x128xf32, #tpu.memory_space<vmem_shared>> -> memref<10112x128xf32, #tpu.memory_space<vmem_shared>>
        tpu.enqueue_indirect_dma source(%arg12 : memref<128x128xf32, #tpu.memory_space<vmem>>) target(%dma_start3A_478 : memref<10112x128xf32, #tpu.memory_space<vmem_shared>>) offsets(%arg10 : memref<128xi32, #tpu.memory_space<vmem>>) semaphore(%run_scoped3A : memref<!tpu.dma_semaphore, #tpu.memory_space<semaphore_mem>>) {add = true}
        %dma_wait3A_479 = arith.constant 0 : i32
        %dma_wait3A_480 = arith.constant 0 : i32
        %dma_wait3A_481 = tpu.memref_slice %arg13[%dma_wait3A_479, %dma_wait3A_480] : memref<10112x128xf32, #tpu.memory_space<vmem_shared>> -> memref<10112x128xf32, #tpu.memory_space<vmem_shared>>
        tpu.wait_indirect_dma semaphore(%run_scoped3A : memref<!tpu.dma_semaphore, #tpu.memory_space<semaphore_mem>>) src(%arg12 : memref<128x128xf32, #tpu.memory_space<vmem>>) dst(%dma_wait3A_481 : memref<10112x128xf32, #tpu.memory_space<vmem_shared>>)
        tpu.yield
      }) : () -> ()
    }
    %scan3A_143 = arith.constant 40 : i32
    %dma_wait3A = arith.constant 0 : i32
    %dma_wait3A_144 = arith.constant 0 : i32
    %dma_wait3A_145 = tpu.memref_slice %arg3[%dma_wait3A, %dma_wait3A_144] : memref<10112x128xf32, #tpu.memory_space<hbm>> -> memref<10112x128xf32, #tpu.memory_space<hbm>>
    tpu.wait_indirect_dma semaphore(%arg14 : memref<!tpu.dma_semaphore, #tpu.memory_space<semaphore_mem>>) src(%dma_wait3A_145 : memref<10112x128xf32, #tpu.memory_space<hbm>>) dst(%arg11 : memref<128x128xf32, #tpu.memory_space<vmem>>)
    %barrier3A_146 = arith.constant 0 : index
    tpu.barrier barrier_id(%barrier3A_146)
    "tpu.region"() ({
      %run_scoped3A = tpu.sem_alloc : memref<!tpu.dma_semaphore, #tpu.memory_space<semaphore_mem>>
      %dma_start3A_147 = arith.constant 0 : i32
      %dma_start3A_148 = tpu.memref_slice %arg5[%arg0, %mul3A_4, %dma_start3A_147] : memref<2x10112x128xf32, #tpu.memory_space<hbm>> -> memref<1x632x128xf32, #tpu.memory_space<hbm>>
      %dma_start3A_149 = tpu.memref_squeeze %dma_start3A_148 : memref<1x632x128xf32, #tpu.memory_space<hbm>> -> memref<632x128xf32, #tpu.memory_space<hbm>>
      %dma_start3A_150 = arith.constant 0 : i32
      %dma_start3A_151 = tpu.memref_slice %arg13[%mul3A_4, %dma_start3A_150] : memref<10112x128xf32, #tpu.memory_space<vmem_shared>> -> memref<632x128xf32, #tpu.memory_space<vmem_shared>>
      tpu.enqueue_dma source(%dma_start3A_151 : memref<632x128xf32, #tpu.memory_space<vmem_shared>>) target(%dma_start3A_149 : memref<632x128xf32, #tpu.memory_space<hbm>>) target_semaphore(%run_scoped3A : memref<!tpu.dma_semaphore, #tpu.memory_space<semaphore_mem>>)
      %dma_wait3A_152 = arith.constant 0 : i32
      %dma_wait3A_153 = tpu.memref_slice %arg5[%arg0, %mul3A_4, %dma_wait3A_152] : memref<2x10112x128xf32, #tpu.memory_space<hbm>> -> memref<1x632x128xf32, #tpu.memory_space<hbm>>
      %dma_wait3A_154 = tpu.memref_squeeze %dma_wait3A_153 : memref<1x632x128xf32, #tpu.memory_space<hbm>> -> memref<632x128xf32, #tpu.memory_space<hbm>>
      %dma_wait3A_155 = arith.constant 0 : i32
      %dma_wait3A_156 = tpu.memref_slice %arg13[%mul3A_4, %dma_wait3A_155] : memref<10112x128xf32, #tpu.memory_space<vmem_shared>> -> memref<632x128xf32, #tpu.memory_space<vmem_shared>>
      tpu.wait_dma2 semaphore(%run_scoped3A : memref<!tpu.dma_semaphore, #tpu.memory_space<semaphore_mem>>) src(%dma_wait3A_156 : memref<632x128xf32, #tpu.memory_space<vmem_shared>>) dst(%dma_wait3A_154 : memref<632x128xf32, #tpu.memory_space<hbm>>)
      tpu.yield
    }) : () -> ()
    return
  }
}

#map = affine_map<(d0, d1) -> (0)>
#map1 = affine_map<(d0, d1) -> (0, 0)>
#map2 = affine_map<(d0, d1) -> (0, 0, 0)>
module attributes {stable_mosaic.version = 14 : i64} {
  func.func @_hop_body(%arg0: i32, %arg1: i32, %arg2: memref<327808xi32, #tpu.memory_space<hbm>>, %arg3: memref<10112x128xf32, #tpu.memory_space<hbm>>, %arg4: memref<10112x128xf32, #tpu.memory_space<hbm>>, %arg5: memref<2x10112x128xf32, #tpu.memory_space<hbm>>, %arg6: memref<10368xi32, #tpu.memory_space<vmem>>, %arg7: memref<128xi32, #tpu.memory_space<vmem>>, %arg8: memref<128xi32, #tpu.memory_space<vmem>>, %arg9: memref<128xi32, #tpu.memory_space<vmem>>, %arg10: memref<128xi32, #tpu.memory_space<vmem>>, %arg11: memref<128x128xf32, #tpu.memory_space<vmem>>, %arg12: memref<128x128xf32, #tpu.memory_space<vmem>>, %arg13: memref<10112x128xf32, #tpu.memory_space<vmem_shared>>, %arg14: memref<!tpu.dma_semaphore, #tpu.memory_space<semaphore_mem>>, %arg15: memref<!tpu.dma_semaphore, #tpu.memory_space<semaphore_mem>>, %arg16: memref<!tpu.dma_semaphore, #tpu.memory_space<semaphore_mem>>, %arg17: memref<!tpu.dma_semaphore, #tpu.memory_space<semaphore_mem>>) attributes {dimension_semantics = [#tpu.dimension_semantics<core_parallel>, #tpu.dimension_semantics<subcore_parallel>], iteration_bounds = array<i64: 2, 16>, scalar_prefetch = 0 : i64, scratch_operands = 12 : i64, tpu.core_type = #tpu.core_type<sc_vector_subcore>, window_params = [{transform_indices = #map}, {transform_indices = #map1}, {transform_indices = #map1}, {transform_indices = #map2}]} {
    %mul3A = arith.constant 16 : i32
    %mul3A_0 = arith.muli %arg0, %mul3A : i32
    %add3A = arith.addi %mul3A_0, %arg1 : i32
    %mul3A_1 = arith.constant 10240 : i32
    %mul3A_2 = arith.muli %add3A, %mul3A_1 : i32
    %mul3A_3 = arith.constant 632 : i32
    %mul3A_4 = arith.muli %arg1, %mul3A_3 : i32
    "tpu.region"() ({
      %run_scoped3A = tpu.sem_alloc : memref<!tpu.dma_semaphore, #tpu.memory_space<semaphore_mem>>
      %dma_start3A_147 = tpu.memref_slice %arg2[%mul3A_2] : memref<327808xi32, #tpu.memory_space<hbm>> -> memref<10368xi32, #tpu.memory_space<hbm>>
      %dma_start3A_148 = tpu.memref_slice %arg2[%mul3A_2] : memref<327808xi32, #tpu.memory_space<hbm>> -> memref<10368xi32, #tpu.memory_space<hbm>>
      tpu.enqueue_dma source(%dma_start3A_148 : memref<10368xi32, #tpu.memory_space<hbm>>) target(%arg6 : memref<10368xi32, #tpu.memory_space<vmem>>) target_semaphore(%run_scoped3A : memref<!tpu.dma_semaphore, #tpu.memory_space<semaphore_mem>>)
      %dma_wait3A_149 = tpu.memref_slice %arg2[%mul3A_2] : memref<327808xi32, #tpu.memory_space<hbm>> -> memref<10368xi32, #tpu.memory_space<hbm>>
      %dma_wait3A_150 = tpu.memref_slice %arg2[%mul3A_2] : memref<327808xi32, #tpu.memory_space<hbm>> -> memref<10368xi32, #tpu.memory_space<hbm>>
      tpu.wait_dma2 semaphore(%run_scoped3A : memref<!tpu.dma_semaphore, #tpu.memory_space<semaphore_mem>>) src(%dma_wait3A_150 : memref<10368xi32, #tpu.memory_space<hbm>>) dst(%arg6 : memref<10368xi32, #tpu.memory_space<vmem>>)
      tpu.yield
    }) : () -> ()
    "tpu.region"() ({
      %run_scoped3A = tpu.sem_alloc : memref<!tpu.dma_semaphore, #tpu.memory_space<semaphore_mem>>
      %dma_start3A_147 = arith.constant 0 : i32
      %dma_start3A_148 = tpu.memref_slice %arg13[%mul3A_4, %dma_start3A_147] : memref<10112x128xf32, #tpu.memory_space<vmem_shared>> -> memref<632x128xf32, #tpu.memory_space<vmem_shared>>
      %dma_start3A_149 = arith.constant 0 : i32
      %dma_start3A_150 = tpu.memref_slice %arg4[%mul3A_4, %dma_start3A_149] : memref<10112x128xf32, #tpu.memory_space<hbm>> -> memref<632x128xf32, #tpu.memory_space<hbm>>
      tpu.enqueue_dma source(%dma_start3A_150 : memref<632x128xf32, #tpu.memory_space<hbm>>) target(%dma_start3A_148 : memref<632x128xf32, #tpu.memory_space<vmem_shared>>) target_semaphore(%run_scoped3A : memref<!tpu.dma_semaphore, #tpu.memory_space<semaphore_mem>>)
      %dma_wait3A_151 = arith.constant 0 : i32
      %dma_wait3A_152 = tpu.memref_slice %arg13[%mul3A_4, %dma_wait3A_151] : memref<10112x128xf32, #tpu.memory_space<vmem_shared>> -> memref<632x128xf32, #tpu.memory_space<vmem_shared>>
      %dma_wait3A_153 = arith.constant 0 : i32
      %dma_wait3A_154 = tpu.memref_slice %arg4[%mul3A_4, %dma_wait3A_153] : memref<10112x128xf32, #tpu.memory_space<hbm>> -> memref<632x128xf32, #tpu.memory_space<hbm>>
      tpu.wait_dma2 semaphore(%run_scoped3A : memref<!tpu.dma_semaphore, #tpu.memory_space<semaphore_mem>>) src(%dma_wait3A_154 : memref<632x128xf32, #tpu.memory_space<hbm>>) dst(%dma_wait3A_152 : memref<632x128xf32, #tpu.memory_space<vmem_shared>>)
      tpu.yield
    }) : () -> ()
    %barrier3A = arith.constant 0 : index
    tpu.barrier barrier_id(%barrier3A)
    %get3A = arith.constant 0 : index
    %get3A_5 = tpu.vector_load %arg6[%get3A] {strides = array<i32>} : memref<10368xi32, #tpu.memory_space<vmem>>, vector<16xi32>,
    %get3A_6 = vector.shape_cast %get3A_5 : vector<16xi32> to vector<16xi32>
    %and3A = arith.constant 65535 : i32
    %and3A_7 = vector.broadcast %and3A : i32 to vector<16xi32>
    %and3A_8 = arith.andi %get3A_6, %and3A_7 : vector<16xi32>
    %swap3A = arith.constant 0 : index
    %swap3A_9 = tpu.vector_load %arg7[%swap3A] {strides = array<i32>} : memref<128xi32, #tpu.memory_space<vmem>>, vector<16xi32>,
    %swap3A_10 = vector.shape_cast %swap3A_9 : vector<16xi32> to vector<16xi32>
    %swap3A_11 = vector.shape_cast %and3A_8 : vector<16xi32> to vector<16xi32>
    tpu.vector_store %arg7[%swap3A], %swap3A_11 {strides = array<i32>} : memref<128xi32, #tpu.memory_space<vmem>>, vector<16xi32>,
    %shift_right_arithmetic3A = arith.constant 16 : i32
    %shift_right_arithmetic3A_12 = vector.broadcast %shift_right_arithmetic3A : i32 to vector<16xi32>
    %shift_right_arithmetic3A_13 = arith.shrsi %get3A_6, %shift_right_arithmetic3A_12 : vector<16xi32>
    %swap3A_14 = arith.constant 0 : index
    %swap3A_15 = tpu.vector_load %arg9[%swap3A_14] {strides = array<i32>} : memref<128xi32, #tpu.memory_space<vmem>>, vector<16xi32>,
    %swap3A_16 = vector.shape_cast %swap3A_15 : vector<16xi32> to vector<16xi32>
    %swap3A_17 = vector.shape_cast %shift_right_arithmetic3A_13 : vector<16xi32> to vector<16xi32>
    tpu.vector_store %arg9[%swap3A_14], %swap3A_17 {strides = array<i32>} : memref<128xi32, #tpu.memory_space<vmem>>, vector<16xi32>,
    %get3A_18 = arith.constant 16 : index
    %get3A_19 = tpu.vector_load %arg6[%get3A_18] {strides = array<i32>} : memref<10368xi32, #tpu.memory_space<vmem>>, vector<16xi32>,
    %get3A_20 = vector.shape_cast %get3A_19 : vector<16xi32> to vector<16xi32>
    %and3A_21 = arith.constant 65535 : i32
    %and3A_22 = vector.broadcast %and3A_21 : i32 to vector<16xi32>
    %and3A_23 = arith.andi %get3A_20, %and3A_22 : vector<16xi32>
    %swap3A_24 = arith.constant 16 : index
    %swap3A_25 = tpu.vector_load %arg7[%swap3A_24] {strides = array<i32>} : memref<128xi32, #tpu.memory_space<vmem>>, vector<16xi32>,
    %swap3A_26 = vector.shape_cast %swap3A_25 : vector<16xi32> to vector<16xi32>
    %swap3A_27 = vector.shape_cast %and3A_23 : vector<16xi32> to vector<16xi32>
    tpu.vector_store %arg7[%swap3A_24], %swap3A_27 {strides = array<i32>} : memref<128xi32, #tpu.memory_space<vmem>>, vector<16xi32>,
    %shift_right_arithmetic3A_28 = arith.constant 16 : i32
    %shift_right_arithmetic3A_29 = vector.broadcast %shift_right_arithmetic3A_28 : i32 to vector<16xi32>
    %shift_right_arithmetic3A_30 = arith.shrsi %get3A_20, %shift_right_arithmetic3A_29 : vector<16xi32>
    %swap3A_31 = arith.constant 16 : index
    %swap3A_32 = tpu.vector_load %arg9[%swap3A_31] {strides = array<i32>} : memref<128xi32, #tpu.memory_space<vmem>>, vector<16xi32>,
    %swap3A_33 = vector.shape_cast %swap3A_32 : vector<16xi32> to vector<16xi32>
    %swap3A_34 = vector.shape_cast %shift_right_arithmetic3A_30 : vector<16xi32> to vector<16xi32>
    tpu.vector_store %arg9[%swap3A_31], %swap3A_34 {strides = array<i32>} : memref<128xi32, #tpu.memory_space<vmem>>, vector<16xi32>,
    %get3A_35 = arith.constant 32 : index
    %get3A_36 = tpu.vector_load %arg6[%get3A_35] {strides = array<i32>} : memref<10368xi32, #tpu.memory_space<vmem>>, vector<16xi32>,
    %get3A_37 = vector.shape_cast %get3A_36 : vector<16xi32> to vector<16xi32>
    %and3A_38 = arith.constant 65535 : i32
    %and3A_39 = vector.broadcast %and3A_38 : i32 to vector<16xi32>
    %and3A_40 = arith.andi %get3A_37, %and3A_39 : vector<16xi32>
    %swap3A_41 = arith.constant 32 : index
    %swap3A_42 = tpu.vector_load %arg7[%swap3A_41] {strides = array<i32>} : memref<128xi32, #tpu.memory_space<vmem>>, vector<16xi32>,
    %swap3A_43 = vector.shape_cast %swap3A_42 : vector<16xi32> to vector<16xi32>
    %swap3A_44 = vector.shape_cast %and3A_40 : vector<16xi32> to vector<16xi32>
    tpu.vector_store %arg7[%swap3A_41], %swap3A_44 {strides = array<i32>} : memref<128xi32, #tpu.memory_space<vmem>>, vector<16xi32>,
    %shift_right_arithmetic3A_45 = arith.constant 16 : i32
    %shift_right_arithmetic3A_46 = vector.broadcast %shift_right_arithmetic3A_45 : i32 to vector<16xi32>
    %shift_right_arithmetic3A_47 = arith.shrsi %get3A_37, %shift_right_arithmetic3A_46 : vector<16xi32>
    %swap3A_48 = arith.constant 32 : index
    %swap3A_49 = tpu.vector_load %arg9[%swap3A_48] {strides = array<i32>} : memref<128xi32, #tpu.memory_space<vmem>>, vector<16xi32>,
    %swap3A_50 = vector.shape_cast %swap3A_49 : vector<16xi32> to vector<16xi32>
    %swap3A_51 = vector.shape_cast %shift_right_arithmetic3A_47 : vector<16xi32> to vector<16xi32>
    tpu.vector_store %arg9[%swap3A_48], %swap3A_51 {strides = array<i32>} : memref<128xi32, #tpu.memory_space<vmem>>, vector<16xi32>,
    %get3A_52 = arith.constant 48 : index
    %get3A_53 = tpu.vector_load %arg6[%get3A_52] {strides = array<i32>} : memref<10368xi32, #tpu.memory_space<vmem>>, vector<16xi32>,
    %get3A_54 = vector.shape_cast %get3A_53 : vector<16xi32> to vector<16xi32>
    %and3A_55 = arith.constant 65535 : i32
    %and3A_56 = vector.broadcast %and3A_55 : i32 to vector<16xi32>
    %and3A_57 = arith.andi %get3A_54, %and3A_56 : vector<16xi32>
    %swap3A_58 = arith.constant 48 : index
    %swap3A_59 = tpu.vector_load %arg7[%swap3A_58] {strides = array<i32>} : memref<128xi32, #tpu.memory_space<vmem>>, vector<16xi32>,
    %swap3A_60 = vector.shape_cast %swap3A_59 : vector<16xi32> to vector<16xi32>
    %swap3A_61 = vector.shape_cast %and3A_57 : vector<16xi32> to vector<16xi32>
    tpu.vector_store %arg7[%swap3A_58], %swap3A_61 {strides = array<i32>} : memref<128xi32, #tpu.memory_space<vmem>>, vector<16xi32>,
    %shift_right_arithmetic3A_62 = arith.constant 16 : i32
    %shift_right_arithmetic3A_63 = vector.broadcast %shift_right_arithmetic3A_62 : i32 to vector<16xi32>
    %shift_right_arithmetic3A_64 = arith.shrsi %get3A_54, %shift_right_arithmetic3A_63 : vector<16xi32>
    %swap3A_65 = arith.constant 48 : index
    %swap3A_66 = tpu.vector_load %arg9[%swap3A_65] {strides = array<i32>} : memref<128xi32, #tpu.memory_space<vmem>>, vector<16xi32>,
    %swap3A_67 = vector.shape_cast %swap3A_66 : vector<16xi32> to vector<16xi32>
    %swap3A_68 = vector.shape_cast %shift_right_arithmetic3A_64 : vector<16xi32> to vector<16xi32>
    tpu.vector_store %arg9[%swap3A_65], %swap3A_68 {strides = array<i32>} : memref<128xi32, #tpu.memory_space<vmem>>, vector<16xi32>,
    %get3A_69 = arith.constant 64 : index
    %get3A_70 = tpu.vector_load %arg6[%get3A_69] {strides = array<i32>} : memref<10368xi32, #tpu.memory_space<vmem>>, vector<16xi32>,
    %get3A_71 = vector.shape_cast %get3A_70 : vector<16xi32> to vector<16xi32>
    %and3A_72 = arith.constant 65535 : i32
    %and3A_73 = vector.broadcast %and3A_72 : i32 to vector<16xi32>
    %and3A_74 = arith.andi %get3A_71, %and3A_73 : vector<16xi32>
    %swap3A_75 = arith.constant 64 : index
    %swap3A_76 = tpu.vector_load %arg7[%swap3A_75] {strides = array<i32>} : memref<128xi32, #tpu.memory_space<vmem>>, vector<16xi32>,
    %swap3A_77 = vector.shape_cast %swap3A_76 : vector<16xi32> to vector<16xi32>
    %swap3A_78 = vector.shape_cast %and3A_74 : vector<16xi32> to vector<16xi32>
    tpu.vector_store %arg7[%swap3A_75], %swap3A_78 {strides = array<i32>} : memref<128xi32, #tpu.memory_space<vmem>>, vector<16xi32>,
    %shift_right_arithmetic3A_79 = arith.constant 16 : i32
    %shift_right_arithmetic3A_80 = vector.broadcast %shift_right_arithmetic3A_79 : i32 to vector<16xi32>
    %shift_right_arithmetic3A_81 = arith.shrsi %get3A_71, %shift_right_arithmetic3A_80 : vector<16xi32>
    %swap3A_82 = arith.constant 64 : index
    %swap3A_83 = tpu.vector_load %arg9[%swap3A_82] {strides = array<i32>} : memref<128xi32, #tpu.memory_space<vmem>>, vector<16xi32>,
    %swap3A_84 = vector.shape_cast %swap3A_83 : vector<16xi32> to vector<16xi32>
    %swap3A_85 = vector.shape_cast %shift_right_arithmetic3A_81 : vector<16xi32> to vector<16xi32>
    tpu.vector_store %arg9[%swap3A_82], %swap3A_85 {strides = array<i32>} : memref<128xi32, #tpu.memory_space<vmem>>, vector<16xi32>,
    %get3A_86 = arith.constant 80 : index
    %get3A_87 = tpu.vector_load %arg6[%get3A_86] {strides = array<i32>} : memref<10368xi32, #tpu.memory_space<vmem>>, vector<16xi32>,
    %get3A_88 = vector.shape_cast %get3A_87 : vector<16xi32> to vector<16xi32>
    %and3A_89 = arith.constant 65535 : i32
    %and3A_90 = vector.broadcast %and3A_89 : i32 to vector<16xi32>
    %and3A_91 = arith.andi %get3A_88, %and3A_90 : vector<16xi32>
    %swap3A_92 = arith.constant 80 : index
    %swap3A_93 = tpu.vector_load %arg7[%swap3A_92] {strides = array<i32>} : memref<128xi32, #tpu.memory_space<vmem>>, vector<16xi32>,
    %swap3A_94 = vector.shape_cast %swap3A_93 : vector<16xi32> to vector<16xi32>
    %swap3A_95 = vector.shape_cast %and3A_91 : vector<16xi32> to vector<16xi32>
    tpu.vector_store %arg7[%swap3A_92], %swap3A_95 {strides = array<i32>} : memref<128xi32, #tpu.memory_space<vmem>>, vector<16xi32>,
    %shift_right_arithmetic3A_96 = arith.constant 16 : i32
    %shift_right_arithmetic3A_97 = vector.broadcast %shift_right_arithmetic3A_96 : i32 to vector<16xi32>
    %shift_right_arithmetic3A_98 = arith.shrsi %get3A_88, %shift_right_arithmetic3A_97 : vector<16xi32>
    %swap3A_99 = arith.constant 80 : index
    %swap3A_100 = tpu.vector_load %arg9[%swap3A_99] {strides = array<i32>} : memref<128xi32, #tpu.memory_space<vmem>>, vector<16xi32>,
    %swap3A_101 = vector.shape_cast %swap3A_100 : vector<16xi32> to vector<16xi32>
    %swap3A_102 = vector.shape_cast %shift_right_arithmetic3A_98 : vector<16xi32> to vector<16xi32>
    tpu.vector_store %arg9[%swap3A_99], %swap3A_102 {strides = array<i32>} : memref<128xi32, #tpu.memory_space<vmem>>, vector<16xi32>,
    %get3A_103 = arith.constant 96 : index
    %get3A_104 = tpu.vector_load %arg6[%get3A_103] {strides = array<i32>} : memref<10368xi32, #tpu.memory_space<vmem>>, vector<16xi32>,
    %get3A_105 = vector.shape_cast %get3A_104 : vector<16xi32> to vector<16xi32>
    %and3A_106 = arith.constant 65535 : i32
    %and3A_107 = vector.broadcast %and3A_106 : i32 to vector<16xi32>
    %and3A_108 = arith.andi %get3A_105, %and3A_107 : vector<16xi32>
    %swap3A_109 = arith.constant 96 : index
    %swap3A_110 = tpu.vector_load %arg7[%swap3A_109] {strides = array<i32>} : memref<128xi32, #tpu.memory_space<vmem>>, vector<16xi32>,
    %swap3A_111 = vector.shape_cast %swap3A_110 : vector<16xi32> to vector<16xi32>
    %swap3A_112 = vector.shape_cast %and3A_108 : vector<16xi32> to vector<16xi32>
    tpu.vector_store %arg7[%swap3A_109], %swap3A_112 {strides = array<i32>} : memref<128xi32, #tpu.memory_space<vmem>>, vector<16xi32>,
    %shift_right_arithmetic3A_113 = arith.constant 16 : i32
    %shift_right_arithmetic3A_114 = vector.broadcast %shift_right_arithmetic3A_113 : i32 to vector<16xi32>
    %shift_right_arithmetic3A_115 = arith.shrsi %get3A_105, %shift_right_arithmetic3A_114 : vector<16xi32>
    %swap3A_116 = arith.constant 96 : index
    %swap3A_117 = tpu.vector_load %arg9[%swap3A_116] {strides = array<i32>} : memref<128xi32, #tpu.memory_space<vmem>>, vector<16xi32>,
    %swap3A_118 = vector.shape_cast %swap3A_117 : vector<16xi32> to vector<16xi32>
    %swap3A_119 = vector.shape_cast %shift_right_arithmetic3A_115 : vector<16xi32> to vector<16xi32>
    tpu.vector_store %arg9[%swap3A_116], %swap3A_119 {strides = array<i32>} : memref<128xi32, #tpu.memory_space<vmem>>, vector<16xi32>,
    %get3A_120 = arith.constant 112 : index
    %get3A_121 = tpu.vector_load %arg6[%get3A_120] {strides = array<i32>} : memref<10368xi32, #tpu.memory_space<vmem>>, vector<16xi32>,
    %get3A_122 = vector.shape_cast %get3A_121 : vector<16xi32> to vector<16xi32>
    %and3A_123 = arith.constant 65535 : i32
    %and3A_124 = vector.broadcast %and3A_123 : i32 to vector<16xi32>
    %and3A_125 = arith.andi %get3A_122, %and3A_124 : vector<16xi32>
    %swap3A_126 = arith.constant 112 : index
    %swap3A_127 = tpu.vector_load %arg7[%swap3A_126] {strides = array<i32>} : memref<128xi32, #tpu.memory_space<vmem>>, vector<16xi32>,
    %swap3A_128 = vector.shape_cast %swap3A_127 : vector<16xi32> to vector<16xi32>
    %swap3A_129 = vector.shape_cast %and3A_125 : vector<16xi32> to vector<16xi32>
    tpu.vector_store %arg7[%swap3A_126], %swap3A_129 {strides = array<i32>} : memref<128xi32, #tpu.memory_space<vmem>>, vector<16xi32>,
    %shift_right_arithmetic3A_130 = arith.constant 16 : i32
    %shift_right_arithmetic3A_131 = vector.broadcast %shift_right_arithmetic3A_130 : i32 to vector<16xi32>
    %shift_right_arithmetic3A_132 = arith.shrsi %get3A_122, %shift_right_arithmetic3A_131 : vector<16xi32>
    %swap3A_133 = arith.constant 112 : index
    %swap3A_134 = tpu.vector_load %arg9[%swap3A_133] {strides = array<i32>} : memref<128xi32, #tpu.memory_space<vmem>>, vector<16xi32>,
    %swap3A_135 = vector.shape_cast %swap3A_134 : vector<16xi32> to vector<16xi32>
    %swap3A_136 = vector.shape_cast %shift_right_arithmetic3A_132 : vector<16xi32> to vector<16xi32>
    tpu.vector_store %arg9[%swap3A_133], %swap3A_136 {strides = array<i32>} : memref<128xi32, #tpu.memory_space<vmem>>, vector<16xi32>,
    %dma_start3A = arith.constant 0 : i32
    %dma_start3A_137 = arith.constant 0 : i32
    %dma_start3A_138 = tpu.memref_slice %arg3[%dma_start3A, %dma_start3A_137] : memref<10112x128xf32, #tpu.memory_space<hbm>> -> memref<10112x128xf32, #tpu.memory_space<hbm>>
    tpu.enqueue_indirect_dma source(%dma_start3A_138 : memref<10112x128xf32, #tpu.memory_space<hbm>>) target(%arg11 : memref<128x128xf32, #tpu.memory_space<vmem>>) offsets(%arg7 : memref<128xi32, #tpu.memory_space<vmem>>) semaphore(%arg14 : memref<!tpu.dma_semaphore, #tpu.memory_space<semaphore_mem>>)
    %scan3A = arith.constant 0 : i32
    %scan3A_139 = arith.constant 0 : i32
    %scan3A_140 = arith.constant 40 : i32
    %scan3A_141 = arith.addi %scan3A_139, %scan3A_140 : i32
    %scan3A_142 = arith.constant 1 : i32
    scf.for %scan3A_147 = %scan3A_139 to %scan3A_141 step %scan3A_142  : i32 {
      %mul3A_148 = arith.constant 2 : i32
      %mul3A_149 = arith.muli %mul3A_148, %scan3A_147 : i32
      %add3A_150 = arith.constant 1 : i32
      %add3A_151 = arith.addi %mul3A_149, %add3A_150 : i32
      %mul3A_152 = arith.constant 128 : i32
      %mul3A_153 = arith.muli %add3A_151, %mul3A_152 : i32
      %mul3A_154 = arith.constant 2 : i32
      %mul3A_155 = arith.muli %mul3A_154, %scan3A_147 : i32
      %add3A_156 = arith.constant 2 : i32
      %add3A_157 = arith.addi %mul3A_155, %add3A_156 : i32
      %mul3A_158 = arith.constant 128 : i32
      %mul3A_159 = arith.muli %add3A_157, %mul3A_158 : i32
      %add3A_160 = arith.constant 0 : i32
      %add3A_161 = arith.addi %mul3A_153, %add3A_160 : i32
      %get3A_162 = arith.index_cast %add3A_161 : i32 to index
      %get3A_163 = tpu.vector_load %arg6[%get3A_162] {strides = array<i32>} : memref<10368xi32, #tpu.memory_space<vmem>>, vector<16xi32>,
      %get3A_164 = vector.shape_cast %get3A_163 : vector<16xi32> to vector<16xi32>
      %and3A_165 = arith.constant 65535 : i32
      %and3A_166 = vector.broadcast %and3A_165 : i32 to vector<16xi32>
      %and3A_167 = arith.andi %get3A_164, %and3A_166 : vector<16xi32>
      %swap3A_168 = arith.constant 0 : index
      %swap3A_169 = tpu.vector_load %arg8[%swap3A_168] {strides = array<i32>} : memref<128xi32, #tpu.memory_space<vmem>>, vector<16xi32>,
      %swap3A_170 = vector.shape_cast %swap3A_169 : vector<16xi32> to vector<16xi32>
      %swap3A_171 = vector.shape_cast %and3A_167 : vector<16xi32> to vector<16xi32>
      tpu.vector_store %arg8[%swap3A_168], %swap3A_171 {strides = array<i32>} : memref<128xi32, #tpu.memory_space<vmem>>, vector<16xi32>,
      %shift_right_arithmetic3A_172 = arith.constant 16 : i32
      %shift_right_arithmetic3A_173 = vector.broadcast %shift_right_arithmetic3A_172 : i32 to vector<16xi32>
      %shift_right_arithmetic3A_174 = arith.shrsi %get3A_164, %shift_right_arithmetic3A_173 : vector<16xi32>
      %swap3A_175 = arith.constant 0 : index
      %swap3A_176 = tpu.vector_load %arg10[%swap3A_175] {strides = array<i32>} : memref<128xi32, #tpu.memory_space<vmem>>, vector<16xi32>,
      %swap3A_177 = vector.shape_cast %swap3A_176 : vector<16xi32> to vector<16xi32>
      %swap3A_178 = vector.shape_cast %shift_right_arithmetic3A_174 : vector<16xi32> to vector<16xi32>
      tpu.vector_store %arg10[%swap3A_175], %swap3A_178 {strides = array<i32>} : memref<128xi32, #tpu.memory_space<vmem>>, vector<16xi32>,
      %add3A_179 = arith.constant 16 : i32
      %add3A_180 = arith.addi %mul3A_153, %add3A_179 : i32
      %get3A_181 = arith.index_cast %add3A_180 : i32 to index
      %get3A_182 = tpu.vector_load %arg6[%get3A_181] {strides = array<i32>} : memref<10368xi32, #tpu.memory_space<vmem>>, vector<16xi32>,
      %get3A_183 = vector.shape_cast %get3A_182 : vector<16xi32> to vector<16xi32>
      %and3A_184 = arith.constant 65535 : i32
      %and3A_185 = vector.broadcast %and3A_184 : i32 to vector<16xi32>
      %and3A_186 = arith.andi %get3A_183, %and3A_185 : vector<16xi32>
      %swap3A_187 = arith.constant 16 : index
      %swap3A_188 = tpu.vector_load %arg8[%swap3A_187] {strides = array<i32>} : memref<128xi32, #tpu.memory_space<vmem>>, vector<16xi32>,
      %swap3A_189 = vector.shape_cast %swap3A_188 : vector<16xi32> to vector<16xi32>
      %swap3A_190 = vector.shape_cast %and3A_186 : vector<16xi32> to vector<16xi32>
      tpu.vector_store %arg8[%swap3A_187], %swap3A_190 {strides = array<i32>} : memref<128xi32, #tpu.memory_space<vmem>>, vector<16xi32>,
      %shift_right_arithmetic3A_191 = arith.constant 16 : i32
      %shift_right_arithmetic3A_192 = vector.broadcast %shift_right_arithmetic3A_191 : i32 to vector<16xi32>
      %shift_right_arithmetic3A_193 = arith.shrsi %get3A_183, %shift_right_arithmetic3A_192 : vector<16xi32>
      %swap3A_194 = arith.constant 16 : index
      %swap3A_195 = tpu.vector_load %arg10[%swap3A_194] {strides = array<i32>} : memref<128xi32, #tpu.memory_space<vmem>>, vector<16xi32>,
      %swap3A_196 = vector.shape_cast %swap3A_195 : vector<16xi32> to vector<16xi32>
      %swap3A_197 = vector.shape_cast %shift_right_arithmetic3A_193 : vector<16xi32> to vector<16xi32>
      tpu.vector_store %arg10[%swap3A_194], %swap3A_197 {strides = array<i32>} : memref<128xi32, #tpu.memory_space<vmem>>, vector<16xi32>,
      %add3A_198 = arith.constant 32 : i32
      %add3A_199 = arith.addi %mul3A_153, %add3A_198 : i32
      %get3A_200 = arith.index_cast %add3A_199 : i32 to index
      %get3A_201 = tpu.vector_load %arg6[%get3A_200] {strides = array<i32>} : memref<10368xi32, #tpu.memory_space<vmem>>, vector<16xi32>,
      %get3A_202 = vector.shape_cast %get3A_201 : vector<16xi32> to vector<16xi32>
      %and3A_203 = arith.constant 65535 : i32
      %and3A_204 = vector.broadcast %and3A_203 : i32 to vector<16xi32>
      %and3A_205 = arith.andi %get3A_202, %and3A_204 : vector<16xi32>
      %swap3A_206 = arith.constant 32 : index
      %swap3A_207 = tpu.vector_load %arg8[%swap3A_206] {strides = array<i32>} : memref<128xi32, #tpu.memory_space<vmem>>, vector<16xi32>,
      %swap3A_208 = vector.shape_cast %swap3A_207 : vector<16xi32> to vector<16xi32>
      %swap3A_209 = vector.shape_cast %and3A_205 : vector<16xi32> to vector<16xi32>
      tpu.vector_store %arg8[%swap3A_206], %swap3A_209 {strides = array<i32>} : memref<128xi32, #tpu.memory_space<vmem>>, vector<16xi32>,
      %shift_right_arithmetic3A_210 = arith.constant 16 : i32
      %shift_right_arithmetic3A_211 = vector.broadcast %shift_right_arithmetic3A_210 : i32 to vector<16xi32>
      %shift_right_arithmetic3A_212 = arith.shrsi %get3A_202, %shift_right_arithmetic3A_211 : vector<16xi32>
      %swap3A_213 = arith.constant 32 : index
      %swap3A_214 = tpu.vector_load %arg10[%swap3A_213] {strides = array<i32>} : memref<128xi32, #tpu.memory_space<vmem>>, vector<16xi32>,
      %swap3A_215 = vector.shape_cast %swap3A_214 : vector<16xi32> to vector<16xi32>
      %swap3A_216 = vector.shape_cast %shift_right_arithmetic3A_212 : vector<16xi32> to vector<16xi32>
      tpu.vector_store %arg10[%swap3A_213], %swap3A_216 {strides = array<i32>} : memref<128xi32, #tpu.memory_space<vmem>>, vector<16xi32>,
      %add3A_217 = arith.constant 48 : i32
      %add3A_218 = arith.addi %mul3A_153, %add3A_217 : i32
      %get3A_219 = arith.index_cast %add3A_218 : i32 to index
      %get3A_220 = tpu.vector_load %arg6[%get3A_219] {strides = array<i32>} : memref<10368xi32, #tpu.memory_space<vmem>>, vector<16xi32>,
      %get3A_221 = vector.shape_cast %get3A_220 : vector<16xi32> to vector<16xi32>
      %and3A_222 = arith.constant 65535 : i32
      %and3A_223 = vector.broadcast %and3A_222 : i32 to vector<16xi32>
      %and3A_224 = arith.andi %get3A_221, %and3A_223 : vector<16xi32>
      %swap3A_225 = arith.constant 48 : index
      %swap3A_226 = tpu.vector_load %arg8[%swap3A_225] {strides = array<i32>} : memref<128xi32, #tpu.memory_space<vmem>>, vector<16xi32>,
      %swap3A_227 = vector.shape_cast %swap3A_226 : vector<16xi32> to vector<16xi32>
      %swap3A_228 = vector.shape_cast %and3A_224 : vector<16xi32> to vector<16xi32>
      tpu.vector_store %arg8[%swap3A_225], %swap3A_228 {strides = array<i32>} : memref<128xi32, #tpu.memory_space<vmem>>, vector<16xi32>,
      %shift_right_arithmetic3A_229 = arith.constant 16 : i32
      %shift_right_arithmetic3A_230 = vector.broadcast %shift_right_arithmetic3A_229 : i32 to vector<16xi32>
      %shift_right_arithmetic3A_231 = arith.shrsi %get3A_221, %shift_right_arithmetic3A_230 : vector<16xi32>
      %swap3A_232 = arith.constant 48 : index
      %swap3A_233 = tpu.vector_load %arg10[%swap3A_232] {strides = array<i32>} : memref<128xi32, #tpu.memory_space<vmem>>, vector<16xi32>,
      %swap3A_234 = vector.shape_cast %swap3A_233 : vector<16xi32> to vector<16xi32>
      %swap3A_235 = vector.shape_cast %shift_right_arithmetic3A_231 : vector<16xi32> to vector<16xi32>
      tpu.vector_store %arg10[%swap3A_232], %swap3A_235 {strides = array<i32>} : memref<128xi32, #tpu.memory_space<vmem>>, vector<16xi32>,
      %add3A_236 = arith.constant 64 : i32
      %add3A_237 = arith.addi %mul3A_153, %add3A_236 : i32
      %get3A_238 = arith.index_cast %add3A_237 : i32 to index
      %get3A_239 = tpu.vector_load %arg6[%get3A_238] {strides = array<i32>} : memref<10368xi32, #tpu.memory_space<vmem>>, vector<16xi32>,
      %get3A_240 = vector.shape_cast %get3A_239 : vector<16xi32> to vector<16xi32>
      %and3A_241 = arith.constant 65535 : i32
      %and3A_242 = vector.broadcast %and3A_241 : i32 to vector<16xi32>
      %and3A_243 = arith.andi %get3A_240, %and3A_242 : vector<16xi32>
      %swap3A_244 = arith.constant 64 : index
      %swap3A_245 = tpu.vector_load %arg8[%swap3A_244] {strides = array<i32>} : memref<128xi32, #tpu.memory_space<vmem>>, vector<16xi32>,
      %swap3A_246 = vector.shape_cast %swap3A_245 : vector<16xi32> to vector<16xi32>
      %swap3A_247 = vector.shape_cast %and3A_243 : vector<16xi32> to vector<16xi32>
      tpu.vector_store %arg8[%swap3A_244], %swap3A_247 {strides = array<i32>} : memref<128xi32, #tpu.memory_space<vmem>>, vector<16xi32>,
      %shift_right_arithmetic3A_248 = arith.constant 16 : i32
      %shift_right_arithmetic3A_249 = vector.broadcast %shift_right_arithmetic3A_248 : i32 to vector<16xi32>
      %shift_right_arithmetic3A_250 = arith.shrsi %get3A_240, %shift_right_arithmetic3A_249 : vector<16xi32>
      %swap3A_251 = arith.constant 64 : index
      %swap3A_252 = tpu.vector_load %arg10[%swap3A_251] {strides = array<i32>} : memref<128xi32, #tpu.memory_space<vmem>>, vector<16xi32>,
      %swap3A_253 = vector.shape_cast %swap3A_252 : vector<16xi32> to vector<16xi32>
      %swap3A_254 = vector.shape_cast %shift_right_arithmetic3A_250 : vector<16xi32> to vector<16xi32>
      tpu.vector_store %arg10[%swap3A_251], %swap3A_254 {strides = array<i32>} : memref<128xi32, #tpu.memory_space<vmem>>, vector<16xi32>,
      %add3A_255 = arith.constant 80 : i32
      %add3A_256 = arith.addi %mul3A_153, %add3A_255 : i32
      %get3A_257 = arith.index_cast %add3A_256 : i32 to index
      %get3A_258 = tpu.vector_load %arg6[%get3A_257] {strides = array<i32>} : memref<10368xi32, #tpu.memory_space<vmem>>, vector<16xi32>,
      %get3A_259 = vector.shape_cast %get3A_258 : vector<16xi32> to vector<16xi32>
      %and3A_260 = arith.constant 65535 : i32
      %and3A_261 = vector.broadcast %and3A_260 : i32 to vector<16xi32>
      %and3A_262 = arith.andi %get3A_259, %and3A_261 : vector<16xi32>
      %swap3A_263 = arith.constant 80 : index
      %swap3A_264 = tpu.vector_load %arg8[%swap3A_263] {strides = array<i32>} : memref<128xi32, #tpu.memory_space<vmem>>, vector<16xi32>,
      %swap3A_265 = vector.shape_cast %swap3A_264 : vector<16xi32> to vector<16xi32>
      %swap3A_266 = vector.shape_cast %and3A_262 : vector<16xi32> to vector<16xi32>
      tpu.vector_store %arg8[%swap3A_263], %swap3A_266 {strides = array<i32>} : memref<128xi32, #tpu.memory_space<vmem>>, vector<16xi32>,
      %shift_right_arithmetic3A_267 = arith.constant 16 : i32
      %shift_right_arithmetic3A_268 = vector.broadcast %shift_right_arithmetic3A_267 : i32 to vector<16xi32>
      %shift_right_arithmetic3A_269 = arith.shrsi %get3A_259, %shift_right_arithmetic3A_268 : vector<16xi32>
      %swap3A_270 = arith.constant 80 : index
      %swap3A_271 = tpu.vector_load %arg10[%swap3A_270] {strides = array<i32>} : memref<128xi32, #tpu.memory_space<vmem>>, vector<16xi32>,
      %swap3A_272 = vector.shape_cast %swap3A_271 : vector<16xi32> to vector<16xi32>
      %swap3A_273 = vector.shape_cast %shift_right_arithmetic3A_269 : vector<16xi32> to vector<16xi32>
      tpu.vector_store %arg10[%swap3A_270], %swap3A_273 {strides = array<i32>} : memref<128xi32, #tpu.memory_space<vmem>>, vector<16xi32>,
      %add3A_274 = arith.constant 96 : i32
      %add3A_275 = arith.addi %mul3A_153, %add3A_274 : i32
      %get3A_276 = arith.index_cast %add3A_275 : i32 to index
      %get3A_277 = tpu.vector_load %arg6[%get3A_276] {strides = array<i32>} : memref<10368xi32, #tpu.memory_space<vmem>>, vector<16xi32>,
      %get3A_278 = vector.shape_cast %get3A_277 : vector<16xi32> to vector<16xi32>
      %and3A_279 = arith.constant 65535 : i32
      %and3A_280 = vector.broadcast %and3A_279 : i32 to vector<16xi32>
      %and3A_281 = arith.andi %get3A_278, %and3A_280 : vector<16xi32>
      %swap3A_282 = arith.constant 96 : index
      %swap3A_283 = tpu.vector_load %arg8[%swap3A_282] {strides = array<i32>} : memref<128xi32, #tpu.memory_space<vmem>>, vector<16xi32>,
      %swap3A_284 = vector.shape_cast %swap3A_283 : vector<16xi32> to vector<16xi32>
      %swap3A_285 = vector.shape_cast %and3A_281 : vector<16xi32> to vector<16xi32>
      tpu.vector_store %arg8[%swap3A_282], %swap3A_285 {strides = array<i32>} : memref<128xi32, #tpu.memory_space<vmem>>, vector<16xi32>,
      %shift_right_arithmetic3A_286 = arith.constant 16 : i32
      %shift_right_arithmetic3A_287 = vector.broadcast %shift_right_arithmetic3A_286 : i32 to vector<16xi32>
      %shift_right_arithmetic3A_288 = arith.shrsi %get3A_278, %shift_right_arithmetic3A_287 : vector<16xi32>
      %swap3A_289 = arith.constant 96 : index
      %swap3A_290 = tpu.vector_load %arg10[%swap3A_289] {strides = array<i32>} : memref<128xi32, #tpu.memory_space<vmem>>, vector<16xi32>,
      %swap3A_291 = vector.shape_cast %swap3A_290 : vector<16xi32> to vector<16xi32>
      %swap3A_292 = vector.shape_cast %shift_right_arithmetic3A_288 : vector<16xi32> to vector<16xi32>
      tpu.vector_store %arg10[%swap3A_289], %swap3A_292 {strides = array<i32>} : memref<128xi32, #tpu.memory_space<vmem>>, vector<16xi32>,
      %add3A_293 = arith.constant 112 : i32
      %add3A_294 = arith.addi %mul3A_153, %add3A_293 : i32
      %get3A_295 = arith.index_cast %add3A_294 : i32 to index
      %get3A_296 = tpu.vector_load %arg6[%get3A_295] {strides = array<i32>} : memref<10368xi32, #tpu.memory_space<vmem>>, vector<16xi32>,
      %get3A_297 = vector.shape_cast %get3A_296 : vector<16xi32> to vector<16xi32>
      %and3A_298 = arith.constant 65535 : i32
      %and3A_299 = vector.broadcast %and3A_298 : i32 to vector<16xi32>
      %and3A_300 = arith.andi %get3A_297, %and3A_299 : vector<16xi32>
      %swap3A_301 = arith.constant 112 : index
      %swap3A_302 = tpu.vector_load %arg8[%swap3A_301] {strides = array<i32>} : memref<128xi32, #tpu.memory_space<vmem>>, vector<16xi32>,
      %swap3A_303 = vector.shape_cast %swap3A_302 : vector<16xi32> to vector<16xi32>
      %swap3A_304 = vector.shape_cast %and3A_300 : vector<16xi32> to vector<16xi32>
      tpu.vector_store %arg8[%swap3A_301], %swap3A_304 {strides = array<i32>} : memref<128xi32, #tpu.memory_space<vmem>>, vector<16xi32>,
      %shift_right_arithmetic3A_305 = arith.constant 16 : i32
      %shift_right_arithmetic3A_306 = vector.broadcast %shift_right_arithmetic3A_305 : i32 to vector<16xi32>
      %shift_right_arithmetic3A_307 = arith.shrsi %get3A_297, %shift_right_arithmetic3A_306 : vector<16xi32>
      %swap3A_308 = arith.constant 112 : index
      %swap3A_309 = tpu.vector_load %arg10[%swap3A_308] {strides = array<i32>} : memref<128xi32, #tpu.memory_space<vmem>>, vector<16xi32>,
      %swap3A_310 = vector.shape_cast %swap3A_309 : vector<16xi32> to vector<16xi32>
      %swap3A_311 = vector.shape_cast %shift_right_arithmetic3A_307 : vector<16xi32> to vector<16xi32>
      tpu.vector_store %arg10[%swap3A_308], %swap3A_311 {strides = array<i32>} : memref<128xi32, #tpu.memory_space<vmem>>, vector<16xi32>,
      %dma_start3A_312 = arith.constant 0 : i32
      %dma_start3A_313 = arith.constant 0 : i32
      %dma_start3A_314 = tpu.memref_slice %arg3[%dma_start3A_312, %dma_start3A_313] : memref<10112x128xf32, #tpu.memory_space<hbm>> -> memref<10112x128xf32, #tpu.memory_space<hbm>>
      tpu.enqueue_indirect_dma source(%dma_start3A_314 : memref<10112x128xf32, #tpu.memory_space<hbm>>) target(%arg12 : memref<128x128xf32, #tpu.memory_space<vmem>>) offsets(%arg8 : memref<128xi32, #tpu.memory_space<vmem>>) semaphore(%arg15 : memref<!tpu.dma_semaphore, #tpu.memory_space<semaphore_mem>>)
      %dma_wait3A_315 = arith.constant 0 : i32
      %dma_wait3A_316 = arith.constant 0 : i32
      %dma_wait3A_317 = tpu.memref_slice %arg3[%dma_wait3A_315, %dma_wait3A_316] : memref<10112x128xf32, #tpu.memory_space<hbm>> -> memref<10112x128xf32, #tpu.memory_space<hbm>>
      tpu.wait_indirect_dma semaphore(%arg14 : memref<!tpu.dma_semaphore, #tpu.memory_space<semaphore_mem>>) src(%dma_wait3A_317 : memref<10112x128xf32, #tpu.memory_space<hbm>>) dst(%arg11 : memref<128x128xf32, #tpu.memory_space<vmem>>)
      "tpu.region"() ({
        %run_scoped3A = tpu.sem_alloc : memref<!tpu.dma_semaphore, #tpu.memory_space<semaphore_mem>>
        %dma_start3A_476 = arith.constant 0 : i32
        %dma_start3A_477 = arith.constant 0 : i32
        %dma_start3A_478 = tpu.memref_slice %arg13[%dma_start3A_476, %dma_start3A_477] : memref<10112x128xf32, #tpu.memory_space<vmem_shared>> -> memref<10112x128xf32, #tpu.memory_space<vmem_shared>>
        tpu.enqueue_indirect_dma source(%arg11 : memref<128x128xf32, #tpu.memory_space<vmem>>) target(%dma_start3A_478 : memref<10112x128xf32, #tpu.memory_space<vmem_shared>>) offsets(%arg9 : memref<128xi32, #tpu.memory_space<vmem>>) semaphore(%run_scoped3A : memref<!tpu.dma_semaphore, #tpu.memory_space<semaphore_mem>>) {add = true}
        %dma_wait3A_479 = arith.constant 0 : i32
        %dma_wait3A_480 = arith.constant 0 : i32
        %dma_wait3A_481 = tpu.memref_slice %arg13[%dma_wait3A_479, %dma_wait3A_480] : memref<10112x128xf32, #tpu.memory_space<vmem_shared>> -> memref<10112x128xf32, #tpu.memory_space<vmem_shared>>
        tpu.wait_indirect_dma semaphore(%run_scoped3A : memref<!tpu.dma_semaphore, #tpu.memory_space<semaphore_mem>>) src(%arg11 : memref<128x128xf32, #tpu.memory_space<vmem>>) dst(%dma_wait3A_481 : memref<10112x128xf32, #tpu.memory_space<vmem_shared>>)
        tpu.yield
      }) : () -> ()
      %add3A_318 = arith.constant 0 : i32
      %add3A_319 = arith.addi %mul3A_159, %add3A_318 : i32
      %get3A_320 = arith.index_cast %add3A_319 : i32 to index
      %get3A_321 = tpu.vector_load %arg6[%get3A_320] {strides = array<i32>} : memref<10368xi32, #tpu.memory_space<vmem>>, vector<16xi32>,
      %get3A_322 = vector.shape_cast %get3A_321 : vector<16xi32> to vector<16xi32>
      %and3A_323 = arith.constant 65535 : i32
      %and3A_324 = vector.broadcast %and3A_323 : i32 to vector<16xi32>
      %and3A_325 = arith.andi %get3A_322, %and3A_324 : vector<16xi32>
      %swap3A_326 = arith.constant 0 : index
      %swap3A_327 = tpu.vector_load %arg7[%swap3A_326] {strides = array<i32>} : memref<128xi32, #tpu.memory_space<vmem>>, vector<16xi32>,
      %swap3A_328 = vector.shape_cast %swap3A_327 : vector<16xi32> to vector<16xi32>
      %swap3A_329 = vector.shape_cast %and3A_325 : vector<16xi32> to vector<16xi32>
      tpu.vector_store %arg7[%swap3A_326], %swap3A_329 {strides = array<i32>} : memref<128xi32, #tpu.memory_space<vmem>>, vector<16xi32>,
      %shift_right_arithmetic3A_330 = arith.constant 16 : i32
      %shift_right_arithmetic3A_331 = vector.broadcast %shift_right_arithmetic3A_330 : i32 to vector<16xi32>
      %shift_right_arithmetic3A_332 = arith.shrsi %get3A_322, %shift_right_arithmetic3A_331 : vector<16xi32>
      %swap3A_333 = arith.constant 0 : index
      %swap3A_334 = tpu.vector_load %arg9[%swap3A_333] {strides = array<i32>} : memref<128xi32, #tpu.memory_space<vmem>>, vector<16xi32>,
      %swap3A_335 = vector.shape_cast %swap3A_334 : vector<16xi32> to vector<16xi32>
      %swap3A_336 = vector.shape_cast %shift_right_arithmetic3A_332 : vector<16xi32> to vector<16xi32>
      tpu.vector_store %arg9[%swap3A_333], %swap3A_336 {strides = array<i32>} : memref<128xi32, #tpu.memory_space<vmem>>, vector<16xi32>,
      %add3A_337 = arith.constant 16 : i32
      %add3A_338 = arith.addi %mul3A_159, %add3A_337 : i32
      %get3A_339 = arith.index_cast %add3A_338 : i32 to index
      %get3A_340 = tpu.vector_load %arg6[%get3A_339] {strides = array<i32>} : memref<10368xi32, #tpu.memory_space<vmem>>, vector<16xi32>,
      %get3A_341 = vector.shape_cast %get3A_340 : vector<16xi32> to vector<16xi32>
      %and3A_342 = arith.constant 65535 : i32
      %and3A_343 = vector.broadcast %and3A_342 : i32 to vector<16xi32>
      %and3A_344 = arith.andi %get3A_341, %and3A_343 : vector<16xi32>
      %swap3A_345 = arith.constant 16 : index
      %swap3A_346 = tpu.vector_load %arg7[%swap3A_345] {strides = array<i32>} : memref<128xi32, #tpu.memory_space<vmem>>, vector<16xi32>,
      %swap3A_347 = vector.shape_cast %swap3A_346 : vector<16xi32> to vector<16xi32>
      %swap3A_348 = vector.shape_cast %and3A_344 : vector<16xi32> to vector<16xi32>
      tpu.vector_store %arg7[%swap3A_345], %swap3A_348 {strides = array<i32>} : memref<128xi32, #tpu.memory_space<vmem>>, vector<16xi32>,
      %shift_right_arithmetic3A_349 = arith.constant 16 : i32
      %shift_right_arithmetic3A_350 = vector.broadcast %shift_right_arithmetic3A_349 : i32 to vector<16xi32>
      %shift_right_arithmetic3A_351 = arith.shrsi %get3A_341, %shift_right_arithmetic3A_350 : vector<16xi32>
      %swap3A_352 = arith.constant 16 : index
      %swap3A_353 = tpu.vector_load %arg9[%swap3A_352] {strides = array<i32>} : memref<128xi32, #tpu.memory_space<vmem>>, vector<16xi32>,
      %swap3A_354 = vector.shape_cast %swap3A_353 : vector<16xi32> to vector<16xi32>
      %swap3A_355 = vector.shape_cast %shift_right_arithmetic3A_351 : vector<16xi32> to vector<16xi32>
      tpu.vector_store %arg9[%swap3A_352], %swap3A_355 {strides = array<i32>} : memref<128xi32, #tpu.memory_space<vmem>>, vector<16xi32>,
      %add3A_356 = arith.constant 32 : i32
      %add3A_357 = arith.addi %mul3A_159, %add3A_356 : i32
      %get3A_358 = arith.index_cast %add3A_357 : i32 to index
      %get3A_359 = tpu.vector_load %arg6[%get3A_358] {strides = array<i32>} : memref<10368xi32, #tpu.memory_space<vmem>>, vector<16xi32>,
      %get3A_360 = vector.shape_cast %get3A_359 : vector<16xi32> to vector<16xi32>
      %and3A_361 = arith.constant 65535 : i32
      %and3A_362 = vector.broadcast %and3A_361 : i32 to vector<16xi32>
      %and3A_363 = arith.andi %get3A_360, %and3A_362 : vector<16xi32>
      %swap3A_364 = arith.constant 32 : index
      %swap3A_365 = tpu.vector_load %arg7[%swap3A_364] {strides = array<i32>} : memref<128xi32, #tpu.memory_space<vmem>>, vector<16xi32>,
      %swap3A_366 = vector.shape_cast %swap3A_365 : vector<16xi32> to vector<16xi32>
      %swap3A_367 = vector.shape_cast %and3A_363 : vector<16xi32> to vector<16xi32>
      tpu.vector_store %arg7[%swap3A_364], %swap3A_367 {strides = array<i32>} : memref<128xi32, #tpu.memory_space<vmem>>, vector<16xi32>,
      %shift_right_arithmetic3A_368 = arith.constant 16 : i32
      %shift_right_arithmetic3A_369 = vector.broadcast %shift_right_arithmetic3A_368 : i32 to vector<16xi32>
      %shift_right_arithmetic3A_370 = arith.shrsi %get3A_360, %shift_right_arithmetic3A_369 : vector<16xi32>
      %swap3A_371 = arith.constant 32 : index
      %swap3A_372 = tpu.vector_load %arg9[%swap3A_371] {strides = array<i32>} : memref<128xi32, #tpu.memory_space<vmem>>, vector<16xi32>,
      %swap3A_373 = vector.shape_cast %swap3A_372 : vector<16xi32> to vector<16xi32>
      %swap3A_374 = vector.shape_cast %shift_right_arithmetic3A_370 : vector<16xi32> to vector<16xi32>
      tpu.vector_store %arg9[%swap3A_371], %swap3A_374 {strides = array<i32>} : memref<128xi32, #tpu.memory_space<vmem>>, vector<16xi32>,
      %add3A_375 = arith.constant 48 : i32
      %add3A_376 = arith.addi %mul3A_159, %add3A_375 : i32
      %get3A_377 = arith.index_cast %add3A_376 : i32 to index
      %get3A_378 = tpu.vector_load %arg6[%get3A_377] {strides = array<i32>} : memref<10368xi32, #tpu.memory_space<vmem>>, vector<16xi32>,
      %get3A_379 = vector.shape_cast %get3A_378 : vector<16xi32> to vector<16xi32>
      %and3A_380 = arith.constant 65535 : i32
      %and3A_381 = vector.broadcast %and3A_380 : i32 to vector<16xi32>
      %and3A_382 = arith.andi %get3A_379, %and3A_381 : vector<16xi32>
      %swap3A_383 = arith.constant 48 : index
      %swap3A_384 = tpu.vector_load %arg7[%swap3A_383] {strides = array<i32>} : memref<128xi32, #tpu.memory_space<vmem>>, vector<16xi32>,
      %swap3A_385 = vector.shape_cast %swap3A_384 : vector<16xi32> to vector<16xi32>
      %swap3A_386 = vector.shape_cast %and3A_382 : vector<16xi32> to vector<16xi32>
      tpu.vector_store %arg7[%swap3A_383], %swap3A_386 {strides = array<i32>} : memref<128xi32, #tpu.memory_space<vmem>>, vector<16xi32>,
      %shift_right_arithmetic3A_387 = arith.constant 16 : i32
      %shift_right_arithmetic3A_388 = vector.broadcast %shift_right_arithmetic3A_387 : i32 to vector<16xi32>
      %shift_right_arithmetic3A_389 = arith.shrsi %get3A_379, %shift_right_arithmetic3A_388 : vector<16xi32>
      %swap3A_390 = arith.constant 48 : index
      %swap3A_391 = tpu.vector_load %arg9[%swap3A_390] {strides = array<i32>} : memref<128xi32, #tpu.memory_space<vmem>>, vector<16xi32>,
      %swap3A_392 = vector.shape_cast %swap3A_391 : vector<16xi32> to vector<16xi32>
      %swap3A_393 = vector.shape_cast %shift_right_arithmetic3A_389 : vector<16xi32> to vector<16xi32>
      tpu.vector_store %arg9[%swap3A_390], %swap3A_393 {strides = array<i32>} : memref<128xi32, #tpu.memory_space<vmem>>, vector<16xi32>,
      %add3A_394 = arith.constant 64 : i32
      %add3A_395 = arith.addi %mul3A_159, %add3A_394 : i32
      %get3A_396 = arith.index_cast %add3A_395 : i32 to index
      %get3A_397 = tpu.vector_load %arg6[%get3A_396] {strides = array<i32>} : memref<10368xi32, #tpu.memory_space<vmem>>, vector<16xi32>,
      %get3A_398 = vector.shape_cast %get3A_397 : vector<16xi32> to vector<16xi32>
      %and3A_399 = arith.constant 65535 : i32
      %and3A_400 = vector.broadcast %and3A_399 : i32 to vector<16xi32>
      %and3A_401 = arith.andi %get3A_398, %and3A_400 : vector<16xi32>
      %swap3A_402 = arith.constant 64 : index
      %swap3A_403 = tpu.vector_load %arg7[%swap3A_402] {strides = array<i32>} : memref<128xi32, #tpu.memory_space<vmem>>, vector<16xi32>,
      %swap3A_404 = vector.shape_cast %swap3A_403 : vector<16xi32> to vector<16xi32>
      %swap3A_405 = vector.shape_cast %and3A_401 : vector<16xi32> to vector<16xi32>
      tpu.vector_store %arg7[%swap3A_402], %swap3A_405 {strides = array<i32>} : memref<128xi32, #tpu.memory_space<vmem>>, vector<16xi32>,
      %shift_right_arithmetic3A_406 = arith.constant 16 : i32
      %shift_right_arithmetic3A_407 = vector.broadcast %shift_right_arithmetic3A_406 : i32 to vector<16xi32>
      %shift_right_arithmetic3A_408 = arith.shrsi %get3A_398, %shift_right_arithmetic3A_407 : vector<16xi32>
      %swap3A_409 = arith.constant 64 : index
      %swap3A_410 = tpu.vector_load %arg9[%swap3A_409] {strides = array<i32>} : memref<128xi32, #tpu.memory_space<vmem>>, vector<16xi32>,
      %swap3A_411 = vector.shape_cast %swap3A_410 : vector<16xi32> to vector<16xi32>
      %swap3A_412 = vector.shape_cast %shift_right_arithmetic3A_408 : vector<16xi32> to vector<16xi32>
      tpu.vector_store %arg9[%swap3A_409], %swap3A_412 {strides = array<i32>} : memref<128xi32, #tpu.memory_space<vmem>>, vector<16xi32>,
      %add3A_413 = arith.constant 80 : i32
      %add3A_414 = arith.addi %mul3A_159, %add3A_413 : i32
      %get3A_415 = arith.index_cast %add3A_414 : i32 to index
      %get3A_416 = tpu.vector_load %arg6[%get3A_415] {strides = array<i32>} : memref<10368xi32, #tpu.memory_space<vmem>>, vector<16xi32>,
      %get3A_417 = vector.shape_cast %get3A_416 : vector<16xi32> to vector<16xi32>
      %and3A_418 = arith.constant 65535 : i32
      %and3A_419 = vector.broadcast %and3A_418 : i32 to vector<16xi32>
      %and3A_420 = arith.andi %get3A_417, %and3A_419 : vector<16xi32>
      %swap3A_421 = arith.constant 80 : index
      %swap3A_422 = tpu.vector_load %arg7[%swap3A_421] {strides = array<i32>} : memref<128xi32, #tpu.memory_space<vmem>>, vector<16xi32>,
      %swap3A_423 = vector.shape_cast %swap3A_422 : vector<16xi32> to vector<16xi32>
      %swap3A_424 = vector.shape_cast %and3A_420 : vector<16xi32> to vector<16xi32>
      tpu.vector_store %arg7[%swap3A_421], %swap3A_424 {strides = array<i32>} : memref<128xi32, #tpu.memory_space<vmem>>, vector<16xi32>,
      %shift_right_arithmetic3A_425 = arith.constant 16 : i32
      %shift_right_arithmetic3A_426 = vector.broadcast %shift_right_arithmetic3A_425 : i32 to vector<16xi32>
      %shift_right_arithmetic3A_427 = arith.shrsi %get3A_417, %shift_right_arithmetic3A_426 : vector<16xi32>
      %swap3A_428 = arith.constant 80 : index
      %swap3A_429 = tpu.vector_load %arg9[%swap3A_428] {strides = array<i32>} : memref<128xi32, #tpu.memory_space<vmem>>, vector<16xi32>,
      %swap3A_430 = vector.shape_cast %swap3A_429 : vector<16xi32> to vector<16xi32>
      %swap3A_431 = vector.shape_cast %shift_right_arithmetic3A_427 : vector<16xi32> to vector<16xi32>
      tpu.vector_store %arg9[%swap3A_428], %swap3A_431 {strides = array<i32>} : memref<128xi32, #tpu.memory_space<vmem>>, vector<16xi32>,
      %add3A_432 = arith.constant 96 : i32
      %add3A_433 = arith.addi %mul3A_159, %add3A_432 : i32
      %get3A_434 = arith.index_cast %add3A_433 : i32 to index
      %get3A_435 = tpu.vector_load %arg6[%get3A_434] {strides = array<i32>} : memref<10368xi32, #tpu.memory_space<vmem>>, vector<16xi32>,
      %get3A_436 = vector.shape_cast %get3A_435 : vector<16xi32> to vector<16xi32>
      %and3A_437 = arith.constant 65535 : i32
      %and3A_438 = vector.broadcast %and3A_437 : i32 to vector<16xi32>
      %and3A_439 = arith.andi %get3A_436, %and3A_438 : vector<16xi32>
      %swap3A_440 = arith.constant 96 : index
      %swap3A_441 = tpu.vector_load %arg7[%swap3A_440] {strides = array<i32>} : memref<128xi32, #tpu.memory_space<vmem>>, vector<16xi32>,
      %swap3A_442 = vector.shape_cast %swap3A_441 : vector<16xi32> to vector<16xi32>
      %swap3A_443 = vector.shape_cast %and3A_439 : vector<16xi32> to vector<16xi32>
      tpu.vector_store %arg7[%swap3A_440], %swap3A_443 {strides = array<i32>} : memref<128xi32, #tpu.memory_space<vmem>>, vector<16xi32>,
      %shift_right_arithmetic3A_444 = arith.constant 16 : i32
      %shift_right_arithmetic3A_445 = vector.broadcast %shift_right_arithmetic3A_444 : i32 to vector<16xi32>
      %shift_right_arithmetic3A_446 = arith.shrsi %get3A_436, %shift_right_arithmetic3A_445 : vector<16xi32>
      %swap3A_447 = arith.constant 96 : index
      %swap3A_448 = tpu.vector_load %arg9[%swap3A_447] {strides = array<i32>} : memref<128xi32, #tpu.memory_space<vmem>>, vector<16xi32>,
      %swap3A_449 = vector.shape_cast %swap3A_448 : vector<16xi32> to vector<16xi32>
      %swap3A_450 = vector.shape_cast %shift_right_arithmetic3A_446 : vector<16xi32> to vector<16xi32>
      tpu.vector_store %arg9[%swap3A_447], %swap3A_450 {strides = array<i32>} : memref<128xi32, #tpu.memory_space<vmem>>, vector<16xi32>,
      %add3A_451 = arith.constant 112 : i32
      %add3A_452 = arith.addi %mul3A_159, %add3A_451 : i32
      %get3A_453 = arith.index_cast %add3A_452 : i32 to index
      %get3A_454 = tpu.vector_load %arg6[%get3A_453] {strides = array<i32>} : memref<10368xi32, #tpu.memory_space<vmem>>, vector<16xi32>,
      %get3A_455 = vector.shape_cast %get3A_454 : vector<16xi32> to vector<16xi32>
      %and3A_456 = arith.constant 65535 : i32
      %and3A_457 = vector.broadcast %and3A_456 : i32 to vector<16xi32>
      %and3A_458 = arith.andi %get3A_455, %and3A_457 : vector<16xi32>
      %swap3A_459 = arith.constant 112 : index
      %swap3A_460 = tpu.vector_load %arg7[%swap3A_459] {strides = array<i32>} : memref<128xi32, #tpu.memory_space<vmem>>, vector<16xi32>,
      %swap3A_461 = vector.shape_cast %swap3A_460 : vector<16xi32> to vector<16xi32>
      %swap3A_462 = vector.shape_cast %and3A_458 : vector<16xi32> to vector<16xi32>
      tpu.vector_store %arg7[%swap3A_459], %swap3A_462 {strides = array<i32>} : memref<128xi32, #tpu.memory_space<vmem>>, vector<16xi32>,
      %shift_right_arithmetic3A_463 = arith.constant 16 : i32
      %shift_right_arithmetic3A_464 = vector.broadcast %shift_right_arithmetic3A_463 : i32 to vector<16xi32>
      %shift_right_arithmetic3A_465 = arith.shrsi %get3A_455, %shift_right_arithmetic3A_464 : vector<16xi32>
      %swap3A_466 = arith.constant 112 : index
      %swap3A_467 = tpu.vector_load %arg9[%swap3A_466] {strides = array<i32>} : memref<128xi32, #tpu.memory_space<vmem>>, vector<16xi32>,
      %swap3A_468 = vector.shape_cast %swap3A_467 : vector<16xi32> to vector<16xi32>
      %swap3A_469 = vector.shape_cast %shift_right_arithmetic3A_465 : vector<16xi32> to vector<16xi32>
      tpu.vector_store %arg9[%swap3A_466], %swap3A_469 {strides = array<i32>} : memref<128xi32, #tpu.memory_space<vmem>>, vector<16xi32>,
      %dma_start3A_470 = arith.constant 0 : i32
      %dma_start3A_471 = arith.constant 0 : i32
      %dma_start3A_472 = tpu.memref_slice %arg3[%dma_start3A_470, %dma_start3A_471] : memref<10112x128xf32, #tpu.memory_space<hbm>> -> memref<10112x128xf32, #tpu.memory_space<hbm>>
      tpu.enqueue_indirect_dma source(%dma_start3A_472 : memref<10112x128xf32, #tpu.memory_space<hbm>>) target(%arg11 : memref<128x128xf32, #tpu.memory_space<vmem>>) offsets(%arg7 : memref<128xi32, #tpu.memory_space<vmem>>) semaphore(%arg14 : memref<!tpu.dma_semaphore, #tpu.memory_space<semaphore_mem>>)
      %dma_wait3A_473 = arith.constant 0 : i32
      %dma_wait3A_474 = arith.constant 0 : i32
      %dma_wait3A_475 = tpu.memref_slice %arg3[%dma_wait3A_473, %dma_wait3A_474] : memref<10112x128xf32, #tpu.memory_space<hbm>> -> memref<10112x128xf32, #tpu.memory_space<hbm>>
      tpu.wait_indirect_dma semaphore(%arg15 : memref<!tpu.dma_semaphore, #tpu.memory_space<semaphore_mem>>) src(%dma_wait3A_475 : memref<10112x128xf32, #tpu.memory_space<hbm>>) dst(%arg12 : memref<128x128xf32, #tpu.memory_space<vmem>>)
      "tpu.region"() ({
        %run_scoped3A = tpu.sem_alloc : memref<!tpu.dma_semaphore, #tpu.memory_space<semaphore_mem>>
        %dma_start3A_476 = arith.constant 0 : i32
        %dma_start3A_477 = arith.constant 0 : i32
        %dma_start3A_478 = tpu.memref_slice %arg13[%dma_start3A_476, %dma_start3A_477] : memref<10112x128xf32, #tpu.memory_space<vmem_shared>> -> memref<10112x128xf32, #tpu.memory_space<vmem_shared>>
        tpu.enqueue_indirect_dma source(%arg12 : memref<128x128xf32, #tpu.memory_space<vmem>>) target(%dma_start3A_478 : memref<10112x128xf32, #tpu.memory_space<vmem_shared>>) offsets(%arg10 : memref<128xi32, #tpu.memory_space<vmem>>) semaphore(%run_scoped3A : memref<!tpu.dma_semaphore, #tpu.memory_space<semaphore_mem>>) {add = true}
        %dma_wait3A_479 = arith.constant 0 : i32
        %dma_wait3A_480 = arith.constant 0 : i32
        %dma_wait3A_481 = tpu.memref_slice %arg13[%dma_wait3A_479, %dma_wait3A_480] : memref<10112x128xf32, #tpu.memory_space<vmem_shared>> -> memref<10112x128xf32, #tpu.memory_space<vmem_shared>>
        tpu.wait_indirect_dma semaphore(%run_scoped3A : memref<!tpu.dma_semaphore, #tpu.memory_space<semaphore_mem>>) src(%arg12 : memref<128x128xf32, #tpu.memory_space<vmem>>) dst(%dma_wait3A_481 : memref<10112x128xf32, #tpu.memory_space<vmem_shared>>)
        tpu.yield
      }) : () -> ()
    }
    %scan3A_143 = arith.constant 40 : i32
    %dma_wait3A = arith.constant 0 : i32
    %dma_wait3A_144 = arith.constant 0 : i32
    %dma_wait3A_145 = tpu.memref_slice %arg3[%dma_wait3A, %dma_wait3A_144] : memref<10112x128xf32, #tpu.memory_space<hbm>> -> memref<10112x128xf32, #tpu.memory_space<hbm>>
    tpu.wait_indirect_dma semaphore(%arg14 : memref<!tpu.dma_semaphore, #tpu.memory_space<semaphore_mem>>) src(%dma_wait3A_145 : memref<10112x128xf32, #tpu.memory_space<hbm>>) dst(%arg11 : memref<128x128xf32, #tpu.memory_space<vmem>>)
    %barrier3A_146 = arith.constant 0 : index
    tpu.barrier barrier_id(%barrier3A_146)
    "tpu.region"() ({
      %run_scoped3A = tpu.sem_alloc : memref<!tpu.dma_semaphore, #tpu.memory_space<semaphore_mem>>
      %dma_start3A_147 = arith.constant 0 : i32
      %dma_start3A_148 = tpu.memref_slice %arg5[%arg0, %mul3A_4, %dma_start3A_147] : memref<2x10112x128xf32, #tpu.memory_space<hbm>> -> memref<1x632x128xf32, #tpu.memory_space<hbm>>
      %dma_start3A_149 = tpu.memref_squeeze %dma_start3A_148 : memref<1x632x128xf32, #tpu.memory_space<hbm>> -> memref<632x128xf32, #tpu.memory_space<hbm>>
      %dma_start3A_150 = arith.constant 0 : i32
      %dma_start3A_151 = tpu.memref_slice %arg13[%mul3A_4, %dma_start3A_150] : memref<10112x128xf32, #tpu.memory_space<vmem_shared>> -> memref<632x128xf32, #tpu.memory_space<vmem_shared>>
      tpu.enqueue_dma source(%dma_start3A_151 : memref<632x128xf32, #tpu.memory_space<vmem_shared>>) target(%dma_start3A_149 : memref<632x128xf32, #tpu.memory_space<hbm>>) target_semaphore(%run_scoped3A : memref<!tpu.dma_semaphore, #tpu.memory_space<semaphore_mem>>)
      %dma_wait3A_152 = arith.constant 0 : i32
      %dma_wait3A_153 = tpu.memref_slice %arg5[%arg0, %mul3A_4, %dma_wait3A_152] : memref<2x10112x128xf32, #tpu.memory_space<hbm>> -> memref<1x632x128xf32, #tpu.memory_space<hbm>>
      %dma_wait3A_154 = tpu.memref_squeeze %dma_wait3A_153 : memref<1x632x128xf32, #tpu.memory_space<hbm>> -> memref<632x128xf32, #tpu.memory_space<hbm>>
      %dma_wait3A_155 = arith.constant 0 : i32
      %dma_wait3A_156 = tpu.memref_slice %arg13[%mul3A_4, %dma_wait3A_155] : memref<10112x128xf32, #tpu.memory_space<vmem_shared>> -> memref<632x128xf32, #tpu.memory_space<vmem_shared>>
      tpu.wait_dma2 semaphore(%run_scoped3A : memref<!tpu.dma_semaphore, #tpu.memory_space<semaphore_mem>>) src(%dma_wait3A_156 : memref<632x128xf32, #tpu.memory_space<vmem_shared>>) dst(%dma_wait3A_154 : memref<632x128xf32, #tpu.memory_space<hbm>>)
      tpu.yield
    }) : () -> ()
    return
  }
}

module attributes {stable_mosaic.version = 14 : i64} {
  func.func @_prep_body(%arg0: i32, %arg1: memref<1x2528x128xf32, #tpu.memory_space<vmem>>, %arg2: memref<1x2528x128xf32, #tpu.memory_space<vmem>>, %arg3: memref<2528x128xf32, #tpu.memory_space<vmem>>, %arg4: memref<2528x128xf32, #tpu.memory_space<vmem>>) attributes {dimension_semantics = [#tpu.dimension_semantics<arbitrary>], iteration_bounds = array<i64: 4>, scalar_prefetch = 0 : i64, scratch_operands = 0 : i64, tpu.core_type = #tpu.core_type<tc>, window_params = [{transform_indices = @transform_0, window_bounds = array<i64: 1, 2528, 128>}, {transform_indices = @transform_1, window_bounds = array<i64: 1, 2528, 128>}, {transform_indices = @transform_2, window_bounds = array<i64: 2528, 128>}, {transform_indices = @transform_3, window_bounds = array<i64: 2528, 128>}]} {
    %get3A = arith.constant 0 : index
    %get3A_0 = arith.constant 0 : index
    %get3A_1 = arith.constant 0 : index
    %get3A_2 = vector.load %arg1[%get3A, %get3A_0, %get3A_1] : memref<1x2528x128xf32, #tpu.memory_space<vmem>>, vector<1x2528x128xf32>
    %slice3A = vector.extract_strided_slice %get3A_2 {offsets = [0, 0, 0], sizes = [1, 2528, 1], strides = [1, 1, 1]} : vector<1x2528x128xf32> to vector<1x2528x1xf32>
    %squeeze3A = vector.shape_cast %slice3A : vector<1x2528x1xf32> to vector<2528x1xf32>
    %get3A_3 = arith.constant 0 : index
    %get3A_4 = arith.constant 0 : index
    %get3A_5 = arith.constant 0 : index
    %get3A_6 = vector.load %arg2[%get3A_3, %get3A_4, %get3A_5] : memref<1x2528x128xf32, #tpu.memory_space<vmem>>, vector<1x2528x128xf32>
    %slice3A_7 = vector.extract_strided_slice %get3A_6 {offsets = [0, 0, 0], sizes = [1, 2528, 1], strides = [1, 1, 1]} : vector<1x2528x128xf32> to vector<1x2528x1xf32>
    %squeeze3A_8 = vector.shape_cast %slice3A_7 : vector<1x2528x1xf32> to vector<2528x1xf32>
    %add3A = arith.addf %squeeze3A, %squeeze3A_8 : vector<2528x1xf32>
    %add3A_9 = arith.constant 1.000000e+00 : f32
    %add3A_10 = vector.broadcast %add3A_9 : f32 to vector<2528x1xf32>
    %add3A_11 = arith.addf %add3A, %add3A_10 : vector<2528x1xf32>
    %rsqrt3A = math.rsqrt %add3A_11 : vector<2528x1xf32>
    %get3A_12 = arith.constant 0 : index
    %get3A_13 = arith.constant 0 : index
    %get3A_14 = vector.load %arg3[%get3A_12, %get3A_13] : memref<2528x128xf32, #tpu.memory_space<vmem>>, vector<2528x128xf32>
    %mul3A = vector.broadcast %rsqrt3A : vector<2528x1xf32> to vector<2528x128xf32>
    %mul3A_15 = arith.mulf %get3A_14, %mul3A : vector<2528x128xf32>
    %swap3A = arith.constant 0 : index
    %swap3A_16 = arith.constant 0 : index
    %swap3A_17 = vector.load %arg4[%swap3A, %swap3A_16] : memref<2528x128xf32, #tpu.memory_space<vmem>>, vector<2528x128xf32>
    tpu.vector_store %arg4[%swap3A, %swap3A_16], %mul3A_15 {strides = array<i32>} : memref<2528x128xf32, #tpu.memory_space<vmem>>, vector<2528x128xf32>,
    return
  }
  func.func @transform_0(%arg0: i32) -> (i32, i32, i32) {
    %c0_i32 = arith.constant 0 : i32
    %c0_i32_0 = arith.constant 0 : i32
    %c0_i32_1 = arith.constant 0 : i32
    return %c0_i32, %arg0, %c0_i32_0 : i32, i32, i32
  }
  func.func @transform_1(%arg0: i32) -> (i32, i32, i32) {
    %c1_i32 = arith.constant 1 : i32
    %c0_i32 = arith.constant 0 : i32
    %c0_i32_0 = arith.constant 0 : i32
    return %c1_i32, %arg0, %c0_i32 : i32, i32, i32
  }
  func.func @transform_2(%arg0: i32) -> (i32, i32) {
    %c0_i32 = arith.constant 0 : i32
    %c0_i32_0 = arith.constant 0 : i32
    return %arg0, %c0_i32 : i32, i32
  }
  func.func @transform_3(%arg0: i32) -> (i32, i32) {
    %c0_i32 = arith.constant 0 : i32
    %c0_i32_0 = arith.constant 0 : i32
    return %arg0, %c0_i32 : i32, i32
  }
}

module attributes {stable_mosaic.version = 14 : i64} {
  func.func @_mid_body(%arg0: i32, %arg1: memref<1x2528x128xf32, #tpu.memory_space<vmem>>, %arg2: memref<1x2528x128xf32, #tpu.memory_space<vmem>>, %arg3: memref<1x2528x128xf32, #tpu.memory_space<vmem>>, %arg4: memref<1x2528x128xf32, #tpu.memory_space<vmem>>, %arg5: memref<2528x128xf32, #tpu.memory_space<vmem>>, %arg6: memref<2528x128xf32, #tpu.memory_space<vmem>>) attributes {dimension_semantics = [#tpu.dimension_semantics<arbitrary>], iteration_bounds = array<i64: 4>, scalar_prefetch = 0 : i64, scratch_operands = 0 : i64, tpu.core_type = #tpu.core_type<tc>, window_params = [{transform_indices = @transform_0, window_bounds = array<i64: 1, 2528, 128>}, {transform_indices = @transform_1, window_bounds = array<i64: 1, 2528, 128>}, {transform_indices = @transform_2, window_bounds = array<i64: 1, 2528, 128>}, {transform_indices = @transform_3, window_bounds = array<i64: 1, 2528, 128>}, {transform_indices = @transform_4, window_bounds = array<i64: 2528, 128>}, {transform_indices = @transform_5, window_bounds = array<i64: 2528, 128>}]} {
    %get3A = arith.constant 0 : index
    %get3A_0 = arith.constant 0 : index
    %get3A_1 = arith.constant 0 : index
    %get3A_2 = vector.load %arg1[%get3A, %get3A_0, %get3A_1] : memref<1x2528x128xf32, #tpu.memory_space<vmem>>, vector<1x2528x128xf32>
    %slice3A = vector.extract_strided_slice %get3A_2 {offsets = [0, 0, 0], sizes = [1, 2528, 1], strides = [1, 1, 1]} : vector<1x2528x128xf32> to vector<1x2528x1xf32>
    %squeeze3A = vector.shape_cast %slice3A : vector<1x2528x1xf32> to vector<2528x1xf32>
    %get3A_3 = arith.constant 0 : index
    %get3A_4 = arith.constant 0 : index
    %get3A_5 = arith.constant 0 : index
    %get3A_6 = vector.load %arg2[%get3A_3, %get3A_4, %get3A_5] : memref<1x2528x128xf32, #tpu.memory_space<vmem>>, vector<1x2528x128xf32>
    %slice3A_7 = vector.extract_strided_slice %get3A_6 {offsets = [0, 0, 0], sizes = [1, 2528, 1], strides = [1, 1, 1]} : vector<1x2528x128xf32> to vector<1x2528x1xf32>
    %squeeze3A_8 = vector.shape_cast %slice3A_7 : vector<1x2528x1xf32> to vector<2528x1xf32>
    %add3A = arith.addf %squeeze3A, %squeeze3A_8 : vector<2528x1xf32>
    %add3A_9 = arith.constant 1.000000e+00 : f32
    %add3A_10 = vector.broadcast %add3A_9 : f32 to vector<2528x1xf32>
    %add3A_11 = arith.addf %add3A, %add3A_10 : vector<2528x1xf32>
    %get3A_12 = arith.constant 0 : index
    %get3A_13 = arith.constant 0 : index
    %get3A_14 = arith.constant 0 : index
    %get3A_15 = vector.load %arg3[%get3A_12, %get3A_13, %get3A_14] : memref<1x2528x128xf32, #tpu.memory_space<vmem>>, vector<1x2528x128xf32>
    %squeeze3A_16 = vector.shape_cast %get3A_15 : vector<1x2528x128xf32> to vector<2528x128xf32>
    %get3A_17 = arith.constant 0 : index
    %get3A_18 = arith.constant 0 : index
    %get3A_19 = arith.constant 0 : index
    %get3A_20 = vector.load %arg4[%get3A_17, %get3A_18, %get3A_19] : memref<1x2528x128xf32, #tpu.memory_space<vmem>>, vector<1x2528x128xf32>
    %squeeze3A_21 = vector.shape_cast %get3A_20 : vector<1x2528x128xf32> to vector<2528x128xf32>
    %add3A_22 = arith.addf %squeeze3A_16, %squeeze3A_21 : vector<2528x128xf32>
    %get3A_23 = arith.constant 0 : index
    %get3A_24 = arith.constant 0 : index
    %get3A_25 = vector.load %arg5[%get3A_23, %get3A_24] : memref<2528x128xf32, #tpu.memory_space<vmem>>, vector<2528x128xf32>
    %add3A_26 = arith.addf %add3A_22, %get3A_25 : vector<2528x128xf32>
    %div3A = vector.broadcast %add3A_11 : vector<2528x1xf32> to vector<2528x128xf32>
    %div3A_27 = arith.divf %add3A_26, %div3A : vector<2528x128xf32>
    %swap3A = arith.constant 0 : index
    %swap3A_28 = arith.constant 0 : index
    %swap3A_29 = vector.load %arg6[%swap3A, %swap3A_28] : memref<2528x128xf32, #tpu.memory_space<vmem>>, vector<2528x128xf32>
    tpu.vector_store %arg6[%swap3A, %swap3A_28], %div3A_27 {strides = array<i32>} : memref<2528x128xf32, #tpu.memory_space<vmem>>, vector<2528x128xf32>,
    return
  }
  func.func @transform_0(%arg0: i32) -> (i32, i32, i32) {
    %c0_i32 = arith.constant 0 : i32
    %c0_i32_0 = arith.constant 0 : i32
    %c0_i32_1 = arith.constant 0 : i32
    return %c0_i32, %arg0, %c0_i32_0 : i32, i32, i32
  }
  func.func @transform_1(%arg0: i32) -> (i32, i32, i32) {
    %c1_i32 = arith.constant 1 : i32
    %c0_i32 = arith.constant 0 : i32
    %c0_i32_0 = arith.constant 0 : i32
    return %c1_i32, %arg0, %c0_i32 : i32, i32, i32
  }
  func.func @transform_2(%arg0: i32) -> (i32, i32, i32) {
    %c0_i32 = arith.constant 0 : i32
    %c0_i32_0 = arith.constant 0 : i32
    %c0_i32_1 = arith.constant 0 : i32
    return %c0_i32, %arg0, %c0_i32_0 : i32, i32, i32
  }
  func.func @transform_3(%arg0: i32) -> (i32, i32, i32) {
    %c1_i32 = arith.constant 1 : i32
    %c0_i32 = arith.constant 0 : i32
    %c0_i32_0 = arith.constant 0 : i32
    return %c1_i32, %arg0, %c0_i32 : i32, i32, i32
  }
  func.func @transform_4(%arg0: i32) -> (i32, i32) {
    %c0_i32 = arith.constant 0 : i32
    %c0_i32_0 = arith.constant 0 : i32
    return %arg0, %c0_i32 : i32, i32
  }
  func.func @transform_5(%arg0: i32) -> (i32, i32) {
    %c0_i32 = arith.constant 0 : i32
    %c0_i32_0 = arith.constant 0 : i32
    return %arg0, %c0_i32 : i32, i32
  }
}

module attributes {stable_mosaic.version = 14 : i64} {
  func.func @_final_body(%arg0: i32, %arg1: memref<1x2528x128xf32, #tpu.memory_space<vmem>>, %arg2: memref<1x2528x128xf32, #tpu.memory_space<vmem>>, %arg3: memref<1x2528x128xf32, #tpu.memory_space<vmem>>, %arg4: memref<1x2528x128xf32, #tpu.memory_space<vmem>>, %arg5: memref<2528x128xf32, #tpu.memory_space<vmem>>, %arg6: memref<128x128xf32, #tpu.memory_space<vmem>>, %arg7: memref<1x128xf32, #tpu.memory_space<vmem>>, %arg8: memref<2528x128xf32, #tpu.memory_space<vmem>>) attributes {dimension_semantics = [#tpu.dimension_semantics<arbitrary>], iteration_bounds = array<i64: 4>, scalar_prefetch = 0 : i64, scratch_operands = 0 : i64, tpu.core_type = #tpu.core_type<tc>, window_params = [{transform_indices = @transform_0, window_bounds = array<i64: 1, 2528, 128>}, {transform_indices = @transform_1, window_bounds = array<i64: 1, 2528, 128>}, {transform_indices = @transform_2, window_bounds = array<i64: 1, 2528, 128>}, {transform_indices = @transform_3, window_bounds = array<i64: 1, 2528, 128>}, {transform_indices = @transform_4, window_bounds = array<i64: 2528, 128>}, {pipeline_mode = #tpu.pipeline_mode<synchronous>, transform_indices = @transform_5, window_bounds = array<i64: 128, 128>}, {pipeline_mode = #tpu.pipeline_mode<synchronous>, transform_indices = @transform_6, window_bounds = array<i64: 1, 128>}, {transform_indices = @transform_7, window_bounds = array<i64: 2528, 128>}]} {
    %get3A = arith.constant 0 : index
    %get3A_0 = arith.constant 0 : index
    %get3A_1 = arith.constant 0 : index
    %get3A_2 = vector.load %arg1[%get3A, %get3A_0, %get3A_1] : memref<1x2528x128xf32, #tpu.memory_space<vmem>>, vector<1x2528x128xf32>
    %slice3A = vector.extract_strided_slice %get3A_2 {offsets = [0, 0, 0], sizes = [1, 2528, 1], strides = [1, 1, 1]} : vector<1x2528x128xf32> to vector<1x2528x1xf32>
    %squeeze3A = vector.shape_cast %slice3A : vector<1x2528x1xf32> to vector<2528x1xf32>
    %get3A_3 = arith.constant 0 : index
    %get3A_4 = arith.constant 0 : index
    %get3A_5 = arith.constant 0 : index
    %get3A_6 = vector.load %arg2[%get3A_3, %get3A_4, %get3A_5] : memref<1x2528x128xf32, #tpu.memory_space<vmem>>, vector<1x2528x128xf32>
    %slice3A_7 = vector.extract_strided_slice %get3A_6 {offsets = [0, 0, 0], sizes = [1, 2528, 1], strides = [1, 1, 1]} : vector<1x2528x128xf32> to vector<1x2528x1xf32>
    %squeeze3A_8 = vector.shape_cast %slice3A_7 : vector<1x2528x1xf32> to vector<2528x1xf32>
    %add3A = arith.addf %squeeze3A, %squeeze3A_8 : vector<2528x1xf32>
    %add3A_9 = arith.constant 1.000000e+00 : f32
    %add3A_10 = vector.broadcast %add3A_9 : f32 to vector<2528x1xf32>
    %add3A_11 = arith.addf %add3A, %add3A_10 : vector<2528x1xf32>
    %rsqrt3A = math.rsqrt %add3A_11 : vector<2528x1xf32>
    %get3A_12 = arith.constant 0 : index
    %get3A_13 = arith.constant 0 : index
    %get3A_14 = arith.constant 0 : index
    %get3A_15 = vector.load %arg3[%get3A_12, %get3A_13, %get3A_14] : memref<1x2528x128xf32, #tpu.memory_space<vmem>>, vector<1x2528x128xf32>
    %squeeze3A_16 = vector.shape_cast %get3A_15 : vector<1x2528x128xf32> to vector<2528x128xf32>
    %get3A_17 = arith.constant 0 : index
    %get3A_18 = arith.constant 0 : index
    %get3A_19 = arith.constant 0 : index
    %get3A_20 = vector.load %arg4[%get3A_17, %get3A_18, %get3A_19] : memref<1x2528x128xf32, #tpu.memory_space<vmem>>, vector<1x2528x128xf32>
    %squeeze3A_21 = vector.shape_cast %get3A_20 : vector<1x2528x128xf32> to vector<2528x128xf32>
    %add3A_22 = arith.addf %squeeze3A_16, %squeeze3A_21 : vector<2528x128xf32>
    %get3A_23 = arith.constant 0 : index
    %get3A_24 = arith.constant 0 : index
    %get3A_25 = vector.load %arg5[%get3A_23, %get3A_24] : memref<2528x128xf32, #tpu.memory_space<vmem>>, vector<2528x128xf32>
    %add3A_26 = arith.addf %add3A_22, %get3A_25 : vector<2528x128xf32>
    %mul3A = vector.broadcast %rsqrt3A : vector<2528x1xf32> to vector<2528x128xf32>
    %mul3A_27 = arith.mulf %add3A_26, %mul3A : vector<2528x128xf32>
    %get3A_28 = arith.constant 0 : index
    %get3A_29 = arith.constant 0 : index
    %get3A_30 = vector.load %arg6[%get3A_28, %get3A_29] : memref<128x128xf32, #tpu.memory_space<vmem>>, vector<128x128xf32>
    %dot_general3A = arith.constant dense<0.000000e+00> : vector<2528x128xf32>
    %dot_general3A_31 = tpu.matmul %mul3A_27, %get3A_30, %dot_general3A {dimension_numbers = #tpu.dot_dimension_numbers<[1], [1], [0], [0], [0, 0, 1, 0], [], []>, transpose_lhs_hint = false} : vector<2528x128xf32>, vector<128x128xf32>, vector<2528x128xf32> -> vector<2528x128xf32>
    %get3A_32 = arith.constant 0 : index
    %get3A_33 = arith.constant 0 : index
    %get3A_34 = vector.load %arg7[%get3A_32, %get3A_33] : memref<1x128xf32, #tpu.memory_space<vmem>>, vector<1x128xf32>
    %add3A_35 = vector.broadcast %get3A_34 : vector<1x128xf32> to vector<2528x128xf32>
    %add3A_36 = arith.addf %dot_general3A_31, %add3A_35 : vector<2528x128xf32>
    %swap3A = arith.constant 0 : index
    %swap3A_37 = arith.constant 0 : index
    %swap3A_38 = vector.load %arg8[%swap3A, %swap3A_37] : memref<2528x128xf32, #tpu.memory_space<vmem>>, vector<2528x128xf32>
    tpu.vector_store %arg8[%swap3A, %swap3A_37], %add3A_36 {strides = array<i32>} : memref<2528x128xf32, #tpu.memory_space<vmem>>, vector<2528x128xf32>,
    return
  }
  func.func @transform_0(%arg0: i32) -> (i32, i32, i32) {
    %c0_i32 = arith.constant 0 : i32
    %c0_i32_0 = arith.constant 0 : i32
    %c0_i32_1 = arith.constant 0 : i32
    return %c0_i32, %arg0, %c0_i32_0 : i32, i32, i32
  }
  func.func @transform_1(%arg0: i32) -> (i32, i32, i32) {
    %c1_i32 = arith.constant 1 : i32
    %c0_i32 = arith.constant 0 : i32
    %c0_i32_0 = arith.constant 0 : i32
    return %c1_i32, %arg0, %c0_i32 : i32, i32, i32
  }
  func.func @transform_2(%arg0: i32) -> (i32, i32, i32) {
    %c0_i32 = arith.constant 0 : i32
    %c0_i32_0 = arith.constant 0 : i32
    %c0_i32_1 = arith.constant 0 : i32
    return %c0_i32, %arg0, %c0_i32_0 : i32, i32, i32
  }
  func.func @transform_3(%arg0: i32) -> (i32, i32, i32) {
    %c1_i32 = arith.constant 1 : i32
    %c0_i32 = arith.constant 0 : i32
    %c0_i32_0 = arith.constant 0 : i32
    return %c1_i32, %arg0, %c0_i32 : i32, i32, i32
  }
  func.func @transform_4(%arg0: i32) -> (i32, i32) {
    %c0_i32 = arith.constant 0 : i32
    %c0_i32_0 = arith.constant 0 : i32
    return %arg0, %c0_i32 : i32, i32
  }
  func.func @transform_5(%arg0: i32) -> (i32, i32) {
    %c0_i32 = arith.constant 0 : i32
    %c0_i32_0 = arith.constant 0 : i32
    %c0_i32_1 = arith.constant 0 : i32
    return %c0_i32, %c0_i32_0 : i32, i32
  }
  func.func @transform_6(%arg0: i32) -> (i32, i32) {
    %c0_i32 = arith.constant 0 : i32
    %c0_i32_0 = arith.constant 0 : i32
    %c0_i32_1 = arith.constant 0 : i32
    return %c0_i32, %c0_i32_0 : i32, i32
  }
  func.func @transform_7(%arg0: i32) -> (i32, i32) {
    %c0_i32 = arith.constant 0 : i32
    %c0_i32_0 = arith.constant 0 : i32
    return %arg0, %c0_i32 : i32, i32
  }
}

</mosaic_0001>

<sc_bundles>
// kernel: _run.11.cloned.1.call-start
scs
__scs_entry_jumppad:
0x0: {  	(pc) =	sbr.rel $0x88, $3  }
0x1: {  	(tag) =	ssettag $0x0;
	lr =	simm.s32 $0x1  }
0x2: {  	[smem:$0x3F9D] =	sst lr;
	_ =	strace $0xD0000000  }
0x3: {  	_ = 	snop  }
0x4: {  	_ = 	snop  }
0x5: {  	_ = 	snop  }
0x6: {  	_ = 	snop  }
0x7: {  	_ = 	snop  }
__scs_overlays_trampoline_lowered:
0x8: {  	[smem:$0x3FAC] =	sst s0  }
0x9: {  	[smem:$0x3FAD] =	sst s1  }
0xa: {  	[smem:$0x3FAE] =	sst s2  }
0xb: {  	[smem:$0x3FAF] =	sst s3  }
0xc: {  	[smem:$0x3FB0] =	sst s4  }
0xd: {  	[smem:$0x3FB1] =	sst s5  }
0xe: {  	[smem:$0x3FB2] =	sst s6  }
0xf: {  	[smem:$0x3FB3] =	sst s7  }
0x10: {  	[smem:$0x3FB4] =	sst s8  }
0x11: {  	[smem:$0x3FB5] =	sst s9;
	s0 =	simm.s32 @!p0 $0x0  }
0x12: {  	s1 =	sld [smem:$0x3F9B];
	s0 =	simm.s32 @p0 $0x1  }
0x13: {  	[smem:$0x3FB6] =	sst s0;
	s0 =	simm.s32 @!p1 $0x0  }
0x14: {  	s2 =	sld [smem:$0x3F9A];
	s0 =	simm.s32 @p1 $0x1  }
0x15: {  	[smem:$0x3FB7] =	sst s0;
	s0 =	simm.s32 @!p2 $0x0  }
0x16: {  	s3 =	sld [smem:$0x3FDB];
	s0 =	simm.s32 @p2 $0x1  }
0x17: {  	s4 =	simm.s32 $0x1BF5;
	[smem:$0x3FB9] =	sst s0  }
0x18: {  	s0 =	sld [smem:$0x3F9C];
	_ =	swait.ge [sflag:s4], $0x0  }
0x19: {  	s7 =	sld [smem:$0x3F9D]  }
0x1a: {  	s8 =	sadd.s32 $0xFFFFE003, lr  }
0x1b: {  	s9 =	sadd.s32 $0xFFFFFEF7, lr;
	s5 =	simm.s32 $0xFFFFFFFF;
	p2 =	slt.u32 s8, $0xFFFFF086  }
0x1c: {  	p1 =	slt.u32 s9, $0xF7A;
	s5 =	simm.s32 @!p2 $0x0  }
0x1d: {  	s5 =	simm.s32 @p1 $0x1;
	p0 =	seq.s32 s7, s2  }
0x1e: {  	s7 =	smul.u32 @!p0 $0xF7A, s2;
	p2 =	seq.s32 @!p0 s5, $0x0  }
0x1f: {  	s9 =	smul.u32 $0xF7A, s1;
	s8 =	simm.s32 @!p0 $0x1BF5;
	p2 =	por !p2, p0  }
0x20: {  	[sflag:s8] =	ssyncset.s32 @!p0 $0xFFFFF086;
	s6 =	sadd.s32 @!p0 s3, s7;
	s7 =	simm.s32 @!p0 $0x108  }
0x21: {  	s3 =	sadd.s32 s3, s9;
	s6 =	sadd.s32 @!p0 $0x88, s6;
	s7 =	simm.s32 @p2 $0x1082  }
0x22: {  	[simem:s7], [sflag:s8] =	dma.local @!p0 [hbm:s6], $0xF7A  }
0x23: {  	s9 =	sor.u32 $0xD0000000, s2;
	s6 =	simm.s32 $0x108;
	_ =	swait.ge @!p0 [sflag:s8], $0x0  }
0x24: {  	s3 =	sadd.s32 $0x88, s3;
	s6 =	simm.s32 @!p1 $0x1082;
	[sflag:s4] =	ssyncset.s32 $0xFFFFF086  }
0x25: {  	[simem:s6], [sflag:s4] =	dma.local [hbm:s3], $0xF7A  }
0x26: {  	[smem:$0x3F9D] =	sst s1;
	(tag) =	ssettag s2;
	_ =	strace s9  }
0x27: {  	s1 =	sld [smem:$0x3FAD]  }
0x28: {  	s2 =	sld [smem:$0x3FAE]  }
0x29: {  	s4 =	sld [smem:$0x3FB0]  }
0x2a: {  	p0 =	seq.s32 s5, $0x0;
	s5 =	sld [smem:$0x3FB1]  }
0x2b: {  	s6 =	sld [smem:$0x3FB2]  }
0x2c: {  	s7 =	sld [smem:$0x3FB3]  }
0x2d: {  	s3 =	simm.s32 $0x108;
	s8 =	sld [smem:$0x3FB4]  }
0x2e: {  	s3 =	simm.s32 @!p0 $0x1082;
	s9 =	sld [smem:$0x3FB5]  }
0x2f: {  	lr =	sadd.s32 s0, s3;
	s0 =	sld [smem:$0x3FAC]  }
0x30: {  	s3 =	sld [smem:$0x3FAF]  }
0x31: {  	[smem:$0x3FB8] =	sst s10  }
0x32: {  	s10 =	sld [smem:$0x3FB6];
	_ =	sdelay $0x3  }
0x33: {  	p0 =	seq.s32 s10, $0x1;
	s10 =	sld [smem:$0x3FB8];
	_ =	sdelay $0x3  }
0x34: {  	[smem:$0x3FB8] =	sst s10  }
0x35: {  	s10 =	sld [smem:$0x3FB7];
	_ =	sdelay $0x3  }
0x36: {  	p1 =	seq.s32 s10, $0x1;
	s10 =	sld [smem:$0x3FB8];
	_ =	sdelay $0x3  }
0x37: {  	[smem:$0x3FB8] =	sst s10  }
0x38: {  	s10 =	sld [smem:$0x3FB9]  }
0x39: {  	_ = 	snop;
	(pc) =	sbr.ind lr, $3  }
0x3a: {  	_ = 	snop  }
0x3b: {  	_ = 	snop  }
0x3c: {  	p2 =	seq.s32 s10, $0x1;
	s10 =	sld [smem:$0x3FB8]  }
0x3d: {  	_ =	shalt  }
0x3e: {  	_ =	shalt  }
0x3f: {  	_ =	shalt  }
0x40: {  	_ =	shalt  }
0x41: {  	_ =	shalt  }
0x42: {  	_ =	shalt  }
0x43: {  	_ =	shalt  }
0x44: {  	_ =	shalt  }
0x45: {  	_ =	shalt  }
0x46: {  	_ =	shalt  }
0x47: {  	_ =	shalt  }
0x48: {  	_ =	shalt  }
0x49: {  	_ =	shalt  }
0x4a: {  	_ =	shalt  }
0x4b: {  	_ =	shalt  }
0x4c: {  	_ =	shalt  }
0x4d: {  	_ =	shalt  }
0x4e: {  	_ =	shalt  }
0x4f: {  	_ =	shalt  }
0x50: {  	_ =	shalt  }
0x51: {  	_ =	shalt  }
0x52: {  	_ =	shalt  }
0x53: {  	_ =	shalt  }
0x54: {  	_ =	shalt  }
0x55: {  	_ =	shalt  }
0x56: {  	_ =	shalt  }
0x57: {  	_ =	shalt  }
0x58: {  	_ =	shalt  }
0x59: {  	_ =	shalt  }
0x5a: {  	_ =	shalt  }
0x5b: {  	_ =	shalt  }
0x5c: {  	_ =	shalt  }
0x5d: {  	_ =	shalt  }
0x5e: {  	_ =	shalt  }
0x5f: {  	_ =	shalt  }
0x60: {  	_ =	shalt  }
0x61: {  	_ =	shalt  }
0x62: {  	_ =	shalt  }
0x63: {  	_ =	shalt  }
0x64: {  	_ =	shalt  }
0x65: {  	_ =	shalt  }
0x66: {  	_ =	shalt  }
0x67: {  	_ =	shalt  }
0x68: {  	_ =	shalt  }
0x69: {  	_ =	shalt  }
0x6a: {  	_ =	shalt  }
0x6b: {  	_ =	shalt  }
0x6c: {  	_ =	shalt  }
0x6d: {  	_ =	shalt  }
0x6e: {  	_ =	shalt  }
0x6f: {  	_ =	shalt  }
0x70: {  	_ =	shalt  }
0x71: {  	_ =	shalt  }
0x72: {  	_ =	shalt  }
0x73: {  	_ =	shalt  }
0x74: {  	_ =	shalt  }
0x75: {  	_ =	shalt  }
0x76: {  	_ =	shalt  }
0x77: {  	_ =	shalt  }
0x78: {  	_ =	shalt  }
0x79: {  	_ =	shalt  }
0x7a: {  	_ =	shalt  }
0x7b: {  	_ =	shalt  }
0x7c: {  	_ =	shalt  }
0x7d: {  	_ =	shalt  }
0x7e: {  	_ =	shalt  }
0x7f: {  	_ =	shalt  }
0x80: {  	_ =	shalt  }
0x81: {  	_ =	shalt  }
0x82: {  	_ =	shalt  }
0x83: {  	_ =	shalt  }
0x84: {  	_ =	shalt  }
0x85: {  	_ =	shalt  }
0x86: {  	_ =	shalt  }
0x87: {  	_ =	shalt  }
.Lfunc_end0:
.L_simem_size_0:
called_computation.1_lowered:
.L_overlay_start_0:
0x88: {  	s2 =	sld [smem:$0x3FD9]  }
0x89: {  	s3 =	sld [smem:$0x3FFE];
	_ =	sdelay $0x1  }
0x8a: {  	s1 =	srdreg.scid  }
0x8b: {  	s0 =	sand.u32 $0x1, s1  }
0x8c: {  	s17 =	sshll.u32 s0, $0xA;
	s2 =	sadd.s32 s3, s2  }
0x8d: {  	s2 =	sadd.s32 s2, s17  }
0x8e: {  	[smem:$0x3FC4] =	sst s2  }
0x8f: {  	_ = 	snop  }
0x90: {  	s2 =	sld [smem:$0x3FD0];
	(tm) =	ssettm $0x1  }
0x91: {  	s18 =	sld [smem:$0x3FFB];
	_ =	sdelay $0x3  }
0x92: {  	_ =	strace s18  }
0x93: {  	s3 =	sld [smem:$0x3FFC];
	_ =	sdelay $0x3  }
0x94: {  	_ =	strace s3  }
0x95: {  	s3 =	sld [smem:$0x3FFD];
	_ =	sdelay $0x3  }
0x96: {  	_ =	strace s3  }
0x97: {  	_ =	strace $0x8FFFFFFF  }
0x98: {  	s19 =	sld [smem:$0x3FDB];
	_ =	sdelay $0x1  }
0x99: {  	s4 =	simm.s32 $_scs_section_size  }
0x9a: {  	s5 =	simm.s32 $_size__tile_overlayer_lowered;
	s6 =	simm.s32 $_tile_overlayer_lowered  }
0x9b: {  	s22 =	simm.s32 $0x1BFF;
	s21 =	sshll.u32 s6, $0x1;
	s3 =	sadd.s32 s4, s19  }
0x9c: {  	s7 =	simm.s32 $0x0;
	s20 =	sshll.u32 s5, $0x1;
	s5 =	sadd.s32 s21, s3  }
0x9d: {  	[timem:s7], [sflag:s22] =	dma.local [hbm:s5], s20  }
0x9e: {  	_ =	swait.ge [sflag:s22], s20  }
0x9f: {  	s4 =	ssub.s32 $0x0, s20;
	[sflag:s22] =	ssyncset.done $0x0  }
0xa0: {  	[sflag:s22] =	ssyncadd.s32 s4;
	_ =	sdelay $0x1  }
0xa1: {  	s23 =	simm.s32 $0x1B8B  }
0xa2: {  	_ =	swait.ge [sflag:s23], $0x1  }
0xa3: {  	[sflag:s23] =	ssyncset.done $0x0  }
0xa4: {  	s25 =	simm.s32 $0x1B8E;
	s24 =	sld [smem:$0x3FFE];
	[sflag:s23] =	ssyncadd.s32 $0xFFFFFFFF  }
0xa5: {  	s26 =	simm.s32 $execute0_lowered;
	[smem:$0x3FD2] =	sst s25  }
0xa6: {  	s5 =	sshll.u32 s26, $0x1;
	_ =	strace $0x80000049;
	[dreg:$0x1] =	wrdreg $0xFFFFFFFF  }
0xa7: {  	s28 =	simm.s32 $_size_execute0_lowered;
	s3 =	sadd.s32 s3, s5;
	[dreg:$0x0] =	wrdreg $0x0  }
0xa8: {  	s5 =	sshll.u32 s28, $0x1;
	[dreg:$0x2] =	wrdreg s3  }
0xa9: {  	[dreg:$0x3] =	wrdreg s5  }
0xaa: {  	[dreg:$0x4] =	wrdreg $0xC0  }
0xab: {  	_ =	task [dreg:s7], $0x5FFFF  }
0xac: {  	[dreg:$0x1] =	wrdreg $0xFFFFFFFF  }
0xad: {  	[dreg:$0x0] =	wrdreg $0x60  }
0xae: {  	[dreg:$0x2] =	wrdreg s2  }
0xaf: {  	[dreg:$0x3] =	wrdreg s24  }
0xb0: {  	[dreg:$0x4] =	wrdreg $0xAA800  }
0xb1: {  	[dreg:$0x5] =	wrdreg $0x9  }
0xb2: {  	_ =	task.clear_ibuf [dreg:s7], $0x6FFFF;
	_ =	strace $0x90000049  }
0xb3: {  	s29 =	simm.s32 $0x9;
	_ =	strace $0x8000004B  }
0xb4: {  	_ =	swait.ge [sflag:s29], $0x1  }
0xb5: {  	[sflag:s29] =	ssyncadd.s32 $0xFFFFFFFF  }
0xb6: {  	_ =	strace $0x9000004B  }
0xb7: {  	_ =	sfence  }
0xb8: {  	s30 =	sld [smem:$0x0];
	_ =	sdelay $0x2  }
0xb9: {  	s31 =	sshll.u32 s1, $0xD;
	s1 =	sshrl.u32 s1, $0x2  }
0xba: {  	s3 =	sand.u32 $0x4000, s31;
	s1 =	sadd.s32 s1, s30  }
0xbb: {  	s0 =	sor.u32 s3, s0;
	s1 =	sshll.u32 s1, $0x11  }
0xbc: {  	s0 =	sor.u32 s1, s0  }
0xbd: {  	s0 =	sadd.s32 $0x8F2B, s0  }
0xbe: {  	[sflag:s0] =	ssyncadd.remote.s32 $0x1  }
0xbf: {  	_ =	sfence.sel $0xFFFF  }
0xc0: {  	[dreg:$0x0] =	wrdreg $0xFFFFFFFF;
	(pc) =	sbr.abs _section_cstart, $3  }
0xc1: {  	[dreg:$0x1] =	wrdreg $0xFFFFFFFF  }
0xc2: {  	_ =	task.clear_ibuf [dreg:s7], $0x2FFFF;
	_ =	strace $0x9FFFFFFF  }
0xc3: {  	(tm) =	ssettm $0x7FFFFFFF  }
tec
execute0_lowered:
.L_overlay_start_1:
0x0: {  	(tag) =	ssettag $0x1  }
0x1: {  	s5 =	rddreg [dreg:$0x0]  }
0x2: {  	s6 =	rddreg [dreg:$0x1]  }
0x3: {  	s2 =	rddreg [dreg:$0x2]  }
0x4: {  	s0 =	rddreg [dreg:$0x3]  }
0x5: {  	s1 =	stileid.u32;
	s4 =	srdreg.scid  }
0x6: {  	s3 =	simm.s32 $0x0;
	s13 =	simm.s32 $0x2880;
	s14 =	simm.s32 $0x2A80  }
0x7: {  	s15 =	simm.s32 $0x2900;
	s16 =	simm.s32 $0x6A80;
	s17 =	simm.s32 $0x1  }
0x8: {  	s18 =	simm.s32 $0x2980;
	s19 =	simm.s32 $0x2;
	s20 =	simm.s32 $0x2A00  }
0x9: {  	s21 =	simm.s32 $0x0;
	s7 =	smul.u32 $0x13C00, s1;
	s8 =	sand.u32 $0x1, s4  }
0xa: {  	[smem:$0x7FF] =	sst s3;
	s4 =	sadd.s32 $0x34400, s6;
	s28 =	smul.u32 $0x4F000, s1  }
0xb: {  	s31 =	sshll.u32 s1, $0x6;
	s9 =	smul.u32 $0x13C000, s8;
	s10 =	sshll.u32 s8, $0x4  }
0xc: {  	_ =	strace $0x8000004A;
	s8 =	ssub.s32 $0x2, s8;
	s10 =	sor.u32 s1, s10  }
0xd: {  	s11 =	sshrl.u32 s7, $0x3;
	s29 =	sshrl.u32 s8, $0x1;
	s30 =	sshrl.u32 s28, $0x2  }
0xe: {  	s7 =	sadd.s32 s7, s9;
	s26 =	smul.u32 $0x500, s10;
	s11 =	sadd.s32 s11, s6  }
0xf: {  	s8 =	ssub.s32 s8, s29;
	s12 =	sadd.s32 s30, s2;
	s9 =	simm.s32 $0x3  }
0x10: {  	s10 =	sor.u32 $0x1C03, s31;
	s7 =	sshrl.u32 s7, $0x3;
	s8 =	smax.u32 s8, $0x1  }
0x11: {  	s7 =	sadd.s32 s7, s6;
	s5 =	sadd.s32 s5, s26;
	s6 =	sadd.s32 $0xCC00, s11  }
0x12: {  	s11 =	sshrl.u32 s12, $0x3;
	s12 =	simm.s32 $0x80;
	s7 =	sadd.s32 $0x5BC00, s7  }
.LBB2_1:
0x13: {  	[tilespmem:s3], [sflag:$0x3] =	stream.linear.gather [hbm4b:s5+s3], $0x2880, $0x38;
	[tilespmem:$0x1E680] =	vst v63  }
0x14: {  	_ =	swait.ge [sflag:s9], $0x2880  }
0x15: {  	[sflag:s9] =	ssyncset.done $0x0  }
0x16: {  	[sflag:s9] =	ssyncadd.s32 $0xFFFFD780  }
0x17: {  	[spmem:s11], [sflag:s10] =	dma.local [hbm:s6], $0x2780  }
0x18: {  	_ =	swait.ge [sflag:s9], $0x2780  }
0x19: {  	[sflag:s9] =	ssyncset.done $0x0  }
0x1a: {  	[sflag:s9] =	ssyncadd.s32 $0xFFFFD880  }
0x1b: {  	[bflag:$0x0] =	sbarrier.arrive $0xFFFF  }
0x1c: {  	v0 =	vld [tilespmem:$0x0];
	_ =	sdelay $0x1  }
0x1d: {  	v1 =	vld [tilespmem:$0x10];
	_ =	sdelay $0x1  }
0x1e: {  	v2 =	vld [tilespmem:$0x20]  }
0x1f: {  	v3 =	vand.u32 $0xFFFF, v0  }
0x20: {  	v0 =	vshra.s32 v0, $0x10;
	[tilespmem:$0x2880] =	vst v3;
	v3 =	vld [tilespmem:$0x30]  }
0x21: {  	[tilespmem:$0x2980] =	vst v0;
	v0 =	vand.u32 $0xFFFF, v1  }
0x22: {  	[tilespmem:$0x2890] =	vst v0;
	v0 =	vshra.s32 v1, $0x10;
	v1 =	vld [tilespmem:$0x40]  }
0x23: {  	[tilespmem:$0x2990] =	vst v0;
	v0 =	vand.u32 $0xFFFF, v2  }
0x24: {  	[tilespmem:$0x28A0] =	vst v0;
	v0 =	vshra.s32 v2, $0x10;
	v2 =	vld [tilespmem:$0x50]  }
0x25: {  	[tilespmem:$0x29A0] =	vst v0;
	v0 =	vand.u32 $0xFFFF, v3  }
0x26: {  	[tilespmem:$0x28B0] =	vst v0;
	v0 =	vshra.s32 v3, $0x10;
	v3 =	vld [tilespmem:$0x60]  }
0x27: {  	[tilespmem:$0x29B0] =	vst v0;
	v0 =	vand.u32 $0xFFFF, v1  }
0x28: {  	[tilespmem:$0x28C0] =	vst v0;
	v0 =	vshra.s32 v1, $0x10;
	v1 =	vld [tilespmem:$0x70]  }
0x29: {  	[tilespmem:$0x29C0] =	vst v0;
	v0 =	vand.u32 $0xFFFF, v2  }
0x2a: {  	[tilespmem:$0x28D0] =	vst v0;
	v0 =	vshra.s32 v2, $0x10  }
0x2b: {  	[tilespmem:$0x29D0] =	vst v0;
	v0 =	vand.u32 $0xFFFF, v3  }
0x2c: {  	[tilespmem:$0x28E0] =	vst v0;
	v0 =	vshra.s32 v3, $0x10  }
0x2d: {  	[tilespmem:$0x29E0] =	vst v0;
	v0 =	vand.u32 $0xFFFF, v1  }
0x2e: {  	[tilespmem:$0x28F0] =	vst v0;
	v0 =	vshra.s32 v1, $0x10  }
0x2f: {  	s22 =	simm.s32 $0x0;
	[tilespmem:$0x29F0] =	vst v0  }
0x30: {  	[tilespmem:s14], [sflag:$0x1] =	stream.indirect.gather [hbm4b:s4+s12], $0x80, s13, s12, $0xb8;
	[tilespmem:$0x1E680] =	vst v63  }
0x31: {  	v0 =	vld [tilespmem:s22+$0x80];
	_ =	sdelay $0x4  }
0x32: {  	v1 =	vand.u32 $0xFFFF, v0  }
0x33: {  	v0 =	vshra.s32 v0, $0x10;
	[tilespmem:$0x2900] =	vst v1  }
0x34: {  	[tilespmem:$0x2A00] =	vst v0  }
0x35: {  	v0 =	vld [tilespmem:s22+$0x90];
	_ =	sdelay $0x4  }
0x36: {  	v1 =	vand.u32 $0xFFFF, v0  }
0x37: {  	v0 =	vshra.s32 v0, $0x10;
	[tilespmem:$0x2910] =	vst v1  }
0x38: {  	[tilespmem:$0x2A10] =	vst v0  }
0x39: {  	v0 =	vld [tilespmem:s22+$0xA0];
	_ =	sdelay $0x4  }
0x3a: {  	v1 =	vand.u32 $0xFFFF, v0  }
0x3b: {  	v0 =	vshra.s32 v0, $0x10;
	[tilespmem:$0x2920] =	vst v1  }
0x3c: {  	[tilespmem:$0x2A20] =	vst v0  }
0x3d: {  	v0 =	vld [tilespmem:s22+$0xB0];
	_ =	sdelay $0x4  }
0x3e: {  	v1 =	vand.u32 $0xFFFF, v0  }
0x3f: {  	v0 =	vshra.s32 v0, $0x10;
	[tilespmem:$0x2930] =	vst v1  }
0x40: {  	[tilespmem:$0x2A30] =	vst v0  }
0x41: {  	v0 =	vld [tilespmem:s22+$0xC0];
	_ =	sdelay $0x4  }
0x42: {  	v1 =	vand.u32 $0xFFFF, v0  }
0x43: {  	v0 =	vshra.s32 v0, $0x10;
	[tilespmem:$0x2940] =	vst v1  }
0x44: {  	[tilespmem:$0x2A40] =	vst v0  }
0x45: {  	v0 =	vld [tilespmem:s22+$0xD0];
	_ =	sdelay $0x4  }
0x46: {  	v1 =	vand.u32 $0xFFFF, v0  }
0x47: {  	v0 =	vshra.s32 v0, $0x10;
	[tilespmem:$0x2950] =	vst v1  }
0x48: {  	[tilespmem:$0x2A50] =	vst v0  }
0x49: {  	v0 =	vld [tilespmem:s22+$0xE0];
	_ =	sdelay $0x4  }
0x4a: {  	v1 =	vand.u32 $0xFFFF, v0  }
0x4b: {  	v0 =	vshra.s32 v0, $0x10;
	[tilespmem:$0x2960] =	vst v1  }
0x4c: {  	[tilespmem:$0x2A60] =	vst v0  }
0x4d: {  	v0 =	vld [tilespmem:s22+$0xF0];
	_ =	sdelay $0x4  }
0x4e: {  	v1 =	vand.u32 $0xFFFF, v0  }
0x4f: {  	v0 =	vshra.s32 v0, $0x10;
	[tilespmem:$0x2970] =	vst v1  }
0x50: {  	[tilespmem:$0x2A70] =	vst v0  }
0x51: {  	[tilespmem:s16], [sflag:$0x2] =	stream.indirect.gather [hbm4b:s4+s12], $0x80, s15, s12, $0xb8;
	[tilespmem:$0x1E680] =	vst v63  }
0x52: {  	_ =	swait.ge [sflag:s17], $0x4000  }
0x53: {  	[sflag:s17] =	ssyncset.done $0x0  }
0x54: {  	[sflag:s17] =	ssyncadd.s32 $0xFFFFC000  }
0x55: {  	[spmem:s2] =	stream.indirect.scatter.add.f32 [tilespmem:s14], [sflag:$0x3], $0x80, s18, s12, $0xb8;
	[tilespmem:$0x1E680] =	vst v63  }
0x56: {  	_ =	swait.ge [sflag:s9], $0x4000  }
0x57: {  	[sflag:s9] =	ssyncset.done $0x0  }
0x58: {  	[sflag:s9] =	ssyncadd.s32 $0xFFFFC000  }
0x59: {  	v0 =	vld [tilespmem:s22+$0x100];
	_ =	sdelay $0x4  }
0x5a: {  	v1 =	vand.u32 $0xFFFF, v0  }
0x5b: {  	v0 =	vshra.s32 v0, $0x10;
	[tilespmem:$0x2880] =	vst v1  }
0x5c: {  	[tilespmem:$0x2980] =	vst v0  }
0x5d: {  	v0 =	vld [tilespmem:s22+$0x110];
	_ =	sdelay $0x4  }
0x5e: {  	v1 =	vand.u32 $0xFFFF, v0  }
0x5f: {  	v0 =	vshra.s32 v0, $0x10;
	[tilespmem:$0x2890] =	vst v1  }
0x60: {  	[tilespmem:$0x2990] =	vst v0  }
0x61: {  	v0 =	vld [tilespmem:s22+$0x120];
	_ =	sdelay $0x4  }
0x62: {  	v1 =	vand.u32 $0xFFFF, v0  }
0x63: {  	v0 =	vshra.s32 v0, $0x10;
	[tilespmem:$0x28A0] =	vst v1  }
0x64: {  	[tilespmem:$0x29A0] =	vst v0  }
0x65: {  	v0 =	vld [tilespmem:s22+$0x130];
	_ =	sdelay $0x4  }
0x66: {  	v1 =	vand.u32 $0xFFFF, v0  }
0x67: {  	v0 =	vshra.s32 v0, $0x10;
	[tilespmem:$0x28B0] =	vst v1  }
0x68: {  	[tilespmem:$0x29B0] =	vst v0  }
0x69: {  	v0 =	vld [tilespmem:s22+$0x140];
	_ =	sdelay $0x4  }
0x6a: {  	v1 =	vand.u32 $0xFFFF, v0  }
0x6b: {  	v0 =	vshra.s32 v0, $0x10;
	[tilespmem:$0x28C0] =	vst v1  }
0x6c: {  	[tilespmem:$0x29C0] =	vst v0  }
0x6d: {  	v0 =	vld [tilespmem:s22+$0x150];
	_ =	sdelay $0x4  }
0x6e: {  	v1 =	vand.u32 $0xFFFF, v0  }
0x6f: {  	v0 =	vshra.s32 v0, $0x10;
	[tilespmem:$0x28D0] =	vst v1  }
0x70: {  	[tilespmem:$0x29D0] =	vst v0  }
0x71: {  	v0 =	vld [tilespmem:s22+$0x160];
	_ =	sdelay $0x4  }
0x72: {  	v1 =	vand.u32 $0xFFFF, v0  }
0x73: {  	s23 =	simm.s32 $0x400;
	v0 =	vshra.s32 v0, $0x10;
	[tilespmem:$0x28E0] =	vst v1  }
.LBB2_2:
0x74: {  	p0 =	sne.s32 s23, $0x9C00;
	[tilespmem:$0x29E0] =	vst v0;
	s24 =	smov.u32 s23;
	s23 =	sadd.s32 $0x400, s23  }
0x75: {  	v0 =	vld [tilespmem:s22+$0x170];
	_ =	sdelay $0x4  }
0x76: {  	v1 =	vand.u32 $0xFFFF, v0;
	v0 =	vshra.s32 v0, $0x10  }
0x77: {  	[tilespmem:$0x28F0] =	vst v1  }
0x78: {  	[tilespmem:$0x29F0] =	vst v0  }
0x79: {  	[tilespmem:s14], [sflag:$0x1] =	stream.indirect.gather [hbm4b:s4+s12], $0x80, s13, s12, $0xb8;
	[tilespmem:$0x1E680] =	vst v63  }
0x7a: {  	_ =	swait.ge [sflag:s19], $0x4000  }
0x7b: {  	[sflag:s19] =	ssyncset.done $0x0  }
0x7c: {  	[sflag:s19] =	ssyncadd.s32 $0xFFFFC000  }
0x7d: {  	[spmem:s2] =	stream.indirect.scatter.add.f32 [tilespmem:s16], [sflag:$0x3], $0x80, s20, s12, $0xb8;
	[tilespmem:$0x1E680] =	vst v63  }
0x7e: {  	_ =	swait.ge [sflag:s9], $0x4000  }
0x7f: {  	[sflag:s9] =	ssyncset.done $0x0  }
0x80: {  	s22 =	sshra.s32 s24, $0x2;
	[sflag:s9] =	ssyncadd.s32 $0xFFFFC000  }
0x81: {  	v0 =	vld [tilespmem:s22+$0x80];
	_ =	sdelay $0x4  }
0x82: {  	v1 =	vand.u32 $0xFFFF, v0;
	v0 =	vshra.s32 v0, $0x10  }
0x83: {  	[tilespmem:$0x2900] =	vst v1  }
0x84: {  	[tilespmem:$0x2A00] =	vst v0  }
0x85: {  	v0 =	vld [tilespmem:s22+$0x90];
	_ =	sdelay $0x4  }
0x86: {  	v1 =	vand.u32 $0xFFFF, v0;
	v0 =	vshra.s32 v0, $0x10  }
0x87: {  	[tilespmem:$0x2910] =	vst v1  }
0x88: {  	[tilespmem:$0x2A10] =	vst v0  }
0x89: {  	v0 =	vld [tilespmem:s22+$0xA0];
	_ =	sdelay $0x4  }
0x8a: {  	v1 =	vand.u32 $0xFFFF, v0;
	v0 =	vshra.s32 v0, $0x10  }
0x8b: {  	[tilespmem:$0x2920] =	vst v1  }
0x8c: {  	[tilespmem:$0x2A20] =	vst v0  }
0x8d: {  	v0 =	vld [tilespmem:s22+$0xB0];
	_ =	sdelay $0x4  }
0x8e: {  	v1 =	vand.u32 $0xFFFF, v0;
	v0 =	vshra.s32 v0, $0x10  }
0x8f: {  	[tilespmem:$0x2930] =	vst v1  }
0x90: {  	[tilespmem:$0x2A30] =	vst v0  }
0x91: {  	v0 =	vld [tilespmem:s22+$0xC0];
	_ =	sdelay $0x4  }
0x92: {  	v1 =	vand.u32 $0xFFFF, v0;
	v0 =	vshra.s32 v0, $0x10  }
0x93: {  	[tilespmem:$0x2940] =	vst v1  }
0x94: {  	[tilespmem:$0x2A40] =	vst v0  }
0x95: {  	v0 =	vld [tilespmem:s22+$0xD0];
	_ =	sdelay $0x4  }
0x96: {  	v1 =	vand.u32 $0xFFFF, v0;
	v0 =	vshra.s32 v0, $0x10  }
0x97: {  	[tilespmem:$0x2950] =	vst v1  }
0x98: {  	[tilespmem:$0x2A50] =	vst v0  }
0x99: {  	v0 =	vld [tilespmem:s22+$0xE0];
	_ =	sdelay $0x4  }
0x9a: {  	v1 =	vand.u32 $0xFFFF, v0;
	v0 =	vshra.s32 v0, $0x10  }
0x9b: {  	[tilespmem:$0x2960] =	vst v1  }
0x9c: {  	[tilespmem:$0x2A60] =	vst v0  }
0x9d: {  	v0 =	vld [tilespmem:s22+$0xF0];
	_ =	sdelay $0x4  }
0x9e: {  	v1 =	vand.u32 $0xFFFF, v0;
	v0 =	vshra.s32 v0, $0x10  }
0x9f: {  	[tilespmem:$0x2970] =	vst v1  }
0xa0: {  	[tilespmem:$0x2A70] =	vst v0  }
0xa1: {  	[tilespmem:s16], [sflag:$0x2] =	stream.indirect.gather [hbm4b:s4+s12], $0x80, s15, s12, $0xb8;
	[tilespmem:$0x1E680] =	vst v63  }
0xa2: {  	_ =	swait.ge [sflag:s17], $0x4000  }
0xa3: {  	[sflag:s17] =	ssyncset.done $0x0  }
0xa4: {  	[sflag:s17] =	ssyncadd.s32 $0xFFFFC000  }
0xa5: {  	[spmem:s2] =	stream.indirect.scatter.add.f32 [tilespmem:s14], [sflag:$0x3], $0x80, s18, s12, $0xb8;
	[tilespmem:$0x1E680] =	vst v63  }
0xa6: {  	_ =	swait.ge [sflag:s9], $0x4000  }
0xa7: {  	[sflag:s9] =	ssyncset.done $0x0  }
0xa8: {  	[sflag:s9] =	ssyncadd.s32 $0xFFFFC000  }
0xa9: {  	v0 =	vld [tilespmem:s22+$0x100];
	_ =	sdelay $0x4  }
0xaa: {  	v1 =	vand.u32 $0xFFFF, v0;
	v0 =	vshra.s32 v0, $0x10  }
0xab: {  	[tilespmem:$0x2880] =	vst v1  }
0xac: {  	[tilespmem:$0x2980] =	vst v0  }
0xad: {  	v0 =	vld [tilespmem:s22+$0x110];
	_ =	sdelay $0x4  }
0xae: {  	v1 =	vand.u32 $0xFFFF, v0;
	v0 =	vshra.s32 v0, $0x10  }
0xaf: {  	[tilespmem:$0x2890] =	vst v1  }
0xb0: {  	[tilespmem:$0x2990] =	vst v0  }
0xb1: {  	v0 =	vld [tilespmem:s22+$0x120];
	_ =	sdelay $0x4  }
0xb2: {  	v1 =	vand.u32 $0xFFFF, v0;
	v0 =	vshra.s32 v0, $0x10  }
0xb3: {  	[tilespmem:$0x28A0] =	vst v1  }
0xb4: {  	[tilespmem:$0x29A0] =	vst v0  }
0xb5: {  	v0 =	vld [tilespmem:s22+$0x130];
	_ =	sdelay $0x4  }
0xb6: {  	v1 =	vand.u32 $0xFFFF, v0;
	v0 =	vshra.s32 v0, $0x10  }
0xb7: {  	[tilespmem:$0x28B0] =	vst v1  }
0xb8: {  	[tilespmem:$0x29B0] =	vst v0  }
0xb9: {  	v0 =	vld [tilespmem:s22+$0x140];
	_ =	sdelay $0x4  }
0xba: {  	v1 =	vand.u32 $0xFFFF, v0;
	v0 =	vshra.s32 v0, $0x10  }
0xbb: {  	[tilespmem:$0x28C0] =	vst v1  }
0xbc: {  	[tilespmem:$0x29C0] =	vst v0  }
0xbd: {  	v0 =	vld [tilespmem:s22+$0x150];
	_ =	sdelay $0x4  }
0xbe: {  	v1 =	vand.u32 $0xFFFF, v0;
	v0 =	vshra.s32 v0, $0x10  }
0xbf: {  	[tilespmem:$0x28D0] =	vst v1  }
0xc0: {  	[tilespmem:$0x29D0] =	vst v0  }
0xc1: {  	v0 =	vld [tilespmem:s22+$0x160];
	_ =	sdelay $0x1  }
.Ltmp0:
0xc2: {  	(pc) =	sbr.rel @p0 .LBB2_2-.Ltmp0, $3  }
0xc3: {  	_ =	sdelay $0x1  }
0xc4: {  	v1 =	vand.u32 $0xFFFF, v0;
	v0 =	vshra.s32 v0, $0x10  }
0xc5: {  	[tilespmem:$0x28E0] =	vst v1  }
0xc6: {  	[tilespmem:$0x29E0] =	vst v0  }
0xc7: {  	v0 =	vld [tilespmem:s22+$0x170];
	_ =	sdelay $0x4  }
0xc8: {  	v1 =	vand.u32 $0xFFFF, v0  }
0xc9: {  	v0 =	vshra.s32 v0, $0x10;
	[tilespmem:$0x28F0] =	vst v1  }
0xca: {  	[tilespmem:$0x29F0] =	vst v0  }
0xcb: {  	[tilespmem:s14], [sflag:$0x1] =	stream.indirect.gather [hbm4b:s4+s12], $0x80, s13, s12, $0xb8;
	[tilespmem:$0x1E680] =	vst v63  }
0xcc: {  	_ =	swait.ge [sflag:s19], $0x4000  }
0xcd: {  	[sflag:s19] =	ssyncset.done $0x0  }
0xce: {  	[sflag:s19] =	ssyncadd.s32 $0xFFFFC000  }
0xcf: {  	[spmem:s2] =	stream.indirect.scatter.add.f32 [tilespmem:s16], [sflag:$0x3], $0x80, s20, s12, $0xb8;
	[tilespmem:$0x1E680] =	vst v63  }
0xd0: {  	_ =	swait.ge [sflag:s9], $0x4000  }
0xd1: {  	[sflag:s9] =	ssyncset.done $0x0  }
0xd2: {  	[sflag:s9] =	ssyncadd.s32 $0xFFFFC000  }
0xd3: {  	_ =	swait.ge [sflag:s17], $0x4000  }
0xd4: {  	s21 =	sadd.s32 $0x1, s21;
	[sflag:s17] =	ssyncset.done $0x0  }
0xd5: {  	p0 =	sne.s32 s21, s8;
	[sflag:s17] =	ssyncadd.s32 $0xFFFFC000  }
.Ltmp1:
0xd6: {  	[bflag:$0x0] =	sbarrier.arrive $0xFFFF;
	(pc) =	sbr.rel @p0 .LBB2_1-.Ltmp1, $4  }
0xd7: {  	[hbm:s7], [sflag:s10] =	dma.local [spmem:s11], $0x2780  }
0xd8: {  	_ =	swait.ge [sflag:s9], $0x2780  }
0xd9: {  	[sflag:s9] =	ssyncset.done $0x0  }
0xda: {  	[sflag:s9] =	ssyncadd.s32 $0xFFFFD880  }
0xdb: {  	_ =	sfence.sel $0x180000  }
0xdc: {  	[bflag:$0x0] =	sbarrier.arrive $0xFFFF  }
0xdd: {  	p0 =	sne.s32 s1, $0x0;
	_ =	strace $0x9000004A  }
0xde: {  	s0 =	sadd.s32 @!p0 $0x100000, s0;
	[bflag:$0x2] =	sbarrier.arrive $0xFFFF  }
0xdf: {  	[sflag:s0] =	ssyncadd.tile.s32 @!p0 $0x1;
	_ =	shalt  }
.Lfunc_end2:
_tile_overlayer_lowered:
.L_overlay_start_2:
0xe0: {  	(tag) =	ssettag $0x2  }
0xe1: {  	s0 =	rddreg [dreg:$0x0];
	s2 =	stileid.u32  }
0xe2: {  	s1 =	rddreg [dreg:$0x1];
	p0 =	sne.s32 s2, $0x0  }
0xe3: {  	s3 =	rddreg [dreg:$0x2];
	[bflag:$0x3] =	sbarrier.arrive $0xFFFF;
	s2 =	simm.s32 @!p0 $0x1C03  }
0xe4: {  	[timem:s3], [sflag:s2] =	dma.local @!p0 [hbm:s0], s1  }
0xe5: {  	s0 =	simm.s32 @!p0 $0x3  }
0xe6: {  	_ =	swait.ge @!p0 [sflag:s0], s1  }
0xe7: {  	s1 =	ssub.s32 @!p0 $0x0, s1;
	[sflag:s0] =	ssyncset.done @!p0 $0x0  }
0xe8: {  	[sflag:s0] =	ssyncadd.s32 @!p0 s1  }
0xe9: {  	[bflag:$0x3] =	sbarrier.arrive $0xFFFF  }
0xea: {  	_ =	shalt  }

// kernel: _run.14.cloned.1.call-start
scs
__scs_entry_jumppad:
0x0: {  	(pc) =	sbr.rel $0x88, $3  }
0x1: {  	(tag) =	ssettag $0x0;
	lr =	simm.s32 $0x1  }
0x2: {  	[smem:$0x3F9D] =	sst lr;
	_ =	strace $0xD0000000  }
0x3: {  	_ = 	snop  }
0x4: {  	_ = 	snop  }
0x5: {  	_ = 	snop  }
0x6: {  	_ = 	snop  }
0x7: {  	_ = 	snop  }
__scs_overlays_trampoline_lowered:
0x8: {  	[smem:$0x3FAC] =	sst s0  }
0x9: {  	[smem:$0x3FAD] =	sst s1  }
0xa: {  	[smem:$0x3FAE] =	sst s2  }
0xb: {  	[smem:$0x3FAF] =	sst s3  }
0xc: {  	[smem:$0x3FB0] =	sst s4  }
0xd: {  	[smem:$0x3FB1] =	sst s5  }
0xe: {  	[smem:$0x3FB2] =	sst s6  }
0xf: {  	[smem:$0x3FB3] =	sst s7  }
0x10: {  	[smem:$0x3FB4] =	sst s8  }
0x11: {  	[smem:$0x3FB5] =	sst s9;
	s0 =	simm.s32 @!p0 $0x0  }
0x12: {  	s1 =	sld [smem:$0x3F9B];
	s0 =	simm.s32 @p0 $0x1  }
0x13: {  	[smem:$0x3FB6] =	sst s0;
	s0 =	simm.s32 @!p1 $0x0  }
0x14: {  	s2 =	sld [smem:$0x3F9A];
	s0 =	simm.s32 @p1 $0x1  }
0x15: {  	[smem:$0x3FB7] =	sst s0;
	s0 =	simm.s32 @!p2 $0x0  }
0x16: {  	s3 =	sld [smem:$0x3FDB];
	s0 =	simm.s32 @p2 $0x1  }
0x17: {  	s4 =	simm.s32 $0x1BF5;
	[smem:$0x3FB9] =	sst s0  }
0x18: {  	s0 =	sld [smem:$0x3F9C];
	_ =	swait.ge [sflag:s4], $0x0  }
0x19: {  	s7 =	sld [smem:$0x3F9D]  }
0x1a: {  	s8 =	sadd.s32 $0xFFFFE003, lr  }
0x1b: {  	s9 =	sadd.s32 $0xFFFFFEF7, lr;
	s5 =	simm.s32 $0xFFFFFFFF;
	p2 =	slt.u32 s8, $0xFFFFF086  }
0x1c: {  	p1 =	slt.u32 s9, $0xF7A;
	s5 =	simm.s32 @!p2 $0x0  }
0x1d: {  	s5 =	simm.s32 @p1 $0x1;
	p0 =	seq.s32 s7, s2  }
0x1e: {  	s7 =	smul.u32 @!p0 $0xF7A, s2;
	p2 =	seq.s32 @!p0 s5, $0x0  }
0x1f: {  	s9 =	smul.u32 $0xF7A, s1;
	s8 =	simm.s32 @!p0 $0x1BF5;
	p2 =	por !p2, p0  }
0x20: {  	[sflag:s8] =	ssyncset.s32 @!p0 $0xFFFFF086;
	s6 =	sadd.s32 @!p0 s3, s7;
	s7 =	simm.s32 @!p0 $0x108  }
0x21: {  	s3 =	sadd.s32 s3, s9;
	s6 =	sadd.s32 @!p0 $0x88, s6;
	s7 =	simm.s32 @p2 $0x1082  }
0x22: {  	[simem:s7], [sflag:s8] =	dma.local @!p0 [hbm:s6], $0xF7A  }
0x23: {  	s9 =	sor.u32 $0xD0000000, s2;
	s6 =	simm.s32 $0x108;
	_ =	swait.ge @!p0 [sflag:s8], $0x0  }
0x24: {  	s3 =	sadd.s32 $0x88, s3;
	s6 =	simm.s32 @!p1 $0x1082;
	[sflag:s4] =	ssyncset.s32 $0xFFFFF086  }
0x25: {  	[simem:s6], [sflag:s4] =	dma.local [hbm:s3], $0xF7A  }
0x26: {  	[smem:$0x3F9D] =	sst s1;
	(tag) =	ssettag s2;
	_ =	strace s9  }
0x27: {  	s1 =	sld [smem:$0x3FAD]  }
0x28: {  	s2 =	sld [smem:$0x3FAE]  }
0x29: {  	s4 =	sld [smem:$0x3FB0]  }
0x2a: {  	p0 =	seq.s32 s5, $0x0;
	s5 =	sld [smem:$0x3FB1]  }
0x2b: {  	s6 =	sld [smem:$0x3FB2]  }
0x2c: {  	s7 =	sld [smem:$0x3FB3]  }
0x2d: {  	s3 =	simm.s32 $0x108;
	s8 =	sld [smem:$0x3FB4]  }
0x2e: {  	s3 =	simm.s32 @!p0 $0x1082;
	s9 =	sld [smem:$0x3FB5]  }
0x2f: {  	lr =	sadd.s32 s0, s3;
	s0 =	sld [smem:$0x3FAC]  }
0x30: {  	s3 =	sld [smem:$0x3FAF]  }
0x31: {  	[smem:$0x3FB8] =	sst s10  }
0x32: {  	s10 =	sld [smem:$0x3FB6];
	_ =	sdelay $0x3  }
0x33: {  	p0 =	seq.s32 s10, $0x1;
	s10 =	sld [smem:$0x3FB8];
	_ =	sdelay $0x3  }
0x34: {  	[smem:$0x3FB8] =	sst s10  }
0x35: {  	s10 =	sld [smem:$0x3FB7];
	_ =	sdelay $0x3  }
0x36: {  	p1 =	seq.s32 s10, $0x1;
	s10 =	sld [smem:$0x3FB8];
	_ =	sdelay $0x3  }
0x37: {  	[smem:$0x3FB8] =	sst s10  }
0x38: {  	s10 =	sld [smem:$0x3FB9]  }
0x39: {  	_ = 	snop;
	(pc) =	sbr.ind lr, $3  }
0x3a: {  	_ = 	snop  }
0x3b: {  	_ = 	snop  }
0x3c: {  	p2 =	seq.s32 s10, $0x1;
	s10 =	sld [smem:$0x3FB8]  }
0x3d: {  	_ =	shalt  }
0x3e: {  	_ =	shalt  }
0x3f: {  	_ =	shalt  }
0x40: {  	_ =	shalt  }
0x41: {  	_ =	shalt  }
0x42: {  	_ =	shalt  }
0x43: {  	_ =	shalt  }
0x44: {  	_ =	shalt  }
0x45: {  	_ =	shalt  }
0x46: {  	_ =	shalt  }
0x47: {  	_ =	shalt  }
0x48: {  	_ =	shalt  }
0x49: {  	_ =	shalt  }
0x4a: {  	_ =	shalt  }
0x4b: {  	_ =	shalt  }
0x4c: {  	_ =	shalt  }
0x4d: {  	_ =	shalt  }
0x4e: {  	_ =	shalt  }
0x4f: {  	_ =	shalt  }
0x50: {  	_ =	shalt  }
0x51: {  	_ =	shalt  }
0x52: {  	_ =	shalt  }
0x53: {  	_ =	shalt  }
0x54: {  	_ =	shalt  }
0x55: {  	_ =	shalt  }
0x56: {  	_ =	shalt  }
0x57: {  	_ =	shalt  }
0x58: {  	_ =	shalt  }
0x59: {  	_ =	shalt  }
0x5a: {  	_ =	shalt  }
0x5b: {  	_ =	shalt  }
0x5c: {  	_ =	shalt  }
0x5d: {  	_ =	shalt  }
0x5e: {  	_ =	shalt  }
0x5f: {  	_ =	shalt  }
0x60: {  	_ =	shalt  }
0x61: {  	_ =	shalt  }
0x62: {  	_ =	shalt  }
0x63: {  	_ =	shalt  }
0x64: {  	_ =	shalt  }
0x65: {  	_ =	shalt  }
0x66: {  	_ =	shalt  }
0x67: {  	_ =	shalt  }
0x68: {  	_ =	shalt  }
0x69: {  	_ =	shalt  }
0x6a: {  	_ =	shalt  }
0x6b: {  	_ =	shalt  }
0x6c: {  	_ =	shalt  }
0x6d: {  	_ =	shalt  }
0x6e: {  	_ =	shalt  }
0x6f: {  	_ =	shalt  }
0x70: {  	_ =	shalt  }
0x71: {  	_ =	shalt  }
0x72: {  	_ =	shalt  }
0x73: {  	_ =	shalt  }
0x74: {  	_ =	shalt  }
0x75: {  	_ =	shalt  }
0x76: {  	_ =	shalt  }
0x77: {  	_ =	shalt  }
0x78: {  	_ =	shalt  }
0x79: {  	_ =	shalt  }
0x7a: {  	_ =	shalt  }
0x7b: {  	_ =	shalt  }
0x7c: {  	_ =	shalt  }
0x7d: {  	_ =	shalt  }
0x7e: {  	_ =	shalt  }
0x7f: {  	_ =	shalt  }
0x80: {  	_ =	shalt  }
0x81: {  	_ =	shalt  }
0x82: {  	_ =	shalt  }
0x83: {  	_ =	shalt  }
0x84: {  	_ =	shalt  }
0x85: {  	_ =	shalt  }
0x86: {  	_ =	shalt  }
0x87: {  	_ =	shalt  }
.Lfunc_end0:
.L_simem_size_0:
called_computation.2_lowered:
.L_overlay_start_0:
0x88: {  	s2 =	sld [smem:$0x3FD9]  }
0x89: {  	s3 =	sld [smem:$0x3FFE];
	_ =	sdelay $0x1  }
0x8a: {  	s1 =	srdreg.scid  }
0x8b: {  	s0 =	sand.u32 $0x1, s1  }
0x8c: {  	s17 =	sshll.u32 s0, $0xA;
	s2 =	sadd.s32 s3, s2  }
0x8d: {  	s2 =	sadd.s32 s2, s17  }
0x8e: {  	[smem:$0x3FC4] =	sst s2  }
0x8f: {  	_ = 	snop  }
0x90: {  	s2 =	sld [smem:$0x3FD0];
	(tm) =	ssettm $0x1  }
0x91: {  	s18 =	sld [smem:$0x3FFB];
	_ =	sdelay $0x3  }
0x92: {  	_ =	strace s18  }
0x93: {  	s3 =	sld [smem:$0x3FFC];
	_ =	sdelay $0x3  }
0x94: {  	_ =	strace s3  }
0x95: {  	s3 =	sld [smem:$0x3FFD];
	_ =	sdelay $0x3  }
0x96: {  	_ =	strace s3  }
0x97: {  	_ =	strace $0x8FFFFFFF  }
0x98: {  	s19 =	sld [smem:$0x3FDB];
	_ =	sdelay $0x1  }
0x99: {  	s4 =	simm.s32 $_scs_section_size  }
0x9a: {  	s5 =	simm.s32 $_size__tile_overlayer_lowered;
	s6 =	simm.s32 $_tile_overlayer_lowered  }
0x9b: {  	s22 =	simm.s32 $0x1BFF;
	s21 =	sshll.u32 s6, $0x1;
	s3 =	sadd.s32 s4, s19  }
0x9c: {  	s7 =	simm.s32 $0x0;
	s20 =	sshll.u32 s5, $0x1;
	s5 =	sadd.s32 s21, s3  }
0x9d: {  	[timem:s7], [sflag:s22] =	dma.local [hbm:s5], s20  }
0x9e: {  	_ =	swait.ge [sflag:s22], s20  }
0x9f: {  	s4 =	ssub.s32 $0x0, s20;
	[sflag:s22] =	ssyncset.done $0x0  }
0xa0: {  	[sflag:s22] =	ssyncadd.s32 s4;
	_ =	sdelay $0x1  }
0xa1: {  	s23 =	simm.s32 $0x1B8B  }
0xa2: {  	_ =	swait.ge [sflag:s23], $0x1  }
0xa3: {  	[sflag:s23] =	ssyncset.done $0x0  }
0xa4: {  	s25 =	simm.s32 $0x1B8E;
	s24 =	sld [smem:$0x3FFE];
	[sflag:s23] =	ssyncadd.s32 $0xFFFFFFFF  }
0xa5: {  	s26 =	simm.s32 $execute0_lowered;
	[smem:$0x3FD2] =	sst s25  }
0xa6: {  	s5 =	sshll.u32 s26, $0x1;
	_ =	strace $0x8000004C;
	[dreg:$0x1] =	wrdreg $0xFFFFFFFF  }
0xa7: {  	s28 =	simm.s32 $_size_execute0_lowered;
	s3 =	sadd.s32 s3, s5;
	[dreg:$0x0] =	wrdreg $0x0  }
0xa8: {  	s5 =	sshll.u32 s28, $0x1;
	[dreg:$0x2] =	wrdreg s3  }
0xa9: {  	[dreg:$0x3] =	wrdreg s5  }
0xaa: {  	[dreg:$0x4] =	wrdreg $0xC0  }
0xab: {  	_ =	task [dreg:s7], $0x5FFFF  }
0xac: {  	[dreg:$0x1] =	wrdreg $0xFFFFFFFF  }
0xad: {  	[dreg:$0x0] =	wrdreg $0x60  }
0xae: {  	[dreg:$0x2] =	wrdreg s2  }
0xaf: {  	[dreg:$0x3] =	wrdreg s24  }
0xb0: {  	[dreg:$0x4] =	wrdreg $0xAA800  }
0xb1: {  	[dreg:$0x5] =	wrdreg $0x9  }
0xb2: {  	_ =	task.clear_ibuf [dreg:s7], $0x6FFFF;
	_ =	strace $0x9000004C  }
0xb3: {  	s29 =	simm.s32 $0x9;
	_ =	strace $0x8000004E  }
0xb4: {  	_ =	swait.ge [sflag:s29], $0x1  }
0xb5: {  	[sflag:s29] =	ssyncadd.s32 $0xFFFFFFFF  }
0xb6: {  	_ =	strace $0x9000004E  }
0xb7: {  	_ =	sfence  }
0xb8: {  	s30 =	sld [smem:$0x0];
	_ =	sdelay $0x2  }
0xb9: {  	s31 =	sshll.u32 s1, $0xD;
	s1 =	sshrl.u32 s1, $0x2  }
0xba: {  	s3 =	sand.u32 $0x4000, s31;
	s1 =	sadd.s32 s1, s30  }
0xbb: {  	s0 =	sor.u32 s3, s0;
	s1 =	sshll.u32 s1, $0x11  }
0xbc: {  	s0 =	sor.u32 s1, s0  }
0xbd: {  	s0 =	sadd.s32 $0x8F2B, s0  }
0xbe: {  	[sflag:s0] =	ssyncadd.remote.s32 $0x1  }
0xbf: {  	_ =	sfence.sel $0xFFFF  }
0xc0: {  	[dreg:$0x0] =	wrdreg $0xFFFFFFFF;
	(pc) =	sbr.abs _section_cstart, $3  }
0xc1: {  	[dreg:$0x1] =	wrdreg $0xFFFFFFFF  }
0xc2: {  	_ =	task.clear_ibuf [dreg:s7], $0x2FFFF;
	_ =	strace $0x9FFFFFFF  }
0xc3: {  	(tm) =	ssettm $0x7FFFFFFF  }
tec
execute0_lowered:
.L_overlay_start_1:
0x0: {  	(tag) =	ssettag $0x1  }
0x1: {  	s5 =	rddreg [dreg:$0x0]  }
0x2: {  	s6 =	rddreg [dreg:$0x1]  }
0x3: {  	s2 =	rddreg [dreg:$0x2]  }
0x4: {  	s0 =	rddreg [dreg:$0x3]  }
0x5: {  	s1 =	stileid.u32;
	s4 =	srdreg.scid  }
0x6: {  	s3 =	simm.s32 $0x0;
	s13 =	simm.s32 $0x2880;
	s14 =	simm.s32 $0x2A80  }
0x7: {  	s15 =	simm.s32 $0x2900;
	s16 =	simm.s32 $0x6A80;
	s17 =	simm.s32 $0x1  }
0x8: {  	s18 =	simm.s32 $0x2980;
	s19 =	simm.s32 $0x2;
	s20 =	simm.s32 $0x2A00  }
0x9: {  	s21 =	simm.s32 $0x0;
	s7 =	smul.u32 $0x13C00, s1;
	s8 =	sand.u32 $0x1, s4  }
0xa: {  	[smem:$0x7FF] =	sst s3;
	s4 =	sadd.s32 $0x34400, s6;
	s28 =	smul.u32 $0x4F000, s1  }
0xb: {  	s31 =	sshll.u32 s1, $0x6;
	s9 =	smul.u32 $0x13C000, s8;
	s10 =	sshll.u32 s8, $0x4  }
0xc: {  	_ =	strace $0x8000004D;
	s8 =	ssub.s32 $0x2, s8;
	s10 =	sor.u32 s1, s10  }
0xd: {  	s11 =	sshrl.u32 s7, $0x3;
	s29 =	sshrl.u32 s8, $0x1;
	s30 =	sshrl.u32 s28, $0x2  }
0xe: {  	s7 =	sadd.s32 s7, s9;
	s26 =	smul.u32 $0x500, s10;
	s11 =	sadd.s32 s11, s6  }
0xf: {  	s8 =	ssub.s32 s8, s29;
	s12 =	sadd.s32 s30, s2;
	s9 =	simm.s32 $0x3  }
0x10: {  	s10 =	sor.u32 $0x1C03, s31;
	s7 =	sshrl.u32 s7, $0x3;
	s8 =	smax.u32 s8, $0x1  }
0x11: {  	s7 =	sadd.s32 s7, s6;
	s5 =	sadd.s32 s5, s26;
	s6 =	sadd.s32 $0xCC00, s11  }
0x12: {  	s11 =	sshrl.u32 s12, $0x3;
	s12 =	simm.s32 $0x80;
	s7 =	sadd.s32 $0x5BC00, s7  }
.LBB2_1:
0x13: {  	[tilespmem:s3], [sflag:$0x3] =	stream.linear.gather [hbm4b:s5+s3], $0x2880, $0x38;
	[tilespmem:$0x1E680] =	vst v63  }
0x14: {  	_ =	swait.ge [sflag:s9], $0x2880  }
0x15: {  	[sflag:s9] =	ssyncset.done $0x0  }
0x16: {  	[sflag:s9] =	ssyncadd.s32 $0xFFFFD780  }
0x17: {  	[spmem:s11], [sflag:s10] =	dma.local [hbm:s6], $0x2780  }
0x18: {  	_ =	swait.ge [sflag:s9], $0x2780  }
0x19: {  	[sflag:s9] =	ssyncset.done $0x0  }
0x1a: {  	[sflag:s9] =	ssyncadd.s32 $0xFFFFD880  }
0x1b: {  	[bflag:$0x0] =	sbarrier.arrive $0xFFFF  }
0x1c: {  	v0 =	vld [tilespmem:$0x0];
	_ =	sdelay $0x1  }
0x1d: {  	v1 =	vld [tilespmem:$0x10];
	_ =	sdelay $0x1  }
0x1e: {  	v2 =	vld [tilespmem:$0x20]  }
0x1f: {  	v3 =	vand.u32 $0xFFFF, v0  }
0x20: {  	v0 =	vshra.s32 v0, $0x10;
	[tilespmem:$0x2880] =	vst v3;
	v3 =	vld [tilespmem:$0x30]  }
0x21: {  	[tilespmem:$0x2980] =	vst v0;
	v0 =	vand.u32 $0xFFFF, v1  }
0x22: {  	[tilespmem:$0x2890] =	vst v0;
	v0 =	vshra.s32 v1, $0x10;
	v1 =	vld [tilespmem:$0x40]  }
0x23: {  	[tilespmem:$0x2990] =	vst v0;
	v0 =	vand.u32 $0xFFFF, v2  }
0x24: {  	[tilespmem:$0x28A0] =	vst v0;
	v0 =	vshra.s32 v2, $0x10;
	v2 =	vld [tilespmem:$0x50]  }
0x25: {  	[tilespmem:$0x29A0] =	vst v0;
	v0 =	vand.u32 $0xFFFF, v3  }
0x26: {  	[tilespmem:$0x28B0] =	vst v0;
	v0 =	vshra.s32 v3, $0x10;
	v3 =	vld [tilespmem:$0x60]  }
0x27: {  	[tilespmem:$0x29B0] =	vst v0;
	v0 =	vand.u32 $0xFFFF, v1  }
0x28: {  	[tilespmem:$0x28C0] =	vst v0;
	v0 =	vshra.s32 v1, $0x10;
	v1 =	vld [tilespmem:$0x70]  }
0x29: {  	[tilespmem:$0x29C0] =	vst v0;
	v0 =	vand.u32 $0xFFFF, v2  }
0x2a: {  	[tilespmem:$0x28D0] =	vst v0;
	v0 =	vshra.s32 v2, $0x10  }
0x2b: {  	[tilespmem:$0x29D0] =	vst v0;
	v0 =	vand.u32 $0xFFFF, v3  }
0x2c: {  	[tilespmem:$0x28E0] =	vst v0;
	v0 =	vshra.s32 v3, $0x10  }
0x2d: {  	[tilespmem:$0x29E0] =	vst v0;
	v0 =	vand.u32 $0xFFFF, v1  }
0x2e: {  	[tilespmem:$0x28F0] =	vst v0;
	v0 =	vshra.s32 v1, $0x10  }
0x2f: {  	s22 =	simm.s32 $0x0;
	[tilespmem:$0x29F0] =	vst v0  }
0x30: {  	[tilespmem:s14], [sflag:$0x1] =	stream.indirect.gather [hbm4b:s4+s12], $0x80, s13, s12, $0xb8;
	[tilespmem:$0x1E680] =	vst v63  }
0x31: {  	v0 =	vld [tilespmem:s22+$0x80];
	_ =	sdelay $0x4  }
0x32: {  	v1 =	vand.u32 $0xFFFF, v0  }
0x33: {  	v0 =	vshra.s32 v0, $0x10;
	[tilespmem:$0x2900] =	vst v1  }
0x34: {  	[tilespmem:$0x2A00] =	vst v0  }
0x35: {  	v0 =	vld [tilespmem:s22+$0x90];
	_ =	sdelay $0x4  }
0x36: {  	v1 =	vand.u32 $0xFFFF, v0  }
0x37: {  	v0 =	vshra.s32 v0, $0x10;
	[tilespmem:$0x2910] =	vst v1  }
0x38: {  	[tilespmem:$0x2A10] =	vst v0  }
0x39: {  	v0 =	vld [tilespmem:s22+$0xA0];
	_ =	sdelay $0x4  }
0x3a: {  	v1 =	vand.u32 $0xFFFF, v0  }
0x3b: {  	v0 =	vshra.s32 v0, $0x10;
	[tilespmem:$0x2920] =	vst v1  }
0x3c: {  	[tilespmem:$0x2A20] =	vst v0  }
0x3d: {  	v0 =	vld [tilespmem:s22+$0xB0];
	_ =	sdelay $0x4  }
0x3e: {  	v1 =	vand.u32 $0xFFFF, v0  }
0x3f: {  	v0 =	vshra.s32 v0, $0x10;
	[tilespmem:$0x2930] =	vst v1  }
0x40: {  	[tilespmem:$0x2A30] =	vst v0  }
0x41: {  	v0 =	vld [tilespmem:s22+$0xC0];
	_ =	sdelay $0x4  }
0x42: {  	v1 =	vand.u32 $0xFFFF, v0  }
0x43: {  	v0 =	vshra.s32 v0, $0x10;
	[tilespmem:$0x2940] =	vst v1  }
0x44: {  	[tilespmem:$0x2A40] =	vst v0  }
0x45: {  	v0 =	vld [tilespmem:s22+$0xD0];
	_ =	sdelay $0x4  }
0x46: {  	v1 =	vand.u32 $0xFFFF, v0  }
0x47: {  	v0 =	vshra.s32 v0, $0x10;
	[tilespmem:$0x2950] =	vst v1  }
0x48: {  	[tilespmem:$0x2A50] =	vst v0  }
0x49: {  	v0 =	vld [tilespmem:s22+$0xE0];
	_ =	sdelay $0x4  }
0x4a: {  	v1 =	vand.u32 $0xFFFF, v0  }
0x4b: {  	v0 =	vshra.s32 v0, $0x10;
	[tilespmem:$0x2960] =	vst v1  }
0x4c: {  	[tilespmem:$0x2A60] =	vst v0  }
0x4d: {  	v0 =	vld [tilespmem:s22+$0xF0];
	_ =	sdelay $0x4  }
0x4e: {  	v1 =	vand.u32 $0xFFFF, v0  }
0x4f: {  	v0 =	vshra.s32 v0, $0x10;
	[tilespmem:$0x2970] =	vst v1  }
0x50: {  	[tilespmem:$0x2A70] =	vst v0  }
0x51: {  	[tilespmem:s16], [sflag:$0x2] =	stream.indirect.gather [hbm4b:s4+s12], $0x80, s15, s12, $0xb8;
	[tilespmem:$0x1E680] =	vst v63  }
0x52: {  	_ =	swait.ge [sflag:s17], $0x4000  }
0x53: {  	[sflag:s17] =	ssyncset.done $0x0  }
0x54: {  	[sflag:s17] =	ssyncadd.s32 $0xFFFFC000  }
0x55: {  	[spmem:s2] =	stream.indirect.scatter.add.f32 [tilespmem:s14], [sflag:$0x3], $0x80, s18, s12, $0xb8;
	[tilespmem:$0x1E680] =	vst v63  }
0x56: {  	_ =	swait.ge [sflag:s9], $0x4000  }
0x57: {  	[sflag:s9] =	ssyncset.done $0x0  }
0x58: {  	[sflag:s9] =	ssyncadd.s32 $0xFFFFC000  }
0x59: {  	v0 =	vld [tilespmem:s22+$0x100];
	_ =	sdelay $0x4  }
0x5a: {  	v1 =	vand.u32 $0xFFFF, v0  }
0x5b: {  	v0 =	vshra.s32 v0, $0x10;
	[tilespmem:$0x2880] =	vst v1  }
0x5c: {  	[tilespmem:$0x2980] =	vst v0  }
0x5d: {  	v0 =	vld [tilespmem:s22+$0x110];
	_ =	sdelay $0x4  }
0x5e: {  	v1 =	vand.u32 $0xFFFF, v0  }
0x5f: {  	v0 =	vshra.s32 v0, $0x10;
	[tilespmem:$0x2890] =	vst v1  }
0x60: {  	[tilespmem:$0x2990] =	vst v0  }
0x61: {  	v0 =	vld [tilespmem:s22+$0x120];
	_ =	sdelay $0x4  }
0x62: {  	v1 =	vand.u32 $0xFFFF, v0  }
0x63: {  	v0 =	vshra.s32 v0, $0x10;
	[tilespmem:$0x28A0] =	vst v1  }
0x64: {  	[tilespmem:$0x29A0] =	vst v0  }
0x65: {  	v0 =	vld [tilespmem:s22+$0x130];
	_ =	sdelay $0x4  }
0x66: {  	v1 =	vand.u32 $0xFFFF, v0  }
0x67: {  	v0 =	vshra.s32 v0, $0x10;
	[tilespmem:$0x28B0] =	vst v1  }
0x68: {  	[tilespmem:$0x29B0] =	vst v0  }
0x69: {  	v0 =	vld [tilespmem:s22+$0x140];
	_ =	sdelay $0x4  }
0x6a: {  	v1 =	vand.u32 $0xFFFF, v0  }
0x6b: {  	v0 =	vshra.s32 v0, $0x10;
	[tilespmem:$0x28C0] =	vst v1  }
0x6c: {  	[tilespmem:$0x29C0] =	vst v0  }
0x6d: {  	v0 =	vld [tilespmem:s22+$0x150];
	_ =	sdelay $0x4  }
0x6e: {  	v1 =	vand.u32 $0xFFFF, v0  }
0x6f: {  	v0 =	vshra.s32 v0, $0x10;
	[tilespmem:$0x28D0] =	vst v1  }
0x70: {  	[tilespmem:$0x29D0] =	vst v0  }
0x71: {  	v0 =	vld [tilespmem:s22+$0x160];
	_ =	sdelay $0x4  }
0x72: {  	v1 =	vand.u32 $0xFFFF, v0  }
0x73: {  	s23 =	simm.s32 $0x400;
	v0 =	vshra.s32 v0, $0x10;
	[tilespmem:$0x28E0] =	vst v1  }
.LBB2_2:
0x74: {  	p0 =	sne.s32 s23, $0x9C00;
	[tilespmem:$0x29E0] =	vst v0;
	s24 =	smov.u32 s23;
	s23 =	sadd.s32 $0x400, s23  }
0x75: {  	v0 =	vld [tilespmem:s22+$0x170];
	_ =	sdelay $0x4  }
0x76: {  	v1 =	vand.u32 $0xFFFF, v0;
	v0 =	vshra.s32 v0, $0x10  }
0x77: {  	[tilespmem:$0x28F0] =	vst v1  }
0x78: {  	[tilespmem:$0x29F0] =	vst v0  }
0x79: {  	[tilespmem:s14], [sflag:$0x1] =	stream.indirect.gather [hbm4b:s4+s12], $0x80, s13, s12, $0xb8;
	[tilespmem:$0x1E680] =	vst v63  }
0x7a: {  	_ =	swait.ge [sflag:s19], $0x4000  }
0x7b: {  	[sflag:s19] =	ssyncset.done $0x0  }
0x7c: {  	[sflag:s19] =	ssyncadd.s32 $0xFFFFC000  }
0x7d: {  	[spmem:s2] =	stream.indirect.scatter.add.f32 [tilespmem:s16], [sflag:$0x3], $0x80, s20, s12, $0xb8;
	[tilespmem:$0x1E680] =	vst v63  }
0x7e: {  	_ =	swait.ge [sflag:s9], $0x4000  }
0x7f: {  	[sflag:s9] =	ssyncset.done $0x0  }
0x80: {  	s22 =	sshra.s32 s24, $0x2;
	[sflag:s9] =	ssyncadd.s32 $0xFFFFC000  }
0x81: {  	v0 =	vld [tilespmem:s22+$0x80];
	_ =	sdelay $0x4  }
0x82: {  	v1 =	vand.u32 $0xFFFF, v0;
	v0 =	vshra.s32 v0, $0x10  }
0x83: {  	[tilespmem:$0x2900] =	vst v1  }
0x84: {  	[tilespmem:$0x2A00] =	vst v0  }
0x85: {  	v0 =	vld [tilespmem:s22+$0x90];
	_ =	sdelay $0x4  }
0x86: {  	v1 =	vand.u32 $0xFFFF, v0;
	v0 =	vshra.s32 v0, $0x10  }
0x87: {  	[tilespmem:$0x2910] =	vst v1  }
0x88: {  	[tilespmem:$0x2A10] =	vst v0  }
0x89: {  	v0 =	vld [tilespmem:s22+$0xA0];
	_ =	sdelay $0x4  }
0x8a: {  	v1 =	vand.u32 $0xFFFF, v0;
	v0 =	vshra.s32 v0, $0x10  }
0x8b: {  	[tilespmem:$0x2920] =	vst v1  }
0x8c: {  	[tilespmem:$0x2A20] =	vst v0  }
0x8d: {  	v0 =	vld [tilespmem:s22+$0xB0];
	_ =	sdelay $0x4  }
0x8e: {  	v1 =	vand.u32 $0xFFFF, v0;
	v0 =	vshra.s32 v0, $0x10  }
0x8f: {  	[tilespmem:$0x2930] =	vst v1  }
0x90: {  	[tilespmem:$0x2A30] =	vst v0  }
0x91: {  	v0 =	vld [tilespmem:s22+$0xC0];
	_ =	sdelay $0x4  }
0x92: {  	v1 =	vand.u32 $0xFFFF, v0;
	v0 =	vshra.s32 v0, $0x10  }
0x93: {  	[tilespmem:$0x2940] =	vst v1  }
0x94: {  	[tilespmem:$0x2A40] =	vst v0  }
0x95: {  	v0 =	vld [tilespmem:s22+$0xD0];
	_ =	sdelay $0x4  }
0x96: {  	v1 =	vand.u32 $0xFFFF, v0;
	v0 =	vshra.s32 v0, $0x10  }
0x97: {  	[tilespmem:$0x2950] =	vst v1  }
0x98: {  	[tilespmem:$0x2A50] =	vst v0  }
0x99: {  	v0 =	vld [tilespmem:s22+$0xE0];
	_ =	sdelay $0x4  }
0x9a: {  	v1 =	vand.u32 $0xFFFF, v0;
	v0 =	vshra.s32 v0, $0x10  }
0x9b: {  	[tilespmem:$0x2960] =	vst v1  }
0x9c: {  	[tilespmem:$0x2A60] =	vst v0  }
0x9d: {  	v0 =	vld [tilespmem:s22+$0xF0];
	_ =	sdelay $0x4  }
0x9e: {  	v1 =	vand.u32 $0xFFFF, v0;
	v0 =	vshra.s32 v0, $0x10  }
0x9f: {  	[tilespmem:$0x2970] =	vst v1  }
0xa0: {  	[tilespmem:$0x2A70] =	vst v0  }
0xa1: {  	[tilespmem:s16], [sflag:$0x2] =	stream.indirect.gather [hbm4b:s4+s12], $0x80, s15, s12, $0xb8;
	[tilespmem:$0x1E680] =	vst v63  }
0xa2: {  	_ =	swait.ge [sflag:s17], $0x4000  }
0xa3: {  	[sflag:s17] =	ssyncset.done $0x0  }
0xa4: {  	[sflag:s17] =	ssyncadd.s32 $0xFFFFC000  }
0xa5: {  	[spmem:s2] =	stream.indirect.scatter.add.f32 [tilespmem:s14], [sflag:$0x3], $0x80, s18, s12, $0xb8;
	[tilespmem:$0x1E680] =	vst v63  }
0xa6: {  	_ =	swait.ge [sflag:s9], $0x4000  }
0xa7: {  	[sflag:s9] =	ssyncset.done $0x0  }
0xa8: {  	[sflag:s9] =	ssyncadd.s32 $0xFFFFC000  }
0xa9: {  	v0 =	vld [tilespmem:s22+$0x100];
	_ =	sdelay $0x4  }
0xaa: {  	v1 =	vand.u32 $0xFFFF, v0;
	v0 =	vshra.s32 v0, $0x10  }
0xab: {  	[tilespmem:$0x2880] =	vst v1  }
0xac: {  	[tilespmem:$0x2980] =	vst v0  }
0xad: {  	v0 =	vld [tilespmem:s22+$0x110];
	_ =	sdelay $0x4  }
0xae: {  	v1 =	vand.u32 $0xFFFF, v0;
	v0 =	vshra.s32 v0, $0x10  }
0xaf: {  	[tilespmem:$0x2890] =	vst v1  }
0xb0: {  	[tilespmem:$0x2990] =	vst v0  }
0xb1: {  	v0 =	vld [tilespmem:s22+$0x120];
	_ =	sdelay $0x4  }
0xb2: {  	v1 =	vand.u32 $0xFFFF, v0;
	v0 =	vshra.s32 v0, $0x10  }
0xb3: {  	[tilespmem:$0x28A0] =	vst v1  }
0xb4: {  	[tilespmem:$0x29A0] =	vst v0  }
0xb5: {  	v0 =	vld [tilespmem:s22+$0x130];
	_ =	sdelay $0x4  }
0xb6: {  	v1 =	vand.u32 $0xFFFF, v0;
	v0 =	vshra.s32 v0, $0x10  }
0xb7: {  	[tilespmem:$0x28B0] =	vst v1  }
0xb8: {  	[tilespmem:$0x29B0] =	vst v0  }
0xb9: {  	v0 =	vld [tilespmem:s22+$0x140];
	_ =	sdelay $0x4  }
0xba: {  	v1 =	vand.u32 $0xFFFF, v0;
	v0 =	vshra.s32 v0, $0x10  }
0xbb: {  	[tilespmem:$0x28C0] =	vst v1  }
0xbc: {  	[tilespmem:$0x29C0] =	vst v0  }
0xbd: {  	v0 =	vld [tilespmem:s22+$0x150];
	_ =	sdelay $0x4  }
0xbe: {  	v1 =	vand.u32 $0xFFFF, v0;
	v0 =	vshra.s32 v0, $0x10  }
0xbf: {  	[tilespmem:$0x28D0] =	vst v1  }
0xc0: {  	[tilespmem:$0x29D0] =	vst v0  }
0xc1: {  	v0 =	vld [tilespmem:s22+$0x160];
	_ =	sdelay $0x1  }
.Ltmp0:
0xc2: {  	(pc) =	sbr.rel @p0 .LBB2_2-.Ltmp0, $3  }
0xc3: {  	_ =	sdelay $0x1  }
0xc4: {  	v1 =	vand.u32 $0xFFFF, v0;
	v0 =	vshra.s32 v0, $0x10  }
0xc5: {  	[tilespmem:$0x28E0] =	vst v1  }
0xc6: {  	[tilespmem:$0x29E0] =	vst v0  }
0xc7: {  	v0 =	vld [tilespmem:s22+$0x170];
	_ =	sdelay $0x4  }
0xc8: {  	v1 =	vand.u32 $0xFFFF, v0  }
0xc9: {  	v0 =	vshra.s32 v0, $0x10;
	[tilespmem:$0x28F0] =	vst v1  }
0xca: {  	[tilespmem:$0x29F0] =	vst v0  }
0xcb: {  	[tilespmem:s14], [sflag:$0x1] =	stream.indirect.gather [hbm4b:s4+s12], $0x80, s13, s12, $0xb8;
	[tilespmem:$0x1E680] =	vst v63  }
0xcc: {  	_ =	swait.ge [sflag:s19], $0x4000  }
0xcd: {  	[sflag:s19] =	ssyncset.done $0x0  }
0xce: {  	[sflag:s19] =	ssyncadd.s32 $0xFFFFC000  }
0xcf: {  	[spmem:s2] =	stream.indirect.scatter.add.f32 [tilespmem:s16], [sflag:$0x3], $0x80, s20, s12, $0xb8;
	[tilespmem:$0x1E680] =	vst v63  }
0xd0: {  	_ =	swait.ge [sflag:s9], $0x4000  }
0xd1: {  	[sflag:s9] =	ssyncset.done $0x0  }
0xd2: {  	[sflag:s9] =	ssyncadd.s32 $0xFFFFC000  }
0xd3: {  	_ =	swait.ge [sflag:s17], $0x4000  }
0xd4: {  	s21 =	sadd.s32 $0x1, s21;
	[sflag:s17] =	ssyncset.done $0x0  }
0xd5: {  	p0 =	sne.s32 s21, s8;
	[sflag:s17] =	ssyncadd.s32 $0xFFFFC000  }
.Ltmp1:
0xd6: {  	[bflag:$0x0] =	sbarrier.arrive $0xFFFF;
	(pc) =	sbr.rel @p0 .LBB2_1-.Ltmp1, $4  }
0xd7: {  	[hbm:s7], [sflag:s10] =	dma.local [spmem:s11], $0x2780  }
0xd8: {  	_ =	swait.ge [sflag:s9], $0x2780  }
0xd9: {  	[sflag:s9] =	ssyncset.done $0x0  }
0xda: {  	[sflag:s9] =	ssyncadd.s32 $0xFFFFD880  }
0xdb: {  	_ =	sfence.sel $0x180000  }
0xdc: {  	[bflag:$0x0] =	sbarrier.arrive $0xFFFF  }
0xdd: {  	p0 =	sne.s32 s1, $0x0;
	_ =	strace $0x9000004D  }
0xde: {  	s0 =	sadd.s32 @!p0 $0x100000, s0;
	[bflag:$0x2] =	sbarrier.arrive $0xFFFF  }
0xdf: {  	[sflag:s0] =	ssyncadd.tile.s32 @!p0 $0x1;
	_ =	shalt  }
.Lfunc_end2:
_tile_overlayer_lowered:
.L_overlay_start_2:
0xe0: {  	(tag) =	ssettag $0x2  }
0xe1: {  	s0 =	rddreg [dreg:$0x0];
	s2 =	stileid.u32  }
0xe2: {  	s1 =	rddreg [dreg:$0x1];
	p0 =	sne.s32 s2, $0x0  }
0xe3: {  	s3 =	rddreg [dreg:$0x2];
	[bflag:$0x3] =	sbarrier.arrive $0xFFFF;
	s2 =	simm.s32 @!p0 $0x1C03  }
0xe4: {  	[timem:s3], [sflag:s2] =	dma.local @!p0 [hbm:s0], s1  }
0xe5: {  	s0 =	simm.s32 @!p0 $0x3  }
0xe6: {  	_ =	swait.ge @!p0 [sflag:s0], s1  }
0xe7: {  	s1 =	ssub.s32 @!p0 $0x0, s1;
	[sflag:s0] =	ssyncset.done @!p0 $0x0  }
0xe8: {  	[sflag:s0] =	ssyncadd.s32 @!p0 s1  }
0xe9: {  	[bflag:$0x3] =	sbarrier.arrive $0xFFFF  }
0xea: {  	_ =	shalt  }

// kernel: _run.8.cloned.1.call-start
scs
__scs_entry_jumppad:
0x0: {  	(pc) =	sbr.rel $0x88, $3  }
0x1: {  	(tag) =	ssettag $0x0;
	lr =	simm.s32 $0x1  }
0x2: {  	[smem:$0x3F9D] =	sst lr;
	_ =	strace $0xD0000000  }
0x3: {  	_ = 	snop  }
0x4: {  	_ = 	snop  }
0x5: {  	_ = 	snop  }
0x6: {  	_ = 	snop  }
0x7: {  	_ = 	snop  }
__scs_overlays_trampoline_lowered:
0x8: {  	[smem:$0x3FAC] =	sst s0  }
0x9: {  	[smem:$0x3FAD] =	sst s1  }
0xa: {  	[smem:$0x3FAE] =	sst s2  }
0xb: {  	[smem:$0x3FAF] =	sst s3  }
0xc: {  	[smem:$0x3FB0] =	sst s4  }
0xd: {  	[smem:$0x3FB1] =	sst s5  }
0xe: {  	[smem:$0x3FB2] =	sst s6  }
0xf: {  	[smem:$0x3FB3] =	sst s7  }
0x10: {  	[smem:$0x3FB4] =	sst s8  }
0x11: {  	[smem:$0x3FB5] =	sst s9;
	s0 =	simm.s32 @!p0 $0x0  }
0x12: {  	s1 =	sld [smem:$0x3F9B];
	s0 =	simm.s32 @p0 $0x1  }
0x13: {  	[smem:$0x3FB6] =	sst s0;
	s0 =	simm.s32 @!p1 $0x0  }
0x14: {  	s2 =	sld [smem:$0x3F9A];
	s0 =	simm.s32 @p1 $0x1  }
0x15: {  	[smem:$0x3FB7] =	sst s0;
	s0 =	simm.s32 @!p2 $0x0  }
0x16: {  	s3 =	sld [smem:$0x3FDB];
	s0 =	simm.s32 @p2 $0x1  }
0x17: {  	s4 =	simm.s32 $0x1BF5;
	[smem:$0x3FB9] =	sst s0  }
0x18: {  	s0 =	sld [smem:$0x3F9C];
	_ =	swait.ge [sflag:s4], $0x0  }
0x19: {  	s7 =	sld [smem:$0x3F9D]  }
0x1a: {  	s8 =	sadd.s32 $0xFFFFE003, lr  }
0x1b: {  	s9 =	sadd.s32 $0xFFFFFEF7, lr;
	s5 =	simm.s32 $0xFFFFFFFF;
	p2 =	slt.u32 s8, $0xFFFFF086  }
0x1c: {  	p1 =	slt.u32 s9, $0xF7A;
	s5 =	simm.s32 @!p2 $0x0  }
0x1d: {  	s5 =	simm.s32 @p1 $0x1;
	p0 =	seq.s32 s7, s2  }
0x1e: {  	s7 =	smul.u32 @!p0 $0xF7A, s2;
	p2 =	seq.s32 @!p0 s5, $0x0  }
0x1f: {  	s9 =	smul.u32 $0xF7A, s1;
	s8 =	simm.s32 @!p0 $0x1BF5;
	p2 =	por !p2, p0  }
0x20: {  	[sflag:s8] =	ssyncset.s32 @!p0 $0xFFFFF086;
	s6 =	sadd.s32 @!p0 s3, s7;
	s7 =	simm.s32 @!p0 $0x108  }
0x21: {  	s3 =	sadd.s32 s3, s9;
	s6 =	sadd.s32 @!p0 $0x88, s6;
	s7 =	simm.s32 @p2 $0x1082  }
0x22: {  	[simem:s7], [sflag:s8] =	dma.local @!p0 [hbm:s6], $0xF7A  }
0x23: {  	s9 =	sor.u32 $0xD0000000, s2;
	s6 =	simm.s32 $0x108;
	_ =	swait.ge @!p0 [sflag:s8], $0x0  }
0x24: {  	s3 =	sadd.s32 $0x88, s3;
	s6 =	simm.s32 @!p1 $0x1082;
	[sflag:s4] =	ssyncset.s32 $0xFFFFF086  }
0x25: {  	[simem:s6], [sflag:s4] =	dma.local [hbm:s3], $0xF7A  }
0x26: {  	[smem:$0x3F9D] =	sst s1;
	(tag) =	ssettag s2;
	_ =	strace s9  }
0x27: {  	s1 =	sld [smem:$0x3FAD]  }
0x28: {  	s2 =	sld [smem:$0x3FAE]  }
0x29: {  	s4 =	sld [smem:$0x3FB0]  }
0x2a: {  	p0 =	seq.s32 s5, $0x0;
	s5 =	sld [smem:$0x3FB1]  }
0x2b: {  	s6 =	sld [smem:$0x3FB2]  }
0x2c: {  	s7 =	sld [smem:$0x3FB3]  }
0x2d: {  	s3 =	simm.s32 $0x108;
	s8 =	sld [smem:$0x3FB4]  }
0x2e: {  	s3 =	simm.s32 @!p0 $0x1082;
	s9 =	sld [smem:$0x3FB5]  }
0x2f: {  	lr =	sadd.s32 s0, s3;
	s0 =	sld [smem:$0x3FAC]  }
0x30: {  	s3 =	sld [smem:$0x3FAF]  }
0x31: {  	[smem:$0x3FB8] =	sst s10  }
0x32: {  	s10 =	sld [smem:$0x3FB6];
	_ =	sdelay $0x3  }
0x33: {  	p0 =	seq.s32 s10, $0x1;
	s10 =	sld [smem:$0x3FB8];
	_ =	sdelay $0x3  }
0x34: {  	[smem:$0x3FB8] =	sst s10  }
0x35: {  	s10 =	sld [smem:$0x3FB7];
	_ =	sdelay $0x3  }
0x36: {  	p1 =	seq.s32 s10, $0x1;
	s10 =	sld [smem:$0x3FB8];
	_ =	sdelay $0x3  }
0x37: {  	[smem:$0x3FB8] =	sst s10  }
0x38: {  	s10 =	sld [smem:$0x3FB9]  }
0x39: {  	_ = 	snop;
	(pc) =	sbr.ind lr, $3  }
0x3a: {  	_ = 	snop  }
0x3b: {  	_ = 	snop  }
0x3c: {  	p2 =	seq.s32 s10, $0x1;
	s10 =	sld [smem:$0x3FB8]  }
0x3d: {  	_ =	shalt  }
0x3e: {  	_ =	shalt  }
0x3f: {  	_ =	shalt  }
0x40: {  	_ =	shalt  }
0x41: {  	_ =	shalt  }
0x42: {  	_ =	shalt  }
0x43: {  	_ =	shalt  }
0x44: {  	_ =	shalt  }
0x45: {  	_ =	shalt  }
0x46: {  	_ =	shalt  }
0x47: {  	_ =	shalt  }
0x48: {  	_ =	shalt  }
0x49: {  	_ =	shalt  }
0x4a: {  	_ =	shalt  }
0x4b: {  	_ =	shalt  }
0x4c: {  	_ =	shalt  }
0x4d: {  	_ =	shalt  }
0x4e: {  	_ =	shalt  }
0x4f: {  	_ =	shalt  }
0x50: {  	_ =	shalt  }
0x51: {  	_ =	shalt  }
0x52: {  	_ =	shalt  }
0x53: {  	_ =	shalt  }
0x54: {  	_ =	shalt  }
0x55: {  	_ =	shalt  }
0x56: {  	_ =	shalt  }
0x57: {  	_ =	shalt  }
0x58: {  	_ =	shalt  }
0x59: {  	_ =	shalt  }
0x5a: {  	_ =	shalt  }
0x5b: {  	_ =	shalt  }
0x5c: {  	_ =	shalt  }
0x5d: {  	_ =	shalt  }
0x5e: {  	_ =	shalt  }
0x5f: {  	_ =	shalt  }
0x60: {  	_ =	shalt  }
0x61: {  	_ =	shalt  }
0x62: {  	_ =	shalt  }
0x63: {  	_ =	shalt  }
0x64: {  	_ =	shalt  }
0x65: {  	_ =	shalt  }
0x66: {  	_ =	shalt  }
0x67: {  	_ =	shalt  }
0x68: {  	_ =	shalt  }
0x69: {  	_ =	shalt  }
0x6a: {  	_ =	shalt  }
0x6b: {  	_ =	shalt  }
0x6c: {  	_ =	shalt  }
0x6d: {  	_ =	shalt  }
0x6e: {  	_ =	shalt  }
0x6f: {  	_ =	shalt  }
0x70: {  	_ =	shalt  }
0x71: {  	_ =	shalt  }
0x72: {  	_ =	shalt  }
0x73: {  	_ =	shalt  }
0x74: {  	_ =	shalt  }
0x75: {  	_ =	shalt  }
0x76: {  	_ =	shalt  }
0x77: {  	_ =	shalt  }
0x78: {  	_ =	shalt  }
0x79: {  	_ =	shalt  }
0x7a: {  	_ =	shalt  }
0x7b: {  	_ =	shalt  }
0x7c: {  	_ =	shalt  }
0x7d: {  	_ =	shalt  }
0x7e: {  	_ =	shalt  }
0x7f: {  	_ =	shalt  }
0x80: {  	_ =	shalt  }
0x81: {  	_ =	shalt  }
0x82: {  	_ =	shalt  }
0x83: {  	_ =	shalt  }
0x84: {  	_ =	shalt  }
0x85: {  	_ =	shalt  }
0x86: {  	_ =	shalt  }
0x87: {  	_ =	shalt  }
.Lfunc_end0:
.L_simem_size_0:
called_computation_lowered:
.L_overlay_start_0:
0x88: {  	s2 =	sld [smem:$0x3FD9]  }
0x89: {  	s3 =	sld [smem:$0x3FFE];
	_ =	sdelay $0x1  }
0x8a: {  	s1 =	srdreg.scid  }
0x8b: {  	s0 =	sand.u32 $0x1, s1  }
0x8c: {  	s16 =	sshll.u32 s0, $0xA;
	s2 =	sadd.s32 s3, s2  }
0x8d: {  	s2 =	sadd.s32 s2, s16  }
0x8e: {  	[smem:$0x3FC4] =	sst s2  }
0x8f: {  	_ = 	snop  }
0x90: {  	(tm) =	ssettm $0x1  }
0x91: {  	s17 =	sld [smem:$0x3FFB];
	_ =	sdelay $0x3  }
0x92: {  	_ =	strace s17  }
0x93: {  	s2 =	sld [smem:$0x3FFC];
	_ =	sdelay $0x3  }
0x94: {  	_ =	strace s2  }
0x95: {  	s2 =	sld [smem:$0x3FFD];
	_ =	sdelay $0x3  }
0x96: {  	_ =	strace s2  }
0x97: {  	_ =	strace $0x8FFFFFFF  }
0x98: {  	s18 =	sld [smem:$0x3FDB];
	_ =	sdelay $0x1  }
0x99: {  	s19 =	simm.s32 $_scs_section_size  }
0x9a: {  	s4 =	simm.s32 $_size__tile_overlayer_lowered;
	s5 =	simm.s32 $_tile_overlayer_lowered  }
0x9b: {  	s22 =	simm.s32 $0x1BFF;
	s21 =	sshll.u32 s5, $0x1;
	s2 =	sadd.s32 s19, s18  }
0x9c: {  	s6 =	simm.s32 $0x0;
	s20 =	sshll.u32 s4, $0x1;
	s4 =	sadd.s32 s21, s2  }
0x9d: {  	[timem:s6], [sflag:s22] =	dma.local [hbm:s4], s20  }
0x9e: {  	_ =	swait.ge [sflag:s22], s20  }
0x9f: {  	s3 =	ssub.s32 $0x0, s20;
	[sflag:s22] =	ssyncset.done $0x0  }
0xa0: {  	[sflag:s22] =	ssyncadd.s32 s3;
	_ =	sdelay $0x1  }
0xa1: {  	s23 =	simm.s32 $0x1B8B  }
0xa2: {  	_ =	swait.ge [sflag:s23], $0x1  }
0xa3: {  	[sflag:s23] =	ssyncset.done $0x0  }
0xa4: {  	s25 =	simm.s32 $0x1B8E;
	s24 =	sld [smem:$0x3FFE];
	[sflag:s23] =	ssyncadd.s32 $0xFFFFFFFF  }
0xa5: {  	s26 =	simm.s32 $execute0_lowered;
	[smem:$0x3FD2] =	sst s25  }
0xa6: {  	s4 =	sshll.u32 s26, $0x1;
	_ =	strace $0x80000046;
	[dreg:$0x1] =	wrdreg $0xFFFFFFFF  }
0xa7: {  	s28 =	simm.s32 $_size_execute0_lowered;
	s2 =	sadd.s32 s2, s4;
	[dreg:$0x0] =	wrdreg $0x0  }
0xa8: {  	s4 =	sshll.u32 s28, $0x1;
	[dreg:$0x2] =	wrdreg s2  }
0xa9: {  	[dreg:$0x3] =	wrdreg s4  }
0xaa: {  	[dreg:$0x4] =	wrdreg $0xC0  }
0xab: {  	_ =	task [dreg:s6], $0x5FFFF  }
0xac: {  	[dreg:$0x1] =	wrdreg $0xFFFFFFFF  }
0xad: {  	[dreg:$0x0] =	wrdreg $0x60  }
0xae: {  	[dreg:$0x2] =	wrdreg s24  }
0xaf: {  	[dreg:$0x3] =	wrdreg $0x6A000  }
0xb0: {  	[dreg:$0x4] =	wrdreg $0x9  }
0xb1: {  	_ =	task.clear_ibuf [dreg:s6], $0x5FFFF;
	_ =	strace $0x90000046  }
0xb2: {  	s29 =	simm.s32 $0x9;
	_ =	strace $0x80000048  }
0xb3: {  	_ =	swait.ge [sflag:s29], $0x1  }
0xb4: {  	[sflag:s29] =	ssyncadd.s32 $0xFFFFFFFF  }
0xb5: {  	_ =	strace $0x90000048  }
0xb6: {  	_ =	sfence  }
0xb7: {  	s30 =	sld [smem:$0x0];
	_ =	sdelay $0x2  }
0xb8: {  	s31 =	sshll.u32 s1, $0xD;
	s1 =	sshrl.u32 s1, $0x2  }
0xb9: {  	s3 =	sand.u32 $0x4000, s31;
	s1 =	sadd.s32 s1, s30  }
0xba: {  	s0 =	sor.u32 s3, s0;
	s1 =	sshll.u32 s1, $0x11  }
0xbb: {  	s0 =	sor.u32 s1, s0  }
0xbc: {  	s0 =	sadd.s32 $0x8F2B, s0  }
0xbd: {  	[sflag:s0] =	ssyncadd.remote.s32 $0x1  }
0xbe: {  	_ =	sfence.sel $0xFFFF  }
0xbf: {  	[dreg:$0x0] =	wrdreg $0xFFFFFFFF;
	(pc) =	sbr.abs _section_cstart, $3  }
0xc0: {  	[dreg:$0x1] =	wrdreg $0xFFFFFFFF  }
0xc1: {  	_ =	task.clear_ibuf [dreg:s6], $0x2FFFF;
	_ =	strace $0x9FFFFFFF  }
0xc2: {  	(tm) =	ssettm $0x7FFFFFFF  }
0xc3: {  	_ =	shalt  }
tec
execute0_lowered:
.L_overlay_start_1:
0x0: {  	(tag) =	ssettag $0x1  }
0x1: {  	s6 =	rddreg [dreg:$0x0]  }
0x2: {  	s0 =	srdreg.scid;
	s2 =	rddreg [dreg:$0x1];
	s3 =	simm.s32 $0x0  }
0x3: {  	s13 =	simm.s32 $0x80;
	s14 =	simm.s32 $0x6800;
	s15 =	simm.s32 $0x6880  }
0x4: {  	s16 =	simm.s32 $0x6900;
	s5 =	sand.u32 $0x1, s0;
	s0 =	stileid.u32  }
0x5: {  	s17 =	simm.s32 $0x6980;
	s18 =	simm.s32 $0x1;
	s7 =	smul.u32 $0x13C00, s0  }
0x6: {  	s19 =	simm.s32 $0x0;
	[smem:$0x7FF] =	sst s3;
	s8 =	smul.u32 $0x13C000, s5  }
0x7: {  	s1 =	sshll.u32 s5, $0x4;
	s29 =	smul.u32 $0x4F000, s0;
	s5 =	ssub.s32 $0x2, s5  }
0x8: {  	s31 =	sshll.u32 s0, $0x6;
	s1 =	sor.u32 s0, s1;
	s30 =	sshrl.u32 s5, $0x1  }
0x9: {  	s4 =	smul.u32 $0x500, s1;
	s1 =	rddreg [dreg:$0x2];
	_ =	strace $0x80000047  }
0xa: {  	s10 =	sshrl.u32 s7, $0x3;
	s7 =	sadd.s32 s7, s8;
	s8 =	sshrl.u32 s29, $0x2  }
0xb: {  	s11 =	ssub.s32 s5, s30;
	s10 =	sadd.s32 s10, s6;
	s7 =	sshrl.u32 s7, $0x3  }
0xc: {  	s12 =	sadd.s32 s8, s2;
	s8 =	smax.u32 s11, $0x1;
	s11 =	sor.u32 $0x1C02, s31  }
0xd: {  	s9 =	sadd.s32 s4, s6;
	s4 =	sadd.s32 $0xC400, s6;
	s7 =	sadd.s32 s7, s6  }
0xe: {  	s6 =	sadd.s32 $0xCC00, s10;
	s10 =	simm.s32 $0x2800;
	s12 =	sshrl.u32 s12, $0x3  }
0xf: {  	s5 =	sadd.s32 $0x2200, s9;
	s7 =	sadd.s32 $0x34400, s7;
	s9 =	simm.s32 $0x2  }
.LBB2_1:
0x10: {  	[tilespmem:s3], [sflag:$0x2] =	stream.linear.gather [hbm4b:s5+s3], $0x2800, $0x38;
	[tilespmem:$0x1A600] =	vst v63  }
0x11: {  	_ =	swait.ge [sflag:s9], $0x2800  }
0x12: {  	[sflag:s9] =	ssyncset.done $0x0  }
0x13: {  	[sflag:s9] =	ssyncadd.s32 $0xFFFFD800  }
0x14: {  	[tilespmem:s10], [sflag:$0x2] =	stream.linear.gather [hbm4b:s4+s3], $0x4000, $0x38;
	[tilespmem:$0x1A600] =	vst v63  }
0x15: {  	_ =	swait.ge [sflag:s9], $0x4000  }
0x16: {  	[sflag:s9] =	ssyncset.done $0x0  }
0x17: {  	[sflag:s9] =	ssyncadd.s32 $0xFFFFC000  }
0x18: {  	[spmem:s12], [sflag:s11] =	dma.local [hbm:s6], $0x2780  }
0x19: {  	_ =	swait.ge [sflag:s9], $0x2780  }
0x1a: {  	[sflag:s9] =	ssyncset.done $0x0  }
0x1b: {  	[sflag:s9] =	ssyncadd.s32 $0xFFFFD880  }
0x1c: {  	s20 =	simm.s32 $0x0;
	[bflag:$0x0] =	sbarrier.arrive $0xFFFF  }
0x1d: {  	v0 =	vld [tilespmem:s20+$0x0];
	_ =	sdelay $0x4  }
0x1e: {  	[tilespmem:$0x6800] =	vst v0  }
0x1f: {  	v0 =	vld [tilespmem:s20+$0x10];
	_ =	sdelay $0x4  }
0x20: {  	[tilespmem:$0x6810] =	vst v0  }
0x21: {  	v0 =	vld [tilespmem:s20+$0x20];
	_ =	sdelay $0x4  }
0x22: {  	[tilespmem:$0x6820] =	vst v0  }
0x23: {  	v0 =	vld [tilespmem:s20+$0x30];
	_ =	sdelay $0x4  }
0x24: {  	[tilespmem:$0x6830] =	vst v0  }
0x25: {  	v0 =	vld [tilespmem:s20+$0x40];
	_ =	sdelay $0x4  }
0x26: {  	[tilespmem:$0x6840] =	vst v0  }
0x27: {  	v0 =	vld [tilespmem:s20+$0x50];
	_ =	sdelay $0x4  }
0x28: {  	[tilespmem:$0x6850] =	vst v0  }
0x29: {  	v0 =	vld [tilespmem:s20+$0x60];
	_ =	sdelay $0x4  }
0x2a: {  	[tilespmem:$0x6860] =	vst v0  }
0x2b: {  	v0 =	vld [tilespmem:s20+$0x70];
	_ =	sdelay $0x4  }
0x2c: {  	[tilespmem:$0x6870] =	vst v0  }
0x2d: {  	[spmem:s2] =	stream.indirect.scatter.add.f32 [tilespmem:s10], [sflag:$0x1], $0x80, s14, s13, $0xb8;
	[tilespmem:$0x1A600] =	vst v63  }
0x2e: {  	v0 =	vld [tilespmem:s20+$0x80];
	_ =	sdelay $0x4  }
0x2f: {  	[tilespmem:$0x6880] =	vst v0  }
0x30: {  	v0 =	vld [tilespmem:s20+$0x90];
	_ =	sdelay $0x4  }
0x31: {  	[tilespmem:$0x6890] =	vst v0  }
0x32: {  	v0 =	vld [tilespmem:s20+$0xA0];
	_ =	sdelay $0x4  }
0x33: {  	[tilespmem:$0x68A0] =	vst v0  }
0x34: {  	v0 =	vld [tilespmem:s20+$0xB0];
	_ =	sdelay $0x4  }
0x35: {  	[tilespmem:$0x68B0] =	vst v0  }
0x36: {  	v0 =	vld [tilespmem:s20+$0xC0];
	_ =	sdelay $0x4  }
0x37: {  	[tilespmem:$0x68C0] =	vst v0  }
0x38: {  	v0 =	vld [tilespmem:s20+$0xD0];
	_ =	sdelay $0x4  }
0x39: {  	[tilespmem:$0x68D0] =	vst v0  }
0x3a: {  	v0 =	vld [tilespmem:s20+$0xE0];
	_ =	sdelay $0x4  }
0x3b: {  	[tilespmem:$0x68E0] =	vst v0  }
0x3c: {  	v0 =	vld [tilespmem:s20+$0xF0];
	_ =	sdelay $0x4  }
0x3d: {  	[tilespmem:$0x68F0] =	vst v0  }
0x3e: {  	[spmem:s2] =	stream.indirect.scatter.add.f32 [tilespmem:s10], [sflag:$0x1], $0x80, s15, s13, $0xb8;
	[tilespmem:$0x1A600] =	vst v63  }
0x3f: {  	v0 =	vld [tilespmem:s20+$0x100];
	_ =	sdelay $0x4  }
0x40: {  	[tilespmem:$0x6900] =	vst v0  }
0x41: {  	v0 =	vld [tilespmem:s20+$0x110];
	_ =	sdelay $0x4  }
0x42: {  	[tilespmem:$0x6910] =	vst v0  }
0x43: {  	v0 =	vld [tilespmem:s20+$0x120];
	_ =	sdelay $0x4  }
0x44: {  	[tilespmem:$0x6920] =	vst v0  }
0x45: {  	v0 =	vld [tilespmem:s20+$0x130];
	_ =	sdelay $0x4  }
0x46: {  	[tilespmem:$0x6930] =	vst v0  }
0x47: {  	v0 =	vld [tilespmem:s20+$0x140];
	_ =	sdelay $0x4  }
0x48: {  	[tilespmem:$0x6940] =	vst v0  }
0x49: {  	v0 =	vld [tilespmem:s20+$0x150];
	_ =	sdelay $0x4  }
0x4a: {  	[tilespmem:$0x6950] =	vst v0  }
0x4b: {  	v0 =	vld [tilespmem:s20+$0x160];
	_ =	sdelay $0x4  }
0x4c: {  	[tilespmem:$0x6960] =	vst v0  }
0x4d: {  	v0 =	vld [tilespmem:s20+$0x170];
	_ =	sdelay $0x4  }
0x4e: {  	[tilespmem:$0x6970] =	vst v0  }
0x4f: {  	[spmem:s2] =	stream.indirect.scatter.add.f32 [tilespmem:s10], [sflag:$0x1], $0x80, s16, s13, $0xb8;
	[tilespmem:$0x1A600] =	vst v63  }
0x50: {  	v0 =	vld [tilespmem:s20+$0x180];
	_ =	sdelay $0x4  }
0x51: {  	[tilespmem:$0x6980] =	vst v0  }
0x52: {  	v0 =	vld [tilespmem:s20+$0x190];
	_ =	sdelay $0x4  }
0x53: {  	[tilespmem:$0x6990] =	vst v0  }
0x54: {  	v0 =	vld [tilespmem:s20+$0x1A0];
	_ =	sdelay $0x4  }
0x55: {  	[tilespmem:$0x69A0] =	vst v0  }
0x56: {  	v0 =	vld [tilespmem:s20+$0x1B0];
	_ =	sdelay $0x4  }
0x57: {  	[tilespmem:$0x69B0] =	vst v0  }
0x58: {  	v0 =	vld [tilespmem:s20+$0x1C0];
	_ =	sdelay $0x4  }
0x59: {  	[tilespmem:$0x69C0] =	vst v0  }
0x5a: {  	v0 =	vld [tilespmem:s20+$0x1D0];
	_ =	sdelay $0x4  }
0x5b: {  	[tilespmem:$0x69D0] =	vst v0  }
0x5c: {  	v0 =	vld [tilespmem:s20+$0x1E0];
	_ =	sdelay $0x4  }
0x5d: {  	[tilespmem:$0x69E0] =	vst v0  }
0x5e: {  	v0 =	vld [tilespmem:s20+$0x1F0];
	_ =	sdelay $0x4  }
0x5f: {  	[tilespmem:$0x69F0] =	vst v0  }
0x60: {  	[spmem:s2] =	stream.indirect.scatter.add.f32 [tilespmem:s10], [sflag:$0x1], $0x80, s17, s13, $0xb8;
	[tilespmem:$0x1A600] =	vst v63  }
0x61: {  	_ =	swait.ge [sflag:s18], $0x4000  }
0x62: {  	[sflag:s18] =	ssyncset.done $0x0  }
0x63: {  	[sflag:s18] =	ssyncadd.s32 $0xFFFFC000  }
0x64: {  	_ =	swait.ge [sflag:s18], $0x4000  }
0x65: {  	[sflag:s18] =	ssyncset.done $0x0  }
0x66: {  	[sflag:s18] =	ssyncadd.s32 $0xFFFFC000  }
0x67: {  	_ =	swait.ge [sflag:s18], $0x4000  }
0x68: {  	[sflag:s18] =	ssyncset.done $0x0  }
0x69: {  	[sflag:s18] =	ssyncadd.s32 $0xFFFFC000  }
0x6a: {  	_ =	swait.ge [sflag:s18], $0x4000  }
0x6b: {  	s23 =	simm.s32 $0x1000;
	s20 =	simm.s32 $0x800;
	[sflag:s18] =	ssyncset.done $0x0  }
.LBB2_2:
0x6c: {  	s22 =	sshra.s32 s20, $0x2  }
0x6d: {  	[sflag:s18] =	ssyncadd.s32 $0xFFFFC000;
	s20 =	smov.u32 s23;
	s21 =	sadd.s32 $0x800, s23  }
0x6e: {  	p0 =	sne.s32 s23, $0x9800;
	v0 =	vld [tilespmem:s22+$0x0];
	_ =	sdelay $0x4  }
0x6f: {  	[tilespmem:$0x6800] =	vst v0  }
0x70: {  	v0 =	vld [tilespmem:s22+$0x10];
	_ =	sdelay $0x4  }
0x71: {  	[tilespmem:$0x6810] =	vst v0  }
0x72: {  	v0 =	vld [tilespmem:s22+$0x20];
	_ =	sdelay $0x4  }
0x73: {  	[tilespmem:$0x6820] =	vst v0  }
0x74: {  	v0 =	vld [tilespmem:s22+$0x30];
	_ =	sdelay $0x4  }
0x75: {  	[tilespmem:$0x6830] =	vst v0  }
0x76: {  	v0 =	vld [tilespmem:s22+$0x40];
	_ =	sdelay $0x4  }
0x77: {  	[tilespmem:$0x6840] =	vst v0  }
0x78: {  	v0 =	vld [tilespmem:s22+$0x50];
	_ =	sdelay $0x4  }
0x79: {  	[tilespmem:$0x6850] =	vst v0  }
0x7a: {  	v0 =	vld [tilespmem:s22+$0x60];
	_ =	sdelay $0x4  }
0x7b: {  	[tilespmem:$0x6860] =	vst v0  }
0x7c: {  	v0 =	vld [tilespmem:s22+$0x70];
	_ =	sdelay $0x4  }
0x7d: {  	[tilespmem:$0x6870] =	vst v0  }
0x7e: {  	[spmem:s2] =	stream.indirect.scatter.add.f32 [tilespmem:s10], [sflag:$0x1], $0x80, s14, s13, $0xb8;
	[tilespmem:$0x1A600] =	vst v63  }
0x7f: {  	v0 =	vld [tilespmem:s22+$0x80];
	_ =	sdelay $0x4  }
0x80: {  	[tilespmem:$0x6880] =	vst v0  }
0x81: {  	v0 =	vld [tilespmem:s22+$0x90];
	_ =	sdelay $0x4  }
0x82: {  	[tilespmem:$0x6890] =	vst v0  }
0x83: {  	v0 =	vld [tilespmem:s22+$0xA0];
	_ =	sdelay $0x4  }
0x84: {  	[tilespmem:$0x68A0] =	vst v0  }
0x85: {  	v0 =	vld [tilespmem:s22+$0xB0];
	_ =	sdelay $0x4  }
0x86: {  	[tilespmem:$0x68B0] =	vst v0  }
0x87: {  	v0 =	vld [tilespmem:s22+$0xC0];
	_ =	sdelay $0x4  }
0x88: {  	[tilespmem:$0x68C0] =	vst v0  }
0x89: {  	v0 =	vld [tilespmem:s22+$0xD0];
	_ =	sdelay $0x4  }
0x8a: {  	[tilespmem:$0x68D0] =	vst v0  }
0x8b: {  	v0 =	vld [tilespmem:s22+$0xE0];
	_ =	sdelay $0x4  }
0x8c: {  	[tilespmem:$0x68E0] =	vst v0  }
0x8d: {  	v0 =	vld [tilespmem:s22+$0xF0];
	_ =	sdelay $0x4  }
0x8e: {  	[tilespmem:$0x68F0] =	vst v0  }
0x8f: {  	[spmem:s2] =	stream.indirect.scatter.add.f32 [tilespmem:s10], [sflag:$0x1], $0x80, s15, s13, $0xb8;
	[tilespmem:$0x1A600] =	vst v63  }
0x90: {  	v0 =	vld [tilespmem:s22+$0x100];
	_ =	sdelay $0x4  }
0x91: {  	[tilespmem:$0x6900] =	vst v0  }
0x92: {  	v0 =	vld [tilespmem:s22+$0x110];
	_ =	sdelay $0x4  }
0x93: {  	[tilespmem:$0x6910] =	vst v0  }
0x94: {  	v0 =	vld [tilespmem:s22+$0x120];
	_ =	sdelay $0x4  }
0x95: {  	[tilespmem:$0x6920] =	vst v0  }
0x96: {  	v0 =	vld [tilespmem:s22+$0x130];
	_ =	sdelay $0x4  }
0x97: {  	[tilespmem:$0x6930] =	vst v0  }
0x98: {  	v0 =	vld [tilespmem:s22+$0x140];
	_ =	sdelay $0x4  }
0x99: {  	[tilespmem:$0x6940] =	vst v0  }
0x9a: {  	v0 =	vld [tilespmem:s22+$0x150];
	_ =	sdelay $0x4  }
0x9b: {  	[tilespmem:$0x6950] =	vst v0  }
0x9c: {  	v0 =	vld [tilespmem:s22+$0x160];
	_ =	sdelay $0x4  }
0x9d: {  	[tilespmem:$0x6960] =	vst v0  }
0x9e: {  	v0 =	vld [tilespmem:s22+$0x170];
	_ =	sdelay $0x4  }
0x9f: {  	[tilespmem:$0x6970] =	vst v0  }
0xa0: {  	[spmem:s2] =	stream.indirect.scatter.add.f32 [tilespmem:s10], [sflag:$0x1], $0x80, s16, s13, $0xb8;
	[tilespmem:$0x1A600] =	vst v63  }
0xa1: {  	v0 =	vld [tilespmem:s22+$0x180];
	_ =	sdelay $0x4  }
0xa2: {  	[tilespmem:$0x6980] =	vst v0  }
0xa3: {  	v0 =	vld [tilespmem:s22+$0x190];
	_ =	sdelay $0x4  }
0xa4: {  	[tilespmem:$0x6990] =	vst v0  }
0xa5: {  	v0 =	vld [tilespmem:s22+$0x1A0];
	_ =	sdelay $0x4  }
0xa6: {  	[tilespmem:$0x69A0] =	vst v0  }
0xa7: {  	v0 =	vld [tilespmem:s22+$0x1B0];
	_ =	sdelay $0x4  }
0xa8: {  	[tilespmem:$0x69B0] =	vst v0  }
0xa9: {  	v0 =	vld [tilespmem:s22+$0x1C0];
	_ =	sdelay $0x4  }
0xaa: {  	[tilespmem:$0x69C0] =	vst v0  }
0xab: {  	v0 =	vld [tilespmem:s22+$0x1D0];
	_ =	sdelay $0x4  }
0xac: {  	[tilespmem:$0x69D0] =	vst v0  }
0xad: {  	v0 =	vld [tilespmem:s22+$0x1E0];
	_ =	sdelay $0x4  }
0xae: {  	[tilespmem:$0x69E0] =	vst v0  }
0xaf: {  	v0 =	vld [tilespmem:s22+$0x1F0];
	_ =	sdelay $0x4  }
0xb0: {  	[tilespmem:$0x69F0] =	vst v0  }
0xb1: {  	[spmem:s2] =	stream.indirect.scatter.add.f32 [tilespmem:s10], [sflag:$0x1], $0x80, s17, s13, $0xb8;
	[tilespmem:$0x1A600] =	vst v63  }
0xb2: {  	_ =	swait.ge [sflag:s18], $0x4000  }
0xb3: {  	[sflag:s18] =	ssyncset.done $0x0  }
0xb4: {  	[sflag:s18] =	ssyncadd.s32 $0xFFFFC000  }
0xb5: {  	_ =	swait.ge [sflag:s18], $0x4000  }
0xb6: {  	[sflag:s18] =	ssyncset.done $0x0  }
0xb7: {  	[sflag:s18] =	ssyncadd.s32 $0xFFFFC000  }
.Ltmp0:
0xb8: {  	_ =	swait.ge [sflag:s18], $0x4000;
	(pc) =	sbr.rel @p0 .LBB2_2-.Ltmp0, $4  }
0xb9: {  	[sflag:s18] =	ssyncset.done $0x0  }
0xba: {  	[sflag:s18] =	ssyncadd.s32 $0xFFFFC000  }
0xbb: {  	_ =	swait.ge [sflag:s18], $0x4000  }
0xbc: {  	s23 =	smov.u32 s21;
	[sflag:s18] =	ssyncset.done $0x0  }
0xbd: {  	s20 =	sshra.s32 s20, $0x2;
	[sflag:s18] =	ssyncadd.s32 $0xFFFFC000  }
0xbe: {  	v0 =	vld [tilespmem:s20+$0x0];
	_ =	sdelay $0x4  }
0xbf: {  	[tilespmem:$0x6800] =	vst v0  }
0xc0: {  	v0 =	vld [tilespmem:s20+$0x10];
	_ =	sdelay $0x4  }
0xc1: {  	[tilespmem:$0x6810] =	vst v0  }
0xc2: {  	v0 =	vld [tilespmem:s20+$0x20];
	_ =	sdelay $0x4  }
0xc3: {  	[tilespmem:$0x6820] =	vst v0  }
0xc4: {  	v0 =	vld [tilespmem:s20+$0x30];
	_ =	sdelay $0x4  }
0xc5: {  	[tilespmem:$0x6830] =	vst v0  }
0xc6: {  	v0 =	vld [tilespmem:s20+$0x40];
	_ =	sdelay $0x4  }
0xc7: {  	[tilespmem:$0x6840] =	vst v0  }
0xc8: {  	v0 =	vld [tilespmem:s20+$0x50];
	_ =	sdelay $0x4  }
0xc9: {  	[tilespmem:$0x6850] =	vst v0  }
0xca: {  	v0 =	vld [tilespmem:s20+$0x60];
	_ =	sdelay $0x4  }
0xcb: {  	[tilespmem:$0x6860] =	vst v0  }
0xcc: {  	v0 =	vld [tilespmem:s20+$0x70];
	_ =	sdelay $0x4  }
0xcd: {  	[tilespmem:$0x6870] =	vst v0  }
0xce: {  	[spmem:s2] =	stream.indirect.scatter.add.f32 [tilespmem:s10], [sflag:$0x1], $0x80, s14, s13, $0xb8;
	[tilespmem:$0x1A600] =	vst v63  }
0xcf: {  	v0 =	vld [tilespmem:s20+$0x80];
	_ =	sdelay $0x4  }
0xd0: {  	[tilespmem:$0x6880] =	vst v0  }
0xd1: {  	v0 =	vld [tilespmem:s20+$0x90];
	_ =	sdelay $0x4  }
0xd2: {  	[tilespmem:$0x6890] =	vst v0  }
0xd3: {  	v0 =	vld [tilespmem:s20+$0xA0];
	_ =	sdelay $0x4  }
0xd4: {  	[tilespmem:$0x68A0] =	vst v0  }
0xd5: {  	v0 =	vld [tilespmem:s20+$0xB0];
	_ =	sdelay $0x4  }
0xd6: {  	[tilespmem:$0x68B0] =	vst v0  }
0xd7: {  	v0 =	vld [tilespmem:s20+$0xC0];
	_ =	sdelay $0x4  }
0xd8: {  	[tilespmem:$0x68C0] =	vst v0  }
0xd9: {  	v0 =	vld [tilespmem:s20+$0xD0];
	_ =	sdelay $0x4  }
0xda: {  	[tilespmem:$0x68D0] =	vst v0  }
0xdb: {  	v0 =	vld [tilespmem:s20+$0xE0];
	_ =	sdelay $0x4  }
0xdc: {  	[tilespmem:$0x68E0] =	vst v0  }
0xdd: {  	v0 =	vld [tilespmem:s20+$0xF0];
	_ =	sdelay $0x4  }
0xde: {  	[tilespmem:$0x68F0] =	vst v0  }
0xdf: {  	[spmem:s2] =	stream.indirect.scatter.add.f32 [tilespmem:s10], [sflag:$0x1], $0x80, s15, s13, $0xb8;
	[tilespmem:$0x1A600] =	vst v63  }
0xe0: {  	v0 =	vld [tilespmem:s20+$0x100];
	_ =	sdelay $0x4  }
0xe1: {  	[tilespmem:$0x6900] =	vst v0  }
0xe2: {  	v0 =	vld [tilespmem:s20+$0x110];
	_ =	sdelay $0x4  }
0xe3: {  	[tilespmem:$0x6910] =	vst v0  }
0xe4: {  	v0 =	vld [tilespmem:s20+$0x120];
	_ =	sdelay $0x4  }
0xe5: {  	[tilespmem:$0x6920] =	vst v0  }
0xe6: {  	v0 =	vld [tilespmem:s20+$0x130];
	_ =	sdelay $0x4  }
0xe7: {  	[tilespmem:$0x6930] =	vst v0  }
0xe8: {  	v0 =	vld [tilespmem:s20+$0x140];
	_ =	sdelay $0x4  }
0xe9: {  	[tilespmem:$0x6940] =	vst v0  }
0xea: {  	v0 =	vld [tilespmem:s20+$0x150];
	_ =	sdelay $0x4  }
0xeb: {  	[tilespmem:$0x6950] =	vst v0  }
0xec: {  	v0 =	vld [tilespmem:s20+$0x160];
	_ =	sdelay $0x4  }
0xed: {  	[tilespmem:$0x6960] =	vst v0  }
0xee: {  	v0 =	vld [tilespmem:s20+$0x170];
	_ =	sdelay $0x4  }
0xef: {  	[tilespmem:$0x6970] =	vst v0  }
0xf0: {  	[spmem:s2] =	stream.indirect.scatter.add.f32 [tilespmem:s10], [sflag:$0x1], $0x80, s16, s13, $0xb8;
	[tilespmem:$0x1A600] =	vst v63  }
0xf1: {  	v0 =	vld [tilespmem:s20+$0x180];
	_ =	sdelay $0x4  }
0xf2: {  	[tilespmem:$0x6980] =	vst v0  }
0xf3: {  	v0 =	vld [tilespmem:s20+$0x190];
	_ =	sdelay $0x4  }
0xf4: {  	[tilespmem:$0x6990] =	vst v0  }
0xf5: {  	v0 =	vld [tilespmem:s20+$0x1A0];
	_ =	sdelay $0x4  }
0xf6: {  	[tilespmem:$0x69A0] =	vst v0  }
0xf7: {  	v0 =	vld [tilespmem:s20+$0x1B0];
	_ =	sdelay $0x4  }
0xf8: {  	[tilespmem:$0x69B0] =	vst v0  }
0xf9: {  	v0 =	vld [tilespmem:s20+$0x1C0];
	_ =	sdelay $0x4  }
0xfa: {  	[tilespmem:$0x69C0] =	vst v0  }
0xfb: {  	v0 =	vld [tilespmem:s20+$0x1D0];
	_ =	sdelay $0x4  }
0xfc: {  	[tilespmem:$0x69D0] =	vst v0  }
0xfd: {  	v0 =	vld [tilespmem:s20+$0x1E0];
	_ =	sdelay $0x4  }
0xfe: {  	[tilespmem:$0x69E0] =	vst v0  }
0xff: {  	v0 =	vld [tilespmem:s20+$0x1F0];
	_ =	sdelay $0x4  }
0x100: {  	[tilespmem:$0x69F0] =	vst v0  }
0x101: {  	[spmem:s2] =	stream.indirect.scatter.add.f32 [tilespmem:s10], [sflag:$0x1], $0x80, s17, s13, $0xb8;
	[tilespmem:$0x1A600] =	vst v63  }
0x102: {  	_ =	swait.ge [sflag:s18], $0x4000  }
0x103: {  	[sflag:s18] =	ssyncset.done $0x0  }
0x104: {  	[sflag:s18] =	ssyncadd.s32 $0xFFFFC000  }
0x105: {  	_ =	swait.ge [sflag:s18], $0x4000  }
0x106: {  	[sflag:s18] =	ssyncset.done $0x0  }
0x107: {  	[sflag:s18] =	ssyncadd.s32 $0xFFFFC000  }
0x108: {  	_ =	swait.ge [sflag:s18], $0x4000  }
0x109: {  	[sflag:s18] =	ssyncset.done $0x0  }
0x10a: {  	[sflag:s18] =	ssyncadd.s32 $0xFFFFC000  }
0x10b: {  	_ =	swait.ge [sflag:s18], $0x4000  }
0x10c: {  	s19 =	sadd.s32 $0x1, s19;
	[sflag:s18] =	ssyncset.done $0x0  }
0x10d: {  	p0 =	sne.s32 s19, s8;
	[sflag:s18] =	ssyncadd.s32 $0xFFFFC000  }
.Ltmp1:
0x10e: {  	[bflag:$0x0] =	sbarrier.arrive $0xFFFF;
	(pc) =	sbr.rel @p0 .LBB2_1-.Ltmp1, $4  }
0x10f: {  	[hbm:s7], [sflag:s11] =	dma.local [spmem:s12], $0x2780  }
0x110: {  	_ =	swait.ge [sflag:s9], $0x2780  }
0x111: {  	[sflag:s9] =	ssyncset.done $0x0  }
0x112: {  	[sflag:s9] =	ssyncadd.s32 $0xFFFFD880  }
0x113: {  	_ =	sfence.sel $0x180000  }
0x114: {  	[bflag:$0x0] =	sbarrier.arrive $0xFFFF  }
0x115: {  	p0 =	sne.s32 s0, $0x0;
	_ =	strace $0x90000047  }
0x116: {  	s0 =	sadd.s32 @!p0 $0x100000, s1;
	[bflag:$0x2] =	sbarrier.arrive $0xFFFF  }
0x117: {  	[sflag:s0] =	ssyncadd.tile.s32 @!p0 $0x1;
	_ =	shalt  }
.Lfunc_end2:
_tile_overlayer_lowered:
.L_overlay_start_2:
0x118: {  	(tag) =	ssettag $0x2  }
0x119: {  	s0 =	rddreg [dreg:$0x0];
	s2 =	stileid.u32  }
0x11a: {  	s1 =	rddreg [dreg:$0x1];
	p0 =	sne.s32 s2, $0x0  }
0x11b: {  	s3 =	rddreg [dreg:$0x2];
	[bflag:$0x3] =	sbarrier.arrive $0xFFFF;
	s2 =	simm.s32 @!p0 $0x1C02  }
0x11c: {  	[timem:s3], [sflag:s2] =	dma.local @!p0 [hbm:s0], s1  }
0x11d: {  	s0 =	simm.s32 @!p0 $0x2  }
0x11e: {  	_ =	swait.ge @!p0 [sflag:s0], s1  }
0x11f: {  	s1 =	ssub.s32 @!p0 $0x0, s1;
	[sflag:s0] =	ssyncset.done @!p0 $0x0  }
0x120: {  	[sflag:s0] =	ssyncadd.s32 @!p0 s1  }
0x121: {  	[bflag:$0x3] =	sbarrier.arrive $0xFFFF  }
0x122: {  	_ =	shalt  }

</sc_bundles>
